<compile_context>
chip_gen: v7x
topology: tpu7x:2x2x1
jax: 0.10.2.dev20260603
libtpu: 0.0.44.dev20260713+nightly
codegen_flags: <defaults>
</compile_context>

<pallas_src>
import functools

import jax
import jax.numpy as jnp
from jax import lax
from jax.experimental import pallas as pl
from jax.experimental.pallas import tpu as pltpu
from jax.experimental.pallas import tpu_sc as plsc

_MAX_SEQ_LEN = 8192
_DIM = 1024
_N = 32768

_NC = 2
_NS = 16
_NW = _NC * _NS
_B_PER_W = _N // _NW
_CHUNK = 16
_N_CHUNKS = _B_PER_W // _CHUNK
_NBUF = 6
_LOOK = 3


def _make_gather():
    mesh = plsc.VectorSubcoreMesh(core_axis_name="c", subcore_axis_name="s")

    @functools.partial(
        pl.kernel,
        mesh=mesh,
        out_type=jax.ShapeDtypeStruct((_N, _DIM), jnp.float32),
        scratch_types=[
            pltpu.SMEM((_B_PER_W,), jnp.int32),
            pltpu.VMEM_SHARED((_NS, _B_PER_W), jnp.int32),
            pltpu.VMEM_SHARED((_NBUF, _NS * _CHUNK, _DIM), jnp.float32),
            pltpu.SemaphoreType.DMA,
            pltpu.SemaphoreType.DMA,
            pltpu.SemaphoreType.DMA,
            pltpu.SemaphoreType.DMA,
            pltpu.SemaphoreType.DMA,
            pltpu.SemaphoreType.DMA,
            pltpu.SemaphoreType.DMA,
            pltpu.SemaphoreType.DMA,
            pltpu.SemaphoreType.DMA,
            pltpu.SemaphoreType.DMA,
            pltpu.SemaphoreType.DMA,
            pltpu.SemaphoreType.DMA,
        ],
    )
    def gather(table_hbm, idx_hbm, out_hbm, idx_s, idx_sp, sp,
               gsem0, gsem1, gsem2, gsem3, gsem4, gsem5,
               osem0, osem1, osem2, osem3, osem4, osem5):
        gsems = (gsem0, gsem1, gsem2, gsem3, gsem4, gsem5)
        osems = (osem0, osem1, osem2, osem3, osem4, osem5)
        cid = lax.axis_index("c")
        sid = lax.axis_index("s")
        wid = sid * _NC + cid
        base = wid * _B_PER_W
        slot = sid * _CHUNK
        pltpu.sync_copy(idx_hbm.at[wid], idx_sp.at[sid])
        pltpu.sync_copy(idx_sp.at[sid], idx_s)

        def g_start(j, b):
            def row(k, carry):
                i = idx_s[j * _CHUNK + k]
                pltpu.async_copy(
                    table_hbm.at[pl.ds(i, 1)],
                    sp.at[b, pl.ds(slot + k, 1)], gsems[b])
                return carry
            lax.fori_loop(0, _CHUNK, row, 0)

        def g_wait(j, b):
            def row(k, carry):
                pltpu.make_async_copy(
                    table_hbm.at[pl.ds(0, 1)],
                    sp.at[b, pl.ds(slot + k, 1)], gsems[b]).wait()
                return carry
            lax.fori_loop(0, _CHUNK, row, 0)

        def o_start(j, b):
            pltpu.async_copy(
                sp.at[b, pl.ds(slot, _CHUNK)],
                out_hbm.at[pl.ds(base + j * _CHUNK, _CHUNK)], osems[b])

        def o_wait(j, b):
            pltpu.make_async_copy(
                sp.at[b, pl.ds(slot, _CHUNK)],
                out_hbm.at[pl.ds(base + j * _CHUNK, _CHUNK)], osems[b]).wait()

        for s in range(_LOOK):
            g_start(s, s % _NBUF)
        for s in range(_LOOK):
            b = s % _NBUF
            g_wait(s, b)
            o_start(s, b)
            g_start(s + _LOOK, (s + _LOOK) % _NBUF)

        first_steady = _LOOK
        last_steady = _N_CHUNKS - 1 - _LOOK
        n_steady = last_steady - first_steady + 1
        n_unrolled = (n_steady // _NBUF) * _NBUF

        def body(u, carry):
            for v in range(_NBUF):
                s = first_steady + _NBUF * u + v
                b = (first_steady + v) % _NBUF
                g_wait(s, b)
                o_start(s, b)
                o_wait(s - _LOOK, (first_steady + v - _LOOK) % _NBUF)
                g_start(s + _LOOK, (first_steady + v + _LOOK) % _NBUF)
            return carry

        lax.fori_loop(0, n_unrolled // _NBUF, body, 0)
        for s in range(first_steady + n_unrolled, _N_CHUNKS):
            b = s % _NBUF
            g_wait(s, b)
            o_start(s, b)
            o_wait(s - _LOOK, (s - _LOOK) % _NBUF)
            if s + _LOOK < _N_CHUNKS:
                g_start(s + _LOOK, (s + _LOOK) % _NBUF)
        for s in range(_N_CHUNKS - _LOOK, _N_CHUNKS):
            o_wait(s, s % _NBUF)

    return gather


_gather = _make_gather()


def kernel(seq_len_or_indices, embedding):
    idx = seq_len_or_indices.astype(jnp.int32).reshape(_NW, _B_PER_W)
    table = embedding.reshape(_MAX_SEQ_LEN, _DIM)
    return _gather(table, idx)

# --- scband reference (transcript-rebuilt; emitter-appended) ---
"""Pipeline reference for scband-learned-positional-embedding-69973607186864 (READ-ONLY COPY).

The authoritative reference and input builder live on the scoring server;
editing this copy changes nothing except your own understanding.
"""

import jax, jax.numpy as jnp
import numpy as np

MAX_SEQ_LEN = 8192
DIM = 1024
N_INDICES = 32768

def _trunc_normal(key, shape, std=0.02, dtype=jnp.float32):
    # approximate trunc_normal_(std=0.02) with clipped normal at +/-2 std
    x = jax.random.truncated_normal(key, -2.0, 2.0, shape, dtype) * std
    return x

def setup_inputs(seed: int = 0) -> dict:
    key = jax.random.key(seed)
    k1, k2 = jax.random.split(key)
    indices = jax.random.randint(k1, (N_INDICES,), 0, MAX_SEQ_LEN, dtype=jnp.int64) if jax.config.jax_enable_x64 else jax.random.randint(k1, (N_INDICES,), 0, MAX_SEQ_LEN, dtype=jnp.int32)
    embedding = _trunc_normal(k2, (1, MAX_SEQ_LEN, DIM))
    return {"seq_len_or_indices": indices, "embedding": embedding}

def reference(seq_len_or_indices, embedding):
    indices = jnp.clip(seq_len_or_indices, 0, MAX_SEQ_LEN - 1)
    # gather rows of the positional table: embedding[0, indices, :] -> [N, dim]
    return jnp.take(embedding[0], indices, axis=0)

if __name__ == "__main__":
    import jax
    _d = setup_inputs()
    print(jax.jit(kernel)(*tuple(_d.values())))

</pallas_src>

<mosaic_0001>
#map = affine_map<(d0, d1) -> (0, 0)>
module attributes {stable_mosaic.version = 14 : i64} {
  func.func @gather(%arg0: i32, %arg1: i32, %arg2: memref<8192x1024xf32, #tpu.memory_space<hbm>>, %arg3: memref<32x1024xi32, #tpu.memory_space<hbm>>, %arg4: memref<32768x1024xf32, #tpu.memory_space<hbm>>, %arg5: memref<1024xi32, #tpu.memory_space<smem>>, %arg6: memref<16x1024xi32, #tpu.memory_space<vmem_shared>>, %arg7: memref<6x256x1024xf32, #tpu.memory_space<vmem_shared>>, %arg8: memref<!tpu.dma_semaphore, #tpu.memory_space<semaphore_mem>>, %arg9: memref<!tpu.dma_semaphore, #tpu.memory_space<semaphore_mem>>, %arg10: memref<!tpu.dma_semaphore, #tpu.memory_space<semaphore_mem>>, %arg11: memref<!tpu.dma_semaphore, #tpu.memory_space<semaphore_mem>>, %arg12: memref<!tpu.dma_semaphore, #tpu.memory_space<semaphore_mem>>, %arg13: memref<!tpu.dma_semaphore, #tpu.memory_space<semaphore_mem>>, %arg14: memref<!tpu.dma_semaphore, #tpu.memory_space<semaphore_mem>>, %arg15: memref<!tpu.dma_semaphore, #tpu.memory_space<semaphore_mem>>, %arg16: memref<!tpu.dma_semaphore, #tpu.memory_space<semaphore_mem>>, %arg17: memref<!tpu.dma_semaphore, #tpu.memory_space<semaphore_mem>>, %arg18: memref<!tpu.dma_semaphore, #tpu.memory_space<semaphore_mem>>, %arg19: memref<!tpu.dma_semaphore, #tpu.memory_space<semaphore_mem>>) attributes {dimension_semantics = [#tpu.dimension_semantics<core_parallel>, #tpu.dimension_semantics<subcore_parallel>], iteration_bounds = array<i64: 2, 16>, scalar_prefetch = 0 : i64, scratch_operands = 15 : i64, tpu.core_type = #tpu.core_type<sc_vector_subcore>, window_params = [{transform_indices = #map}, {transform_indices = #map}, {transform_indices = #map}]} {
    %mul3A = arith.constant 2 : i32
    %mul3A_0 = arith.muli %arg1, %mul3A : i32
    %add3A = arith.addi %mul3A_0, %arg0 : i32
    %mul3A_1 = arith.constant 1024 : i32
    %mul3A_2 = arith.muli %add3A, %mul3A_1 : i32
    %mul3A_3 = arith.constant 16 : i32
    %mul3A_4 = arith.muli %arg1, %mul3A_3 : i32
    "tpu.region"() ({
      %run_scoped3A = tpu.sem_alloc : memref<!tpu.dma_semaphore, #tpu.memory_space<semaphore_mem>>
      %dma_start3A_288 = arith.constant 0 : i32
      %dma_start3A_289 = tpu.memref_slice %arg6[%arg1, %dma_start3A_288] : memref<16x1024xi32, #tpu.memory_space<vmem_shared>> -> memref<1x1024xi32, #tpu.memory_space<vmem_shared>>
      %dma_start3A_290 = tpu.memref_squeeze %dma_start3A_289 : memref<1x1024xi32, #tpu.memory_space<vmem_shared>> -> memref<1024xi32, #tpu.memory_space<vmem_shared>>
      %dma_start3A_291 = arith.constant 0 : i32
      %dma_start3A_292 = tpu.memref_slice %arg3[%add3A, %dma_start3A_291] : memref<32x1024xi32, #tpu.memory_space<hbm>> -> memref<1x1024xi32, #tpu.memory_space<hbm>>
      %dma_start3A_293 = tpu.memref_squeeze %dma_start3A_292 : memref<1x1024xi32, #tpu.memory_space<hbm>> -> memref<1024xi32, #tpu.memory_space<hbm>>
      tpu.enqueue_dma source(%dma_start3A_293 : memref<1024xi32, #tpu.memory_space<hbm>>) target(%dma_start3A_290 : memref<1024xi32, #tpu.memory_space<vmem_shared>>) target_semaphore(%run_scoped3A : memref<!tpu.dma_semaphore, #tpu.memory_space<semaphore_mem>>)
      %dma_wait3A_294 = arith.constant 0 : i32
      %dma_wait3A_295 = tpu.memref_slice %arg6[%arg1, %dma_wait3A_294] : memref<16x1024xi32, #tpu.memory_space<vmem_shared>> -> memref<1x1024xi32, #tpu.memory_space<vmem_shared>>
      %dma_wait3A_296 = tpu.memref_squeeze %dma_wait3A_295 : memref<1x1024xi32, #tpu.memory_space<vmem_shared>> -> memref<1024xi32, #tpu.memory_space<vmem_shared>>
      %dma_wait3A_297 = arith.constant 0 : i32
      %dma_wait3A_298 = tpu.memref_slice %arg3[%add3A, %dma_wait3A_297] : memref<32x1024xi32, #tpu.memory_space<hbm>> -> memref<1x1024xi32, #tpu.memory_space<hbm>>
      %dma_wait3A_299 = tpu.memref_squeeze %dma_wait3A_298 : memref<1x1024xi32, #tpu.memory_space<hbm>> -> memref<1024xi32, #tpu.memory_space<hbm>>
      tpu.wait_dma2 semaphore(%run_scoped3A : memref<!tpu.dma_semaphore, #tpu.memory_space<semaphore_mem>>) src(%dma_wait3A_299 : memref<1024xi32, #tpu.memory_space<hbm>>) dst(%dma_wait3A_296 : memref<1024xi32, #tpu.memory_space<vmem_shared>>)
      tpu.yield
    }) : () -> ()
    "tpu.region"() ({
      %run_scoped3A = tpu.sem_alloc : memref<!tpu.dma_semaphore, #tpu.memory_space<semaphore_mem>>
      %dma_start3A_288 = arith.constant 0 : i32
      %dma_start3A_289 = tpu.memref_slice %arg6[%arg1, %dma_start3A_288] : memref<16x1024xi32, #tpu.memory_space<vmem_shared>> -> memref<1x1024xi32, #tpu.memory_space<vmem_shared>>
      %dma_start3A_290 = tpu.memref_squeeze %dma_start3A_289 : memref<1x1024xi32, #tpu.memory_space<vmem_shared>> -> memref<1024xi32, #tpu.memory_space<vmem_shared>>
      tpu.enqueue_dma source(%dma_start3A_290 : memref<1024xi32, #tpu.memory_space<vmem_shared>>) target(%arg5 : memref<1024xi32, #tpu.memory_space<smem>>) target_semaphore(%run_scoped3A : memref<!tpu.dma_semaphore, #tpu.memory_space<semaphore_mem>>)
      %dma_wait3A_291 = arith.constant 0 : i32
      %dma_wait3A_292 = tpu.memref_slice %arg6[%arg1, %dma_wait3A_291] : memref<16x1024xi32, #tpu.memory_space<vmem_shared>> -> memref<1x1024xi32, #tpu.memory_space<vmem_shared>>
      %dma_wait3A_293 = tpu.memref_squeeze %dma_wait3A_292 : memref<1x1024xi32, #tpu.memory_space<vmem_shared>> -> memref<1024xi32, #tpu.memory_space<vmem_shared>>
      tpu.wait_dma2 semaphore(%run_scoped3A : memref<!tpu.dma_semaphore, #tpu.memory_space<semaphore_mem>>) src(%dma_wait3A_293 : memref<1024xi32, #tpu.memory_space<vmem_shared>>) dst(%arg5 : memref<1024xi32, #tpu.memory_space<smem>>)
      tpu.yield
    }) : () -> ()
    %scan3A = arith.constant 0 : i32
    %scan3A_5 = arith.constant 0 : i32
    %scan3A_6 = arith.constant 16 : i32
    %scan3A_7 = arith.addi %scan3A_5, %scan3A_6 : i32
    %scan3A_8 = arith.constant 1 : i32
    scf.for %scan3A_288 = %scan3A_5 to %scan3A_7 step %scan3A_8  : i32 {
      %add3A_289 = arith.constant 0 : i32
      %add3A_290 = arith.addi %add3A_289, %scan3A_288 : i32
      %get3A = arith.index_cast %add3A_290 : i32 to index
      %get3A_291 = memref.load %arg5[%get3A] : memref<1024xi32, #tpu.memory_space<smem>>
      %add3A_292 = arith.addi %mul3A_4, %scan3A_288 : i32
      %dma_start3A_293 = arith.constant 0 : i32
      %dma_start3A_294 = arith.constant 0 : i32
      %dma_start3A_295 = tpu.memref_slice %arg7[%dma_start3A_293, %add3A_292, %dma_start3A_294] : memref<6x256x1024xf32, #tpu.memory_space<vmem_shared>> -> memref<1x1x1024xf32, #tpu.memory_space<vmem_shared>>
      %dma_start3A_296 = tpu.memref_squeeze %dma_start3A_295 : memref<1x1x1024xf32, #tpu.memory_space<vmem_shared>> -> memref<1x1024xf32, #tpu.memory_space<vmem_shared>>
      %dma_start3A_297 = arith.constant 0 : i32
      %dma_start3A_298 = tpu.memref_slice %arg2[%get3A_291, %dma_start3A_297] : memref<8192x1024xf32, #tpu.memory_space<hbm>> -> memref<1x1024xf32, #tpu.memory_space<hbm>>
      tpu.enqueue_dma source(%dma_start3A_298 : memref<1x1024xf32, #tpu.memory_space<hbm>>) target(%dma_start3A_296 : memref<1x1024xf32, #tpu.memory_space<vmem_shared>>) target_semaphore(%arg8 : memref<!tpu.dma_semaphore, #tpu.memory_space<semaphore_mem>>)
    }
    %scan3A_9 = arith.constant 16 : i32
    %scan3A_10 = arith.constant 0 : i32
    %scan3A_11 = arith.constant 0 : i32
    %scan3A_12 = arith.constant 16 : i32
    %scan3A_13 = arith.addi %scan3A_11, %scan3A_12 : i32
    %scan3A_14 = arith.constant 1 : i32
    scf.for %scan3A_288 = %scan3A_11 to %scan3A_13 step %scan3A_14  : i32 {
      %add3A_289 = arith.constant 16 : i32
      %add3A_290 = arith.addi %add3A_289, %scan3A_288 : i32
      %get3A = arith.index_cast %add3A_290 : i32 to index
      %get3A_291 = memref.load %arg5[%get3A] : memref<1024xi32, #tpu.memory_space<smem>>
      %add3A_292 = arith.addi %mul3A_4, %scan3A_288 : i32
      %dma_start3A_293 = arith.constant 1 : i32
      %dma_start3A_294 = arith.constant 0 : i32
      %dma_start3A_295 = tpu.memref_slice %arg7[%dma_start3A_293, %add3A_292, %dma_start3A_294] : memref<6x256x1024xf32, #tpu.memory_space<vmem_shared>> -> memref<1x1x1024xf32, #tpu.memory_space<vmem_shared>>
      %dma_start3A_296 = tpu.memref_squeeze %dma_start3A_295 : memref<1x1x1024xf32, #tpu.memory_space<vmem_shared>> -> memref<1x1024xf32, #tpu.memory_space<vmem_shared>>
      %dma_start3A_297 = arith.constant 0 : i32
      %dma_start3A_298 = tpu.memref_slice %arg2[%get3A_291, %dma_start3A_297] : memref<8192x1024xf32, #tpu.memory_space<hbm>> -> memref<1x1024xf32, #tpu.memory_space<hbm>>
      tpu.enqueue_dma source(%dma_start3A_298 : memref<1x1024xf32, #tpu.memory_space<hbm>>) target(%dma_start3A_296 : memref<1x1024xf32, #tpu.memory_space<vmem_shared>>) target_semaphore(%arg9 : memref<!tpu.dma_semaphore, #tpu.memory_space<semaphore_mem>>)
    }
    %scan3A_15 = arith.constant 16 : i32
    %scan3A_16 = arith.constant 0 : i32
    %scan3A_17 = arith.constant 0 : i32
    %scan3A_18 = arith.constant 16 : i32
    %scan3A_19 = arith.addi %scan3A_17, %scan3A_18 : i32
    %scan3A_20 = arith.constant 1 : i32
    scf.for %scan3A_288 = %scan3A_17 to %scan3A_19 step %scan3A_20  : i32 {
      %add3A_289 = arith.constant 32 : i32
      %add3A_290 = arith.addi %add3A_289, %scan3A_288 : i32
      %get3A = arith.index_cast %add3A_290 : i32 to index
      %get3A_291 = memref.load %arg5[%get3A] : memref<1024xi32, #tpu.memory_space<smem>>
      %add3A_292 = arith.addi %mul3A_4, %scan3A_288 : i32
      %dma_start3A_293 = arith.constant 2 : i32
      %dma_start3A_294 = arith.constant 0 : i32
      %dma_start3A_295 = tpu.memref_slice %arg7[%dma_start3A_293, %add3A_292, %dma_start3A_294] : memref<6x256x1024xf32, #tpu.memory_space<vmem_shared>> -> memref<1x1x1024xf32, #tpu.memory_space<vmem_shared>>
      %dma_start3A_296 = tpu.memref_squeeze %dma_start3A_295 : memref<1x1x1024xf32, #tpu.memory_space<vmem_shared>> -> memref<1x1024xf32, #tpu.memory_space<vmem_shared>>
      %dma_start3A_297 = arith.constant 0 : i32
      %dma_start3A_298 = tpu.memref_slice %arg2[%get3A_291, %dma_start3A_297] : memref<8192x1024xf32, #tpu.memory_space<hbm>> -> memref<1x1024xf32, #tpu.memory_space<hbm>>
      tpu.enqueue_dma source(%dma_start3A_298 : memref<1x1024xf32, #tpu.memory_space<hbm>>) target(%dma_start3A_296 : memref<1x1024xf32, #tpu.memory_space<vmem_shared>>) target_semaphore(%arg10 : memref<!tpu.dma_semaphore, #tpu.memory_space<semaphore_mem>>)
    }
    %scan3A_21 = arith.constant 16 : i32
    %scan3A_22 = arith.constant 0 : i32
    %scan3A_23 = arith.constant 0 : i32
    %scan3A_24 = arith.constant 16 : i32
    %scan3A_25 = arith.addi %scan3A_23, %scan3A_24 : i32
    %scan3A_26 = arith.constant 1 : i32
    scf.for %scan3A_288 = %scan3A_23 to %scan3A_25 step %scan3A_26  : i32 {
      %add3A_289 = arith.addi %mul3A_4, %scan3A_288 : i32
      %dma_wait3A_290 = arith.constant 0 : i32
      %dma_wait3A_291 = arith.constant 0 : i32
      %dma_wait3A_292 = tpu.memref_slice %arg7[%dma_wait3A_290, %add3A_289, %dma_wait3A_291] : memref<6x256x1024xf32, #tpu.memory_space<vmem_shared>> -> memref<1x1x1024xf32, #tpu.memory_space<vmem_shared>>
      %dma_wait3A_293 = tpu.memref_squeeze %dma_wait3A_292 : memref<1x1x1024xf32, #tpu.memory_space<vmem_shared>> -> memref<1x1024xf32, #tpu.memory_space<vmem_shared>>
      %dma_wait3A_294 = arith.constant 0 : i32
      %dma_wait3A_295 = arith.constant 0 : i32
      %dma_wait3A_296 = tpu.memref_slice %arg2[%dma_wait3A_294, %dma_wait3A_295] : memref<8192x1024xf32, #tpu.memory_space<hbm>> -> memref<1x1024xf32, #tpu.memory_space<hbm>>
      tpu.wait_dma2 semaphore(%arg8 : memref<!tpu.dma_semaphore, #tpu.memory_space<semaphore_mem>>) src(%dma_wait3A_296 : memref<1x1024xf32, #tpu.memory_space<hbm>>) dst(%dma_wait3A_293 : memref<1x1024xf32, #tpu.memory_space<vmem_shared>>)
    }
    %scan3A_27 = arith.constant 16 : i32
    %add3A_28 = arith.constant 0 : i32
    %add3A_29 = arith.addi %mul3A_2, %add3A_28 : i32
    %dma_start3A = arith.constant 0 : i32
    %dma_start3A_30 = arith.constant 0 : i32
    %dma_start3A_31 = tpu.memref_slice %arg4[%add3A_29, %dma_start3A_30] : memref<32768x1024xf32, #tpu.memory_space<hbm>> -> memref<16x1024xf32, #tpu.memory_space<hbm>>
    %dma_start3A_32 = arith.constant 0 : i32
    %dma_start3A_33 = tpu.memref_slice %arg7[%dma_start3A, %mul3A_4, %dma_start3A_32] : memref<6x256x1024xf32, #tpu.memory_space<vmem_shared>> -> memref<1x16x1024xf32, #tpu.memory_space<vmem_shared>>
    %dma_start3A_34 = tpu.memref_squeeze %dma_start3A_33 : memref<1x16x1024xf32, #tpu.memory_space<vmem_shared>> -> memref<16x1024xf32, #tpu.memory_space<vmem_shared>>
    tpu.enqueue_dma source(%dma_start3A_34 : memref<16x1024xf32, #tpu.memory_space<vmem_shared>>) target(%dma_start3A_31 : memref<16x1024xf32, #tpu.memory_space<hbm>>) target_semaphore(%arg14 : memref<!tpu.dma_semaphore, #tpu.memory_space<semaphore_mem>>)
    %scan3A_35 = arith.constant 0 : i32
    %scan3A_36 = arith.constant 0 : i32
    %scan3A_37 = arith.constant 16 : i32
    %scan3A_38 = arith.addi %scan3A_36, %scan3A_37 : i32
    %scan3A_39 = arith.constant 1 : i32
    scf.for %scan3A_288 = %scan3A_36 to %scan3A_38 step %scan3A_39  : i32 {
      %add3A_289 = arith.constant 48 : i32
      %add3A_290 = arith.addi %add3A_289, %scan3A_288 : i32
      %get3A = arith.index_cast %add3A_290 : i32 to index
      %get3A_291 = memref.load %arg5[%get3A] : memref<1024xi32, #tpu.memory_space<smem>>
      %add3A_292 = arith.addi %mul3A_4, %scan3A_288 : i32
      %dma_start3A_293 = arith.constant 3 : i32
      %dma_start3A_294 = arith.constant 0 : i32
      %dma_start3A_295 = tpu.memref_slice %arg7[%dma_start3A_293, %add3A_292, %dma_start3A_294] : memref<6x256x1024xf32, #tpu.memory_space<vmem_shared>> -> memref<1x1x1024xf32, #tpu.memory_space<vmem_shared>>
      %dma_start3A_296 = tpu.memref_squeeze %dma_start3A_295 : memref<1x1x1024xf32, #tpu.memory_space<vmem_shared>> -> memref<1x1024xf32, #tpu.memory_space<vmem_shared>>
      %dma_start3A_297 = arith.constant 0 : i32
      %dma_start3A_298 = tpu.memref_slice %arg2[%get3A_291, %dma_start3A_297] : memref<8192x1024xf32, #tpu.memory_space<hbm>> -> memref<1x1024xf32, #tpu.memory_space<hbm>>
      tpu.enqueue_dma source(%dma_start3A_298 : memref<1x1024xf32, #tpu.memory_space<hbm>>) target(%dma_start3A_296 : memref<1x1024xf32, #tpu.memory_space<vmem_shared>>) target_semaphore(%arg11 : memref<!tpu.dma_semaphore, #tpu.memory_space<semaphore_mem>>)
    }
    %scan3A_40 = arith.constant 16 : i32
    %scan3A_41 = arith.constant 0 : i32
    %scan3A_42 = arith.constant 0 : i32
    %scan3A_43 = arith.constant 16 : i32
    %scan3A_44 = arith.addi %scan3A_42, %scan3A_43 : i32
    %scan3A_45 = arith.constant 1 : i32
    scf.for %scan3A_288 = %scan3A_42 to %scan3A_44 step %scan3A_45  : i32 {
      %add3A_289 = arith.addi %mul3A_4, %scan3A_288 : i32
      %dma_wait3A_290 = arith.constant 1 : i32
      %dma_wait3A_291 = arith.constant 0 : i32
      %dma_wait3A_292 = tpu.memref_slice %arg7[%dma_wait3A_290, %add3A_289, %dma_wait3A_291] : memref<6x256x1024xf32, #tpu.memory_space<vmem_shared>> -> memref<1x1x1024xf32, #tpu.memory_space<vmem_shared>>
      %dma_wait3A_293 = tpu.memref_squeeze %dma_wait3A_292 : memref<1x1x1024xf32, #tpu.memory_space<vmem_shared>> -> memref<1x1024xf32, #tpu.memory_space<vmem_shared>>
      %dma_wait3A_294 = arith.constant 0 : i32
      %dma_wait3A_295 = arith.constant 0 : i32
      %dma_wait3A_296 = tpu.memref_slice %arg2[%dma_wait3A_294, %dma_wait3A_295] : memref<8192x1024xf32, #tpu.memory_space<hbm>> -> memref<1x1024xf32, #tpu.memory_space<hbm>>
      tpu.wait_dma2 semaphore(%arg9 : memref<!tpu.dma_semaphore, #tpu.memory_space<semaphore_mem>>) src(%dma_wait3A_296 : memref<1x1024xf32, #tpu.memory_space<hbm>>) dst(%dma_wait3A_293 : memref<1x1024xf32, #tpu.memory_space<vmem_shared>>)
    }
    %scan3A_46 = arith.constant 16 : i32
    %add3A_47 = arith.constant 16 : i32
    %add3A_48 = arith.addi %mul3A_2, %add3A_47 : i32
    %dma_start3A_49 = arith.constant 1 : i32
    %dma_start3A_50 = arith.constant 0 : i32
    %dma_start3A_51 = tpu.memref_slice %arg4[%add3A_48, %dma_start3A_50] : memref<32768x1024xf32, #tpu.memory_space<hbm>> -> memref<16x1024xf32, #tpu.memory_space<hbm>>
    %dma_start3A_52 = arith.constant 0 : i32
    %dma_start3A_53 = tpu.memref_slice %arg7[%dma_start3A_49, %mul3A_4, %dma_start3A_52] : memref<6x256x1024xf32, #tpu.memory_space<vmem_shared>> -> memref<1x16x1024xf32, #tpu.memory_space<vmem_shared>>
    %dma_start3A_54 = tpu.memref_squeeze %dma_start3A_53 : memref<1x16x1024xf32, #tpu.memory_space<vmem_shared>> -> memref<16x1024xf32, #tpu.memory_space<vmem_shared>>
    tpu.enqueue_dma source(%dma_start3A_54 : memref<16x1024xf32, #tpu.memory_space<vmem_shared>>) target(%dma_start3A_51 : memref<16x1024xf32, #tpu.memory_space<hbm>>) target_semaphore(%arg15 : memref<!tpu.dma_semaphore, #tpu.memory_space<semaphore_mem>>)
    %scan3A_55 = arith.constant 0 : i32
    %scan3A_56 = arith.constant 0 : i32
    %scan3A_57 = arith.constant 16 : i32
    %scan3A_58 = arith.addi %scan3A_56, %scan3A_57 : i32
    %scan3A_59 = arith.constant 1 : i32
    scf.for %scan3A_288 = %scan3A_56 to %scan3A_58 step %scan3A_59  : i32 {
      %add3A_289 = arith.constant 64 : i32
      %add3A_290 = arith.addi %add3A_289, %scan3A_288 : i32
      %get3A = arith.index_cast %add3A_290 : i32 to index
      %get3A_291 = memref.load %arg5[%get3A] : memref<1024xi32, #tpu.memory_space<smem>>
      %add3A_292 = arith.addi %mul3A_4, %scan3A_288 : i32
      %dma_start3A_293 = arith.constant 4 : i32
      %dma_start3A_294 = arith.constant 0 : i32
      %dma_start3A_295 = tpu.memref_slice %arg7[%dma_start3A_293, %add3A_292, %dma_start3A_294] : memref<6x256x1024xf32, #tpu.memory_space<vmem_shared>> -> memref<1x1x1024xf32, #tpu.memory_space<vmem_shared>>
      %dma_start3A_296 = tpu.memref_squeeze %dma_start3A_295 : memref<1x1x1024xf32, #tpu.memory_space<vmem_shared>> -> memref<1x1024xf32, #tpu.memory_space<vmem_shared>>
      %dma_start3A_297 = arith.constant 0 : i32
      %dma_start3A_298 = tpu.memref_slice %arg2[%get3A_291, %dma_start3A_297] : memref<8192x1024xf32, #tpu.memory_space<hbm>> -> memref<1x1024xf32, #tpu.memory_space<hbm>>
      tpu.enqueue_dma source(%dma_start3A_298 : memref<1x1024xf32, #tpu.memory_space<hbm>>) target(%dma_start3A_296 : memref<1x1024xf32, #tpu.memory_space<vmem_shared>>) target_semaphore(%arg12 : memref<!tpu.dma_semaphore, #tpu.memory_space<semaphore_mem>>)
    }
    %scan3A_60 = arith.constant 16 : i32
    %scan3A_61 = arith.constant 0 : i32
    %scan3A_62 = arith.constant 0 : i32
    %scan3A_63 = arith.constant 16 : i32
    %scan3A_64 = arith.addi %scan3A_62, %scan3A_63 : i32
    %scan3A_65 = arith.constant 1 : i32
    scf.for %scan3A_288 = %scan3A_62 to %scan3A_64 step %scan3A_65  : i32 {
      %add3A_289 = arith.addi %mul3A_4, %scan3A_288 : i32
      %dma_wait3A_290 = arith.constant 2 : i32
      %dma_wait3A_291 = arith.constant 0 : i32
      %dma_wait3A_292 = tpu.memref_slice %arg7[%dma_wait3A_290, %add3A_289, %dma_wait3A_291] : memref<6x256x1024xf32, #tpu.memory_space<vmem_shared>> -> memref<1x1x1024xf32, #tpu.memory_space<vmem_shared>>
      %dma_wait3A_293 = tpu.memref_squeeze %dma_wait3A_292 : memref<1x1x1024xf32, #tpu.memory_space<vmem_shared>> -> memref<1x1024xf32, #tpu.memory_space<vmem_shared>>
      %dma_wait3A_294 = arith.constant 0 : i32
      %dma_wait3A_295 = arith.constant 0 : i32
      %dma_wait3A_296 = tpu.memref_slice %arg2[%dma_wait3A_294, %dma_wait3A_295] : memref<8192x1024xf32, #tpu.memory_space<hbm>> -> memref<1x1024xf32, #tpu.memory_space<hbm>>
      tpu.wait_dma2 semaphore(%arg10 : memref<!tpu.dma_semaphore, #tpu.memory_space<semaphore_mem>>) src(%dma_wait3A_296 : memref<1x1024xf32, #tpu.memory_space<hbm>>) dst(%dma_wait3A_293 : memref<1x1024xf32, #tpu.memory_space<vmem_shared>>)
    }
    %scan3A_66 = arith.constant 16 : i32
    %add3A_67 = arith.constant 32 : i32
    %add3A_68 = arith.addi %mul3A_2, %add3A_67 : i32
    %dma_start3A_69 = arith.constant 2 : i32
    %dma_start3A_70 = arith.constant 0 : i32
    %dma_start3A_71 = tpu.memref_slice %arg4[%add3A_68, %dma_start3A_70] : memref<32768x1024xf32, #tpu.memory_space<hbm>> -> memref<16x1024xf32, #tpu.memory_space<hbm>>
    %dma_start3A_72 = arith.constant 0 : i32
    %dma_start3A_73 = tpu.memref_slice %arg7[%dma_start3A_69, %mul3A_4, %dma_start3A_72] : memref<6x256x1024xf32, #tpu.memory_space<vmem_shared>> -> memref<1x16x1024xf32, #tpu.memory_space<vmem_shared>>
    %dma_start3A_74 = tpu.memref_squeeze %dma_start3A_73 : memref<1x16x1024xf32, #tpu.memory_space<vmem_shared>> -> memref<16x1024xf32, #tpu.memory_space<vmem_shared>>
    tpu.enqueue_dma source(%dma_start3A_74 : memref<16x1024xf32, #tpu.memory_space<vmem_shared>>) target(%dma_start3A_71 : memref<16x1024xf32, #tpu.memory_space<hbm>>) target_semaphore(%arg16 : memref<!tpu.dma_semaphore, #tpu.memory_space<semaphore_mem>>)
    %scan3A_75 = arith.constant 0 : i32
    %scan3A_76 = arith.constant 0 : i32
    %scan3A_77 = arith.constant 16 : i32
    %scan3A_78 = arith.addi %scan3A_76, %scan3A_77 : i32
    %scan3A_79 = arith.constant 1 : i32
    scf.for %scan3A_288 = %scan3A_76 to %scan3A_78 step %scan3A_79  : i32 {
      %add3A_289 = arith.constant 80 : i32
      %add3A_290 = arith.addi %add3A_289, %scan3A_288 : i32
      %get3A = arith.index_cast %add3A_290 : i32 to index
      %get3A_291 = memref.load %arg5[%get3A] : memref<1024xi32, #tpu.memory_space<smem>>
      %add3A_292 = arith.addi %mul3A_4, %scan3A_288 : i32
      %dma_start3A_293 = arith.constant 5 : i32
      %dma_start3A_294 = arith.constant 0 : i32
      %dma_start3A_295 = tpu.memref_slice %arg7[%dma_start3A_293, %add3A_292, %dma_start3A_294] : memref<6x256x1024xf32, #tpu.memory_space<vmem_shared>> -> memref<1x1x1024xf32, #tpu.memory_space<vmem_shared>>
      %dma_start3A_296 = tpu.memref_squeeze %dma_start3A_295 : memref<1x1x1024xf32, #tpu.memory_space<vmem_shared>> -> memref<1x1024xf32, #tpu.memory_space<vmem_shared>>
      %dma_start3A_297 = arith.constant 0 : i32
      %dma_start3A_298 = tpu.memref_slice %arg2[%get3A_291, %dma_start3A_297] : memref<8192x1024xf32, #tpu.memory_space<hbm>> -> memref<1x1024xf32, #tpu.memory_space<hbm>>
      tpu.enqueue_dma source(%dma_start3A_298 : memref<1x1024xf32, #tpu.memory_space<hbm>>) target(%dma_start3A_296 : memref<1x1024xf32, #tpu.memory_space<vmem_shared>>) target_semaphore(%arg13 : memref<!tpu.dma_semaphore, #tpu.memory_space<semaphore_mem>>)
    }
    %scan3A_80 = arith.constant 16 : i32
    %scan3A_81 = arith.constant 0 : i32
    %scan3A_82 = arith.constant 0 : i32
    %scan3A_83 = arith.constant 9 : i32
    %scan3A_84 = arith.addi %scan3A_82, %scan3A_83 : i32
    %scan3A_85 = arith.constant 1 : i32
    scf.for %scan3A_288 = %scan3A_82 to %scan3A_84 step %scan3A_85  : i32 {
      %mul3A_289 = arith.constant 6 : i32
      %mul3A_290 = arith.muli %mul3A_289, %scan3A_288 : i32
      %add3A_291 = arith.constant 3 : i32
      %add3A_292 = arith.addi %add3A_291, %mul3A_290 : i32
      %add3A_293 = arith.constant 0 : i32
      %add3A_294 = arith.addi %add3A_292, %add3A_293 : i32
      %scan3A_295 = arith.constant 0 : i32
      %scan3A_296 = arith.constant 0 : i32
      %scan3A_297 = arith.constant 16 : i32
      %scan3A_298 = arith.addi %scan3A_296, %scan3A_297 : i32
      %scan3A_299 = arith.constant 1 : i32
      scf.for %scan3A_528 = %scan3A_296 to %scan3A_298 step %scan3A_299  : i32 {
        %add3A_529 = arith.addi %mul3A_4, %scan3A_528 : i32
        %dma_wait3A_530 = arith.constant 3 : i32
        %dma_wait3A_531 = arith.constant 0 : i32
        %dma_wait3A_532 = tpu.memref_slice %arg7[%dma_wait3A_530, %add3A_529, %dma_wait3A_531] : memref<6x256x1024xf32, #tpu.memory_space<vmem_shared>> -> memref<1x1x1024xf32, #tpu.memory_space<vmem_shared>>
        %dma_wait3A_533 = tpu.memref_squeeze %dma_wait3A_532 : memref<1x1x1024xf32, #tpu.memory_space<vmem_shared>> -> memref<1x1024xf32, #tpu.memory_space<vmem_shared>>
        %dma_wait3A_534 = arith.constant 0 : i32
        %dma_wait3A_535 = arith.constant 0 : i32
        %dma_wait3A_536 = tpu.memref_slice %arg2[%dma_wait3A_534, %dma_wait3A_535] : memref<8192x1024xf32, #tpu.memory_space<hbm>> -> memref<1x1024xf32, #tpu.memory_space<hbm>>
        tpu.wait_dma2 semaphore(%arg11 : memref<!tpu.dma_semaphore, #tpu.memory_space<semaphore_mem>>) src(%dma_wait3A_536 : memref<1x1024xf32, #tpu.memory_space<hbm>>) dst(%dma_wait3A_533 : memref<1x1024xf32, #tpu.memory_space<vmem_shared>>)
      }
      %scan3A_300 = arith.constant 16 : i32
      %mul3A_301 = arith.constant 16 : i32
      %mul3A_302 = arith.muli %add3A_294, %mul3A_301 : i32
      %add3A_303 = arith.addi %mul3A_2, %mul3A_302 : i32
      %dma_start3A_304 = arith.constant 3 : i32
      %dma_start3A_305 = arith.constant 0 : i32
      %dma_start3A_306 = tpu.memref_slice %arg4[%add3A_303, %dma_start3A_305] : memref<32768x1024xf32, #tpu.memory_space<hbm>> -> memref<16x1024xf32, #tpu.memory_space<hbm>>
      %dma_start3A_307 = arith.constant 0 : i32
      %dma_start3A_308 = tpu.memref_slice %arg7[%dma_start3A_304, %mul3A_4, %dma_start3A_307] : memref<6x256x1024xf32, #tpu.memory_space<vmem_shared>> -> memref<1x16x1024xf32, #tpu.memory_space<vmem_shared>>
      %dma_start3A_309 = tpu.memref_squeeze %dma_start3A_308 : memref<1x16x1024xf32, #tpu.memory_space<vmem_shared>> -> memref<16x1024xf32, #tpu.memory_space<vmem_shared>>
      tpu.enqueue_dma source(%dma_start3A_309 : memref<16x1024xf32, #tpu.memory_space<vmem_shared>>) target(%dma_start3A_306 : memref<16x1024xf32, #tpu.memory_space<hbm>>) target_semaphore(%arg17 : memref<!tpu.dma_semaphore, #tpu.memory_space<semaphore_mem>>)
      %sub3A = arith.constant 3 : i32
      %sub3A_310 = arith.subi %add3A_294, %sub3A : i32
      %mul3A_311 = arith.constant 16 : i32
      %mul3A_312 = arith.muli %sub3A_310, %mul3A_311 : i32
      %add3A_313 = arith.addi %mul3A_2, %mul3A_312 : i32
      %dma_wait3A_314 = arith.constant 0 : i32
      %dma_wait3A_315 = arith.constant 0 : i32
      %dma_wait3A_316 = tpu.memref_slice %arg4[%add3A_313, %dma_wait3A_315] : memref<32768x1024xf32, #tpu.memory_space<hbm>> -> memref<16x1024xf32, #tpu.memory_space<hbm>>
      %dma_wait3A_317 = arith.constant 0 : i32
      %dma_wait3A_318 = tpu.memref_slice %arg7[%dma_wait3A_314, %mul3A_4, %dma_wait3A_317] : memref<6x256x1024xf32, #tpu.memory_space<vmem_shared>> -> memref<1x16x1024xf32, #tpu.memory_space<vmem_shared>>
      %dma_wait3A_319 = tpu.memref_squeeze %dma_wait3A_318 : memref<1x16x1024xf32, #tpu.memory_space<vmem_shared>> -> memref<16x1024xf32, #tpu.memory_space<vmem_shared>>
      tpu.wait_dma2 semaphore(%arg14 : memref<!tpu.dma_semaphore, #tpu.memory_space<semaphore_mem>>) src(%dma_wait3A_319 : memref<16x1024xf32, #tpu.memory_space<vmem_shared>>) dst(%dma_wait3A_316 : memref<16x1024xf32, #tpu.memory_space<hbm>>)
      %add3A_320 = arith.constant 3 : i32
      %add3A_321 = arith.addi %add3A_294, %add3A_320 : i32
      %scan3A_322 = arith.constant 0 : i32
      %scan3A_323 = arith.constant 0 : i32
      %scan3A_324 = arith.constant 16 : i32
      %scan3A_325 = arith.addi %scan3A_323, %scan3A_324 : i32
      %scan3A_326 = arith.constant 1 : i32
      scf.for %scan3A_528 = %scan3A_323 to %scan3A_325 step %scan3A_326  : i32 {
        %mul3A_529 = arith.constant 16 : i32
        %mul3A_530 = arith.muli %add3A_321, %mul3A_529 : i32
        %add3A_531 = arith.addi %mul3A_530, %scan3A_528 : i32
        %get3A = arith.index_cast %add3A_531 : i32 to index
        %get3A_532 = memref.load %arg5[%get3A] : memref<1024xi32, #tpu.memory_space<smem>>
        %add3A_533 = arith.addi %mul3A_4, %scan3A_528 : i32
        %dma_start3A_534 = arith.constant 0 : i32
        %dma_start3A_535 = arith.constant 0 : i32
        %dma_start3A_536 = tpu.memref_slice %arg7[%dma_start3A_534, %add3A_533, %dma_start3A_535] : memref<6x256x1024xf32, #tpu.memory_space<vmem_shared>> -> memref<1x1x1024xf32, #tpu.memory_space<vmem_shared>>
        %dma_start3A_537 = tpu.memref_squeeze %dma_start3A_536 : memref<1x1x1024xf32, #tpu.memory_space<vmem_shared>> -> memref<1x1024xf32, #tpu.memory_space<vmem_shared>>
        %dma_start3A_538 = arith.constant 0 : i32
        %dma_start3A_539 = tpu.memref_slice %arg2[%get3A_532, %dma_start3A_538] : memref<8192x1024xf32, #tpu.memory_space<hbm>> -> memref<1x1024xf32, #tpu.memory_space<hbm>>
        tpu.enqueue_dma source(%dma_start3A_539 : memref<1x1024xf32, #tpu.memory_space<hbm>>) target(%dma_start3A_537 : memref<1x1024xf32, #tpu.memory_space<vmem_shared>>) target_semaphore(%arg8 : memref<!tpu.dma_semaphore, #tpu.memory_space<semaphore_mem>>)
      }
      %scan3A_327 = arith.constant 16 : i32
      %mul3A_328 = arith.constant 6 : i32
      %mul3A_329 = arith.muli %mul3A_328, %scan3A_288 : i32
      %add3A_330 = arith.constant 3 : i32
      %add3A_331 = arith.addi %add3A_330, %mul3A_329 : i32
      %add3A_332 = arith.constant 1 : i32
      %add3A_333 = arith.addi %add3A_331, %add3A_332 : i32
      %scan3A_334 = arith.constant 0 : i32
      %scan3A_335 = arith.constant 0 : i32
      %scan3A_336 = arith.constant 16 : i32
      %scan3A_337 = arith.addi %scan3A_335, %scan3A_336 : i32
      %scan3A_338 = arith.constant 1 : i32
      scf.for %scan3A_528 = %scan3A_335 to %scan3A_337 step %scan3A_338  : i32 {
        %add3A_529 = arith.addi %mul3A_4, %scan3A_528 : i32
        %dma_wait3A_530 = arith.constant 4 : i32
        %dma_wait3A_531 = arith.constant 0 : i32
        %dma_wait3A_532 = tpu.memref_slice %arg7[%dma_wait3A_530, %add3A_529, %dma_wait3A_531] : memref<6x256x1024xf32, #tpu.memory_space<vmem_shared>> -> memref<1x1x1024xf32, #tpu.memory_space<vmem_shared>>
        %dma_wait3A_533 = tpu.memref_squeeze %dma_wait3A_532 : memref<1x1x1024xf32, #tpu.memory_space<vmem_shared>> -> memref<1x1024xf32, #tpu.memory_space<vmem_shared>>
        %dma_wait3A_534 = arith.constant 0 : i32
        %dma_wait3A_535 = arith.constant 0 : i32
        %dma_wait3A_536 = tpu.memref_slice %arg2[%dma_wait3A_534, %dma_wait3A_535] : memref<8192x1024xf32, #tpu.memory_space<hbm>> -> memref<1x1024xf32, #tpu.memory_space<hbm>>
        tpu.wait_dma2 semaphore(%arg12 : memref<!tpu.dma_semaphore, #tpu.memory_space<semaphore_mem>>) src(%dma_wait3A_536 : memref<1x1024xf32, #tpu.memory_space<hbm>>) dst(%dma_wait3A_533 : memref<1x1024xf32, #tpu.memory_space<vmem_shared>>)
      }
      %scan3A_339 = arith.constant 16 : i32
      %mul3A_340 = arith.constant 16 : i32
      %mul3A_341 = arith.muli %add3A_333, %mul3A_340 : i32
      %add3A_342 = arith.addi %mul3A_2, %mul3A_341 : i32
      %dma_start3A_343 = arith.constant 4 : i32
      %dma_start3A_344 = arith.constant 0 : i32
      %dma_start3A_345 = tpu.memref_slice %arg4[%add3A_342, %dma_start3A_344] : memref<32768x1024xf32, #tpu.memory_space<hbm>> -> memref<16x1024xf32, #tpu.memory_space<hbm>>
      %dma_start3A_346 = arith.constant 0 : i32
      %dma_start3A_347 = tpu.memref_slice %arg7[%dma_start3A_343, %mul3A_4, %dma_start3A_346] : memref<6x256x1024xf32, #tpu.memory_space<vmem_shared>> -> memref<1x16x1024xf32, #tpu.memory_space<vmem_shared>>
      %dma_start3A_348 = tpu.memref_squeeze %dma_start3A_347 : memref<1x16x1024xf32, #tpu.memory_space<vmem_shared>> -> memref<16x1024xf32, #tpu.memory_space<vmem_shared>>
      tpu.enqueue_dma source(%dma_start3A_348 : memref<16x1024xf32, #tpu.memory_space<vmem_shared>>) target(%dma_start3A_345 : memref<16x1024xf32, #tpu.memory_space<hbm>>) target_semaphore(%arg18 : memref<!tpu.dma_semaphore, #tpu.memory_space<semaphore_mem>>)
      %sub3A_349 = arith.constant 3 : i32
      %sub3A_350 = arith.subi %add3A_333, %sub3A_349 : i32
      %mul3A_351 = arith.constant 16 : i32
      %mul3A_352 = arith.muli %sub3A_350, %mul3A_351 : i32
      %add3A_353 = arith.addi %mul3A_2, %mul3A_352 : i32
      %dma_wait3A_354 = arith.constant 1 : i32
      %dma_wait3A_355 = arith.constant 0 : i32
      %dma_wait3A_356 = tpu.memref_slice %arg4[%add3A_353, %dma_wait3A_355] : memref<32768x1024xf32, #tpu.memory_space<hbm>> -> memref<16x1024xf32, #tpu.memory_space<hbm>>
      %dma_wait3A_357 = arith.constant 0 : i32
      %dma_wait3A_358 = tpu.memref_slice %arg7[%dma_wait3A_354, %mul3A_4, %dma_wait3A_357] : memref<6x256x1024xf32, #tpu.memory_space<vmem_shared>> -> memref<1x16x1024xf32, #tpu.memory_space<vmem_shared>>
      %dma_wait3A_359 = tpu.memref_squeeze %dma_wait3A_358 : memref<1x16x1024xf32, #tpu.memory_space<vmem_shared>> -> memref<16x1024xf32, #tpu.memory_space<vmem_shared>>
      tpu.wait_dma2 semaphore(%arg15 : memref<!tpu.dma_semaphore, #tpu.memory_space<semaphore_mem>>) src(%dma_wait3A_359 : memref<16x1024xf32, #tpu.memory_space<vmem_shared>>) dst(%dma_wait3A_356 : memref<16x1024xf32, #tpu.memory_space<hbm>>)
      %add3A_360 = arith.constant 3 : i32
      %add3A_361 = arith.addi %add3A_333, %add3A_360 : i32
      %scan3A_362 = arith.constant 0 : i32
      %scan3A_363 = arith.constant 0 : i32
      %scan3A_364 = arith.constant 16 : i32
      %scan3A_365 = arith.addi %scan3A_363, %scan3A_364 : i32
      %scan3A_366 = arith.constant 1 : i32
      scf.for %scan3A_528 = %scan3A_363 to %scan3A_365 step %scan3A_366  : i32 {
        %mul3A_529 = arith.constant 16 : i32
        %mul3A_530 = arith.muli %add3A_361, %mul3A_529 : i32
        %add3A_531 = arith.addi %mul3A_530, %scan3A_528 : i32
        %get3A = arith.index_cast %add3A_531 : i32 to index
        %get3A_532 = memref.load %arg5[%get3A] : memref<1024xi32, #tpu.memory_space<smem>>
        %add3A_533 = arith.addi %mul3A_4, %scan3A_528 : i32
        %dma_start3A_534 = arith.constant 1 : i32
        %dma_start3A_535 = arith.constant 0 : i32
        %dma_start3A_536 = tpu.memref_slice %arg7[%dma_start3A_534, %add3A_533, %dma_start3A_535] : memref<6x256x1024xf32, #tpu.memory_space<vmem_shared>> -> memref<1x1x1024xf32, #tpu.memory_space<vmem_shared>>
        %dma_start3A_537 = tpu.memref_squeeze %dma_start3A_536 : memref<1x1x1024xf32, #tpu.memory_space<vmem_shared>> -> memref<1x1024xf32, #tpu.memory_space<vmem_shared>>
        %dma_start3A_538 = arith.constant 0 : i32
        %dma_start3A_539 = tpu.memref_slice %arg2[%get3A_532, %dma_start3A_538] : memref<8192x1024xf32, #tpu.memory_space<hbm>> -> memref<1x1024xf32, #tpu.memory_space<hbm>>
        tpu.enqueue_dma source(%dma_start3A_539 : memref<1x1024xf32, #tpu.memory_space<hbm>>) target(%dma_start3A_537 : memref<1x1024xf32, #tpu.memory_space<vmem_shared>>) target_semaphore(%arg9 : memref<!tpu.dma_semaphore, #tpu.memory_space<semaphore_mem>>)
      }
      %scan3A_367 = arith.constant 16 : i32
      %mul3A_368 = arith.constant 6 : i32
      %mul3A_369 = arith.muli %mul3A_368, %scan3A_288 : i32
      %add3A_370 = arith.constant 3 : i32
      %add3A_371 = arith.addi %add3A_370, %mul3A_369 : i32
      %add3A_372 = arith.constant 2 : i32
      %add3A_373 = arith.addi %add3A_371, %add3A_372 : i32
      %scan3A_374 = arith.constant 0 : i32
      %scan3A_375 = arith.constant 0 : i32
      %scan3A_376 = arith.constant 16 : i32
      %scan3A_377 = arith.addi %scan3A_375, %scan3A_376 : i32
      %scan3A_378 = arith.constant 1 : i32
      scf.for %scan3A_528 = %scan3A_375 to %scan3A_377 step %scan3A_378  : i32 {
        %add3A_529 = arith.addi %mul3A_4, %scan3A_528 : i32
        %dma_wait3A_530 = arith.constant 5 : i32
        %dma_wait3A_531 = arith.constant 0 : i32
        %dma_wait3A_532 = tpu.memref_slice %arg7[%dma_wait3A_530, %add3A_529, %dma_wait3A_531] : memref<6x256x1024xf32, #tpu.memory_space<vmem_shared>> -> memref<1x1x1024xf32, #tpu.memory_space<vmem_shared>>
        %dma_wait3A_533 = tpu.memref_squeeze %dma_wait3A_532 : memref<1x1x1024xf32, #tpu.memory_space<vmem_shared>> -> memref<1x1024xf32, #tpu.memory_space<vmem_shared>>
        %dma_wait3A_534 = arith.constant 0 : i32
        %dma_wait3A_535 = arith.constant 0 : i32
        %dma_wait3A_536 = tpu.memref_slice %arg2[%dma_wait3A_534, %dma_wait3A_535] : memref<8192x1024xf32, #tpu.memory_space<hbm>> -> memref<1x1024xf32, #tpu.memory_space<hbm>>
        tpu.wait_dma2 semaphore(%arg13 : memref<!tpu.dma_semaphore, #tpu.memory_space<semaphore_mem>>) src(%dma_wait3A_536 : memref<1x1024xf32, #tpu.memory_space<hbm>>) dst(%dma_wait3A_533 : memref<1x1024xf32, #tpu.memory_space<vmem_shared>>)
      }
      %scan3A_379 = arith.constant 16 : i32
      %mul3A_380 = arith.constant 16 : i32
      %mul3A_381 = arith.muli %add3A_373, %mul3A_380 : i32
      %add3A_382 = arith.addi %mul3A_2, %mul3A_381 : i32
      %dma_start3A_383 = arith.constant 5 : i32
      %dma_start3A_384 = arith.constant 0 : i32
      %dma_start3A_385 = tpu.memref_slice %arg4[%add3A_382, %dma_start3A_384] : memref<32768x1024xf32, #tpu.memory_space<hbm>> -> memref<16x1024xf32, #tpu.memory_space<hbm>>
      %dma_start3A_386 = arith.constant 0 : i32
      %dma_start3A_387 = tpu.memref_slice %arg7[%dma_start3A_383, %mul3A_4, %dma_start3A_386] : memref<6x256x1024xf32, #tpu.memory_space<vmem_shared>> -> memref<1x16x1024xf32, #tpu.memory_space<vmem_shared>>
      %dma_start3A_388 = tpu.memref_squeeze %dma_start3A_387 : memref<1x16x1024xf32, #tpu.memory_space<vmem_shared>> -> memref<16x1024xf32, #tpu.memory_space<vmem_shared>>
      tpu.enqueue_dma source(%dma_start3A_388 : memref<16x1024xf32, #tpu.memory_space<vmem_shared>>) target(%dma_start3A_385 : memref<16x1024xf32, #tpu.memory_space<hbm>>) target_semaphore(%arg19 : memref<!tpu.dma_semaphore, #tpu.memory_space<semaphore_mem>>)
      %sub3A_389 = arith.constant 3 : i32
      %sub3A_390 = arith.subi %add3A_373, %sub3A_389 : i32
      %mul3A_391 = arith.constant 16 : i32
      %mul3A_392 = arith.muli %sub3A_390, %mul3A_391 : i32
      %add3A_393 = arith.addi %mul3A_2, %mul3A_392 : i32
      %dma_wait3A_394 = arith.constant 2 : i32
      %dma_wait3A_395 = arith.constant 0 : i32
      %dma_wait3A_396 = tpu.memref_slice %arg4[%add3A_393, %dma_wait3A_395] : memref<32768x1024xf32, #tpu.memory_space<hbm>> -> memref<16x1024xf32, #tpu.memory_space<hbm>>
      %dma_wait3A_397 = arith.constant 0 : i32
      %dma_wait3A_398 = tpu.memref_slice %arg7[%dma_wait3A_394, %mul3A_4, %dma_wait3A_397] : memref<6x256x1024xf32, #tpu.memory_space<vmem_shared>> -> memref<1x16x1024xf32, #tpu.memory_space<vmem_shared>>
      %dma_wait3A_399 = tpu.memref_squeeze %dma_wait3A_398 : memref<1x16x1024xf32, #tpu.memory_space<vmem_shared>> -> memref<16x1024xf32, #tpu.memory_space<vmem_shared>>
      tpu.wait_dma2 semaphore(%arg16 : memref<!tpu.dma_semaphore, #tpu.memory_space<semaphore_mem>>) src(%dma_wait3A_399 : memref<16x1024xf32, #tpu.memory_space<vmem_shared>>) dst(%dma_wait3A_396 : memref<16x1024xf32, #tpu.memory_space<hbm>>)
      %add3A_400 = arith.constant 3 : i32
      %add3A_401 = arith.addi %add3A_373, %add3A_400 : i32
      %scan3A_402 = arith.constant 0 : i32
      %scan3A_403 = arith.constant 0 : i32
      %scan3A_404 = arith.constant 16 : i32
      %scan3A_405 = arith.addi %scan3A_403, %scan3A_404 : i32
      %scan3A_406 = arith.constant 1 : i32
      scf.for %scan3A_528 = %scan3A_403 to %scan3A_405 step %scan3A_406  : i32 {
        %mul3A_529 = arith.constant 16 : i32
        %mul3A_530 = arith.muli %add3A_401, %mul3A_529 : i32
        %add3A_531 = arith.addi %mul3A_530, %scan3A_528 : i32
        %get3A = arith.index_cast %add3A_531 : i32 to index
        %get3A_532 = memref.load %arg5[%get3A] : memref<1024xi32, #tpu.memory_space<smem>>
        %add3A_533 = arith.addi %mul3A_4, %scan3A_528 : i32
        %dma_start3A_534 = arith.constant 2 : i32
        %dma_start3A_535 = arith.constant 0 : i32
        %dma_start3A_536 = tpu.memref_slice %arg7[%dma_start3A_534, %add3A_533, %dma_start3A_535] : memref<6x256x1024xf32, #tpu.memory_space<vmem_shared>> -> memref<1x1x1024xf32, #tpu.memory_space<vmem_shared>>
        %dma_start3A_537 = tpu.memref_squeeze %dma_start3A_536 : memref<1x1x1024xf32, #tpu.memory_space<vmem_shared>> -> memref<1x1024xf32, #tpu.memory_space<vmem_shared>>
        %dma_start3A_538 = arith.constant 0 : i32
        %dma_start3A_539 = tpu.memref_slice %arg2[%get3A_532, %dma_start3A_538] : memref<8192x1024xf32, #tpu.memory_space<hbm>> -> memref<1x1024xf32, #tpu.memory_space<hbm>>
        tpu.enqueue_dma source(%dma_start3A_539 : memref<1x1024xf32, #tpu.memory_space<hbm>>) target(%dma_start3A_537 : memref<1x1024xf32, #tpu.memory_space<vmem_shared>>) target_semaphore(%arg10 : memref<!tpu.dma_semaphore, #tpu.memory_space<semaphore_mem>>)
      }
      %scan3A_407 = arith.constant 16 : i32
      %mul3A_408 = arith.constant 6 : i32
      %mul3A_409 = arith.muli %mul3A_408, %scan3A_288 : i32
      %add3A_410 = arith.constant 3 : i32
      %add3A_411 = arith.addi %add3A_410, %mul3A_409 : i32
      %add3A_412 = arith.constant 3 : i32
      %add3A_413 = arith.addi %add3A_411, %add3A_412 : i32
      %scan3A_414 = arith.constant 0 : i32
      %scan3A_415 = arith.constant 0 : i32
      %scan3A_416 = arith.constant 16 : i32
      %scan3A_417 = arith.addi %scan3A_415, %scan3A_416 : i32
      %scan3A_418 = arith.constant 1 : i32
      scf.for %scan3A_528 = %scan3A_415 to %scan3A_417 step %scan3A_418  : i32 {
        %add3A_529 = arith.addi %mul3A_4, %scan3A_528 : i32
        %dma_wait3A_530 = arith.constant 0 : i32
        %dma_wait3A_531 = arith.constant 0 : i32
        %dma_wait3A_532 = tpu.memref_slice %arg7[%dma_wait3A_530, %add3A_529, %dma_wait3A_531] : memref<6x256x1024xf32, #tpu.memory_space<vmem_shared>> -> memref<1x1x1024xf32, #tpu.memory_space<vmem_shared>>
        %dma_wait3A_533 = tpu.memref_squeeze %dma_wait3A_532 : memref<1x1x1024xf32, #tpu.memory_space<vmem_shared>> -> memref<1x1024xf32, #tpu.memory_space<vmem_shared>>
        %dma_wait3A_534 = arith.constant 0 : i32
        %dma_wait3A_535 = arith.constant 0 : i32
        %dma_wait3A_536 = tpu.memref_slice %arg2[%dma_wait3A_534, %dma_wait3A_535] : memref<8192x1024xf32, #tpu.memory_space<hbm>> -> memref<1x1024xf32, #tpu.memory_space<hbm>>
        tpu.wait_dma2 semaphore(%arg8 : memref<!tpu.dma_semaphore, #tpu.memory_space<semaphore_mem>>) src(%dma_wait3A_536 : memref<1x1024xf32, #tpu.memory_space<hbm>>) dst(%dma_wait3A_533 : memref<1x1024xf32, #tpu.memory_space<vmem_shared>>)
      }
      %scan3A_419 = arith.constant 16 : i32
      %mul3A_420 = arith.constant 16 : i32
      %mul3A_421 = arith.muli %add3A_413, %mul3A_420 : i32
      %add3A_422 = arith.addi %mul3A_2, %mul3A_421 : i32
      %dma_start3A_423 = arith.constant 0 : i32
      %dma_start3A_424 = arith.constant 0 : i32
      %dma_start3A_425 = tpu.memref_slice %arg4[%add3A_422, %dma_start3A_424] : memref<32768x1024xf32, #tpu.memory_space<hbm>> -> memref<16x1024xf32, #tpu.memory_space<hbm>>
      %dma_start3A_426 = arith.constant 0 : i32
      %dma_start3A_427 = tpu.memref_slice %arg7[%dma_start3A_423, %mul3A_4, %dma_start3A_426] : memref<6x256x1024xf32, #tpu.memory_space<vmem_shared>> -> memref<1x16x1024xf32, #tpu.memory_space<vmem_shared>>
      %dma_start3A_428 = tpu.memref_squeeze %dma_start3A_427 : memref<1x16x1024xf32, #tpu.memory_space<vmem_shared>> -> memref<16x1024xf32, #tpu.memory_space<vmem_shared>>
      tpu.enqueue_dma source(%dma_start3A_428 : memref<16x1024xf32, #tpu.memory_space<vmem_shared>>) target(%dma_start3A_425 : memref<16x1024xf32, #tpu.memory_space<hbm>>) target_semaphore(%arg14 : memref<!tpu.dma_semaphore, #tpu.memory_space<semaphore_mem>>)
      %sub3A_429 = arith.constant 3 : i32
      %sub3A_430 = arith.subi %add3A_413, %sub3A_429 : i32
      %mul3A_431 = arith.constant 16 : i32
      %mul3A_432 = arith.muli %sub3A_430, %mul3A_431 : i32
      %add3A_433 = arith.addi %mul3A_2, %mul3A_432 : i32
      %dma_wait3A_434 = arith.constant 3 : i32
      %dma_wait3A_435 = arith.constant 0 : i32
      %dma_wait3A_436 = tpu.memref_slice %arg4[%add3A_433, %dma_wait3A_435] : memref<32768x1024xf32, #tpu.memory_space<hbm>> -> memref<16x1024xf32, #tpu.memory_space<hbm>>
      %dma_wait3A_437 = arith.constant 0 : i32
      %dma_wait3A_438 = tpu.memref_slice %arg7[%dma_wait3A_434, %mul3A_4, %dma_wait3A_437] : memref<6x256x1024xf32, #tpu.memory_space<vmem_shared>> -> memref<1x16x1024xf32, #tpu.memory_space<vmem_shared>>
      %dma_wait3A_439 = tpu.memref_squeeze %dma_wait3A_438 : memref<1x16x1024xf32, #tpu.memory_space<vmem_shared>> -> memref<16x1024xf32, #tpu.memory_space<vmem_shared>>
      tpu.wait_dma2 semaphore(%arg17 : memref<!tpu.dma_semaphore, #tpu.memory_space<semaphore_mem>>) src(%dma_wait3A_439 : memref<16x1024xf32, #tpu.memory_space<vmem_shared>>) dst(%dma_wait3A_436 : memref<16x1024xf32, #tpu.memory_space<hbm>>)
      %add3A_440 = arith.constant 3 : i32
      %add3A_441 = arith.addi %add3A_413, %add3A_440 : i32
      %scan3A_442 = arith.constant 0 : i32
      %scan3A_443 = arith.constant 0 : i32
      %scan3A_444 = arith.constant 16 : i32
      %scan3A_445 = arith.addi %scan3A_443, %scan3A_444 : i32
      %scan3A_446 = arith.constant 1 : i32
      scf.for %scan3A_528 = %scan3A_443 to %scan3A_445 step %scan3A_446  : i32 {
        %mul3A_529 = arith.constant 16 : i32
        %mul3A_530 = arith.muli %add3A_441, %mul3A_529 : i32
        %add3A_531 = arith.addi %mul3A_530, %scan3A_528 : i32
        %get3A = arith.index_cast %add3A_531 : i32 to index
        %get3A_532 = memref.load %arg5[%get3A] : memref<1024xi32, #tpu.memory_space<smem>>
        %add3A_533 = arith.addi %mul3A_4, %scan3A_528 : i32
        %dma_start3A_534 = arith.constant 3 : i32
        %dma_start3A_535 = arith.constant 0 : i32
        %dma_start3A_536 = tpu.memref_slice %arg7[%dma_start3A_534, %add3A_533, %dma_start3A_535] : memref<6x256x1024xf32, #tpu.memory_space<vmem_shared>> -> memref<1x1x1024xf32, #tpu.memory_space<vmem_shared>>
        %dma_start3A_537 = tpu.memref_squeeze %dma_start3A_536 : memref<1x1x1024xf32, #tpu.memory_space<vmem_shared>> -> memref<1x1024xf32, #tpu.memory_space<vmem_shared>>
        %dma_start3A_538 = arith.constant 0 : i32
        %dma_start3A_539 = tpu.memref_slice %arg2[%get3A_532, %dma_start3A_538] : memref<8192x1024xf32, #tpu.memory_space<hbm>> -> memref<1x1024xf32, #tpu.memory_space<hbm>>
        tpu.enqueue_dma source(%dma_start3A_539 : memref<1x1024xf32, #tpu.memory_space<hbm>>) target(%dma_start3A_537 : memref<1x1024xf32, #tpu.memory_space<vmem_shared>>) target_semaphore(%arg11 : memref<!tpu.dma_semaphore, #tpu.memory_space<semaphore_mem>>)
      }
      %scan3A_447 = arith.constant 16 : i32
      %mul3A_448 = arith.constant 6 : i32
      %mul3A_449 = arith.muli %mul3A_448, %scan3A_288 : i32
      %add3A_450 = arith.constant 3 : i32
      %add3A_451 = arith.addi %add3A_450, %mul3A_449 : i32
      %add3A_452 = arith.constant 4 : i32
      %add3A_453 = arith.addi %add3A_451, %add3A_452 : i32
      %scan3A_454 = arith.constant 0 : i32
      %scan3A_455 = arith.constant 0 : i32
      %scan3A_456 = arith.constant 16 : i32
      %scan3A_457 = arith.addi %scan3A_455, %scan3A_456 : i32
      %scan3A_458 = arith.constant 1 : i32
      scf.for %scan3A_528 = %scan3A_455 to %scan3A_457 step %scan3A_458  : i32 {
        %add3A_529 = arith.addi %mul3A_4, %scan3A_528 : i32
        %dma_wait3A_530 = arith.constant 1 : i32
        %dma_wait3A_531 = arith.constant 0 : i32
        %dma_wait3A_532 = tpu.memref_slice %arg7[%dma_wait3A_530, %add3A_529, %dma_wait3A_531] : memref<6x256x1024xf32, #tpu.memory_space<vmem_shared>> -> memref<1x1x1024xf32, #tpu.memory_space<vmem_shared>>
        %dma_wait3A_533 = tpu.memref_squeeze %dma_wait3A_532 : memref<1x1x1024xf32, #tpu.memory_space<vmem_shared>> -> memref<1x1024xf32, #tpu.memory_space<vmem_shared>>
        %dma_wait3A_534 = arith.constant 0 : i32
        %dma_wait3A_535 = arith.constant 0 : i32
        %dma_wait3A_536 = tpu.memref_slice %arg2[%dma_wait3A_534, %dma_wait3A_535] : memref<8192x1024xf32, #tpu.memory_space<hbm>> -> memref<1x1024xf32, #tpu.memory_space<hbm>>
        tpu.wait_dma2 semaphore(%arg9 : memref<!tpu.dma_semaphore, #tpu.memory_space<semaphore_mem>>) src(%dma_wait3A_536 : memref<1x1024xf32, #tpu.memory_space<hbm>>) dst(%dma_wait3A_533 : memref<1x1024xf32, #tpu.memory_space<vmem_shared>>)
      }
      %scan3A_459 = arith.constant 16 : i32
      %mul3A_460 = arith.constant 16 : i32
      %mul3A_461 = arith.muli %add3A_453, %mul3A_460 : i32
      %add3A_462 = arith.addi %mul3A_2, %mul3A_461 : i32
      %dma_start3A_463 = arith.constant 1 : i32
      %dma_start3A_464 = arith.constant 0 : i32
      %dma_start3A_465 = tpu.memref_slice %arg4[%add3A_462, %dma_start3A_464] : memref<32768x1024xf32, #tpu.memory_space<hbm>> -> memref<16x1024xf32, #tpu.memory_space<hbm>>
      %dma_start3A_466 = arith.constant 0 : i32
      %dma_start3A_467 = tpu.memref_slice %arg7[%dma_start3A_463, %mul3A_4, %dma_start3A_466] : memref<6x256x1024xf32, #tpu.memory_space<vmem_shared>> -> memref<1x16x1024xf32, #tpu.memory_space<vmem_shared>>
      %dma_start3A_468 = tpu.memref_squeeze %dma_start3A_467 : memref<1x16x1024xf32, #tpu.memory_space<vmem_shared>> -> memref<16x1024xf32, #tpu.memory_space<vmem_shared>>
      tpu.enqueue_dma source(%dma_start3A_468 : memref<16x1024xf32, #tpu.memory_space<vmem_shared>>) target(%dma_start3A_465 : memref<16x1024xf32, #tpu.memory_space<hbm>>) target_semaphore(%arg15 : memref<!tpu.dma_semaphore, #tpu.memory_space<semaphore_mem>>)
      %sub3A_469 = arith.constant 3 : i32
      %sub3A_470 = arith.subi %add3A_453, %sub3A_469 : i32
      %mul3A_471 = arith.constant 16 : i32
      %mul3A_472 = arith.muli %sub3A_470, %mul3A_471 : i32
      %add3A_473 = arith.addi %mul3A_2, %mul3A_472 : i32
      %dma_wait3A_474 = arith.constant 4 : i32
      %dma_wait3A_475 = arith.constant 0 : i32
      %dma_wait3A_476 = tpu.memref_slice %arg4[%add3A_473, %dma_wait3A_475] : memref<32768x1024xf32, #tpu.memory_space<hbm>> -> memref<16x1024xf32, #tpu.memory_space<hbm>>
      %dma_wait3A_477 = arith.constant 0 : i32
      %dma_wait3A_478 = tpu.memref_slice %arg7[%dma_wait3A_474, %mul3A_4, %dma_wait3A_477] : memref<6x256x1024xf32, #tpu.memory_space<vmem_shared>> -> memref<1x16x1024xf32, #tpu.memory_space<vmem_shared>>
      %dma_wait3A_479 = tpu.memref_squeeze %dma_wait3A_478 : memref<1x16x1024xf32, #tpu.memory_space<vmem_shared>> -> memref<16x1024xf32, #tpu.memory_space<vmem_shared>>
      tpu.wait_dma2 semaphore(%arg18 : memref<!tpu.dma_semaphore, #tpu.memory_space<semaphore_mem>>) src(%dma_wait3A_479 : memref<16x1024xf32, #tpu.memory_space<vmem_shared>>) dst(%dma_wait3A_476 : memref<16x1024xf32, #tpu.memory_space<hbm>>)
      %add3A_480 = arith.constant 3 : i32
      %add3A_481 = arith.addi %add3A_453, %add3A_480 : i32
      %scan3A_482 = arith.constant 0 : i32
      %scan3A_483 = arith.constant 0 : i32
      %scan3A_484 = arith.constant 16 : i32
      %scan3A_485 = arith.addi %scan3A_483, %scan3A_484 : i32
      %scan3A_486 = arith.constant 1 : i32
      scf.for %scan3A_528 = %scan3A_483 to %scan3A_485 step %scan3A_486  : i32 {
        %mul3A_529 = arith.constant 16 : i32
        %mul3A_530 = arith.muli %add3A_481, %mul3A_529 : i32
        %add3A_531 = arith.addi %mul3A_530, %scan3A_528 : i32
        %get3A = arith.index_cast %add3A_531 : i32 to index
        %get3A_532 = memref.load %arg5[%get3A] : memref<1024xi32, #tpu.memory_space<smem>>
        %add3A_533 = arith.addi %mul3A_4, %scan3A_528 : i32
        %dma_start3A_534 = arith.constant 4 : i32
        %dma_start3A_535 = arith.constant 0 : i32
        %dma_start3A_536 = tpu.memref_slice %arg7[%dma_start3A_534, %add3A_533, %dma_start3A_535] : memref<6x256x1024xf32, #tpu.memory_space<vmem_shared>> -> memref<1x1x1024xf32, #tpu.memory_space<vmem_shared>>
        %dma_start3A_537 = tpu.memref_squeeze %dma_start3A_536 : memref<1x1x1024xf32, #tpu.memory_space<vmem_shared>> -> memref<1x1024xf32, #tpu.memory_space<vmem_shared>>
        %dma_start3A_538 = arith.constant 0 : i32
        %dma_start3A_539 = tpu.memref_slice %arg2[%get3A_532, %dma_start3A_538] : memref<8192x1024xf32, #tpu.memory_space<hbm>> -> memref<1x1024xf32, #tpu.memory_space<hbm>>
        tpu.enqueue_dma source(%dma_start3A_539 : memref<1x1024xf32, #tpu.memory_space<hbm>>) target(%dma_start3A_537 : memref<1x1024xf32, #tpu.memory_space<vmem_shared>>) target_semaphore(%arg12 : memref<!tpu.dma_semaphore, #tpu.memory_space<semaphore_mem>>)
      }
      %scan3A_487 = arith.constant 16 : i32
      %mul3A_488 = arith.constant 6 : i32
      %mul3A_489 = arith.muli %mul3A_488, %scan3A_288 : i32
      %add3A_490 = arith.constant 3 : i32
      %add3A_491 = arith.addi %add3A_490, %mul3A_489 : i32
      %add3A_492 = arith.constant 5 : i32
      %add3A_493 = arith.addi %add3A_491, %add3A_492 : i32
      %scan3A_494 = arith.constant 0 : i32
      %scan3A_495 = arith.constant 0 : i32
      %scan3A_496 = arith.constant 16 : i32
      %scan3A_497 = arith.addi %scan3A_495, %scan3A_496 : i32
      %scan3A_498 = arith.constant 1 : i32
      scf.for %scan3A_528 = %scan3A_495 to %scan3A_497 step %scan3A_498  : i32 {
        %add3A_529 = arith.addi %mul3A_4, %scan3A_528 : i32
        %dma_wait3A_530 = arith.constant 2 : i32
        %dma_wait3A_531 = arith.constant 0 : i32
        %dma_wait3A_532 = tpu.memref_slice %arg7[%dma_wait3A_530, %add3A_529, %dma_wait3A_531] : memref<6x256x1024xf32, #tpu.memory_space<vmem_shared>> -> memref<1x1x1024xf32, #tpu.memory_space<vmem_shared>>
        %dma_wait3A_533 = tpu.memref_squeeze %dma_wait3A_532 : memref<1x1x1024xf32, #tpu.memory_space<vmem_shared>> -> memref<1x1024xf32, #tpu.memory_space<vmem_shared>>
        %dma_wait3A_534 = arith.constant 0 : i32
        %dma_wait3A_535 = arith.constant 0 : i32
        %dma_wait3A_536 = tpu.memref_slice %arg2[%dma_wait3A_534, %dma_wait3A_535] : memref<8192x1024xf32, #tpu.memory_space<hbm>> -> memref<1x1024xf32, #tpu.memory_space<hbm>>
        tpu.wait_dma2 semaphore(%arg10 : memref<!tpu.dma_semaphore, #tpu.memory_space<semaphore_mem>>) src(%dma_wait3A_536 : memref<1x1024xf32, #tpu.memory_space<hbm>>) dst(%dma_wait3A_533 : memref<1x1024xf32, #tpu.memory_space<vmem_shared>>)
      }
      %scan3A_499 = arith.constant 16 : i32
      %mul3A_500 = arith.constant 16 : i32
      %mul3A_501 = arith.muli %add3A_493, %mul3A_500 : i32
      %add3A_502 = arith.addi %mul3A_2, %mul3A_501 : i32
      %dma_start3A_503 = arith.constant 2 : i32
      %dma_start3A_504 = arith.constant 0 : i32
      %dma_start3A_505 = tpu.memref_slice %arg4[%add3A_502, %dma_start3A_504] : memref<32768x1024xf32, #tpu.memory_space<hbm>> -> memref<16x1024xf32, #tpu.memory_space<hbm>>
      %dma_start3A_506 = arith.constant 0 : i32
      %dma_start3A_507 = tpu.memref_slice %arg7[%dma_start3A_503, %mul3A_4, %dma_start3A_506] : memref<6x256x1024xf32, #tpu.memory_space<vmem_shared>> -> memref<1x16x1024xf32, #tpu.memory_space<vmem_shared>>
      %dma_start3A_508 = tpu.memref_squeeze %dma_start3A_507 : memref<1x16x1024xf32, #tpu.memory_space<vmem_shared>> -> memref<16x1024xf32, #tpu.memory_space<vmem_shared>>
      tpu.enqueue_dma source(%dma_start3A_508 : memref<16x1024xf32, #tpu.memory_space<vmem_shared>>) target(%dma_start3A_505 : memref<16x1024xf32, #tpu.memory_space<hbm>>) target_semaphore(%arg16 : memref<!tpu.dma_semaphore, #tpu.memory_space<semaphore_mem>>)
      %sub3A_509 = arith.constant 3 : i32
      %sub3A_510 = arith.subi %add3A_493, %sub3A_509 : i32
      %mul3A_511 = arith.constant 16 : i32
      %mul3A_512 = arith.muli %sub3A_510, %mul3A_511 : i32
      %add3A_513 = arith.addi %mul3A_2, %mul3A_512 : i32
      %dma_wait3A_514 = arith.constant 5 : i32
      %dma_wait3A_515 = arith.constant 0 : i32
      %dma_wait3A_516 = tpu.memref_slice %arg4[%add3A_513, %dma_wait3A_515] : memref<32768x1024xf32, #tpu.memory_space<hbm>> -> memref<16x1024xf32, #tpu.memory_space<hbm>>
      %dma_wait3A_517 = arith.constant 0 : i32
      %dma_wait3A_518 = tpu.memref_slice %arg7[%dma_wait3A_514, %mul3A_4, %dma_wait3A_517] : memref<6x256x1024xf32, #tpu.memory_space<vmem_shared>> -> memref<1x16x1024xf32, #tpu.memory_space<vmem_shared>>
      %dma_wait3A_519 = tpu.memref_squeeze %dma_wait3A_518 : memref<1x16x1024xf32, #tpu.memory_space<vmem_shared>> -> memref<16x1024xf32, #tpu.memory_space<vmem_shared>>
      tpu.wait_dma2 semaphore(%arg19 : memref<!tpu.dma_semaphore, #tpu.memory_space<semaphore_mem>>) src(%dma_wait3A_519 : memref<16x1024xf32, #tpu.memory_space<vmem_shared>>) dst(%dma_wait3A_516 : memref<16x1024xf32, #tpu.memory_space<hbm>>)
      %add3A_520 = arith.constant 3 : i32
      %add3A_521 = arith.addi %add3A_493, %add3A_520 : i32
      %scan3A_522 = arith.constant 0 : i32
      %scan3A_523 = arith.constant 0 : i32
      %scan3A_524 = arith.constant 16 : i32
      %scan3A_525 = arith.addi %scan3A_523, %scan3A_524 : i32
      %scan3A_526 = arith.constant 1 : i32
      scf.for %scan3A_528 = %scan3A_523 to %scan3A_525 step %scan3A_526  : i32 {
        %mul3A_529 = arith.constant 16 : i32
        %mul3A_530 = arith.muli %add3A_521, %mul3A_529 : i32
        %add3A_531 = arith.addi %mul3A_530, %scan3A_528 : i32
        %get3A = arith.index_cast %add3A_531 : i32 to index
        %get3A_532 = memref.load %arg5[%get3A] : memref<1024xi32, #tpu.memory_space<smem>>
        %add3A_533 = arith.addi %mul3A_4, %scan3A_528 : i32
        %dma_start3A_534 = arith.constant 5 : i32
        %dma_start3A_535 = arith.constant 0 : i32
        %dma_start3A_536 = tpu.memref_slice %arg7[%dma_start3A_534, %add3A_533, %dma_start3A_535] : memref<6x256x1024xf32, #tpu.memory_space<vmem_shared>> -> memref<1x1x1024xf32, #tpu.memory_space<vmem_shared>>
        %dma_start3A_537 = tpu.memref_squeeze %dma_start3A_536 : memref<1x1x1024xf32, #tpu.memory_space<vmem_shared>> -> memref<1x1024xf32, #tpu.memory_space<vmem_shared>>
        %dma_start3A_538 = arith.constant 0 : i32
        %dma_start3A_539 = tpu.memref_slice %arg2[%get3A_532, %dma_start3A_538] : memref<8192x1024xf32, #tpu.memory_space<hbm>> -> memref<1x1024xf32, #tpu.memory_space<hbm>>
        tpu.enqueue_dma source(%dma_start3A_539 : memref<1x1024xf32, #tpu.memory_space<hbm>>) target(%dma_start3A_537 : memref<1x1024xf32, #tpu.memory_space<vmem_shared>>) target_semaphore(%arg13 : memref<!tpu.dma_semaphore, #tpu.memory_space<semaphore_mem>>)
      }
      %scan3A_527 = arith.constant 16 : i32
    }
    %scan3A_86 = arith.constant 9 : i32
    %scan3A_87 = arith.constant 0 : i32
    %scan3A_88 = arith.constant 0 : i32
    %scan3A_89 = arith.constant 16 : i32
    %scan3A_90 = arith.addi %scan3A_88, %scan3A_89 : i32
    %scan3A_91 = arith.constant 1 : i32
    scf.for %scan3A_288 = %scan3A_88 to %scan3A_90 step %scan3A_91  : i32 {
      %add3A_289 = arith.addi %mul3A_4, %scan3A_288 : i32
      %dma_wait3A_290 = arith.constant 3 : i32
      %dma_wait3A_291 = arith.constant 0 : i32
      %dma_wait3A_292 = tpu.memref_slice %arg7[%dma_wait3A_290, %add3A_289, %dma_wait3A_291] : memref<6x256x1024xf32, #tpu.memory_space<vmem_shared>> -> memref<1x1x1024xf32, #tpu.memory_space<vmem_shared>>
      %dma_wait3A_293 = tpu.memref_squeeze %dma_wait3A_292 : memref<1x1x1024xf32, #tpu.memory_space<vmem_shared>> -> memref<1x1024xf32, #tpu.memory_space<vmem_shared>>
      %dma_wait3A_294 = arith.constant 0 : i32
      %dma_wait3A_295 = arith.constant 0 : i32
      %dma_wait3A_296 = tpu.memref_slice %arg2[%dma_wait3A_294, %dma_wait3A_295] : memref<8192x1024xf32, #tpu.memory_space<hbm>> -> memref<1x1024xf32, #tpu.memory_space<hbm>>
      tpu.wait_dma2 semaphore(%arg11 : memref<!tpu.dma_semaphore, #tpu.memory_space<semaphore_mem>>) src(%dma_wait3A_296 : memref<1x1024xf32, #tpu.memory_space<hbm>>) dst(%dma_wait3A_293 : memref<1x1024xf32, #tpu.memory_space<vmem_shared>>)
    }
    %scan3A_92 = arith.constant 16 : i32
    %add3A_93 = arith.constant 912 : i32
    %add3A_94 = arith.addi %mul3A_2, %add3A_93 : i32
    %dma_start3A_95 = arith.constant 3 : i32
    %dma_start3A_96 = arith.constant 0 : i32
    %dma_start3A_97 = tpu.memref_slice %arg4[%add3A_94, %dma_start3A_96] : memref<32768x1024xf32, #tpu.memory_space<hbm>> -> memref<16x1024xf32, #tpu.memory_space<hbm>>
    %dma_start3A_98 = arith.constant 0 : i32
    %dma_start3A_99 = tpu.memref_slice %arg7[%dma_start3A_95, %mul3A_4, %dma_start3A_98] : memref<6x256x1024xf32, #tpu.memory_space<vmem_shared>> -> memref<1x16x1024xf32, #tpu.memory_space<vmem_shared>>
    %dma_start3A_100 = tpu.memref_squeeze %dma_start3A_99 : memref<1x16x1024xf32, #tpu.memory_space<vmem_shared>> -> memref<16x1024xf32, #tpu.memory_space<vmem_shared>>
    tpu.enqueue_dma source(%dma_start3A_100 : memref<16x1024xf32, #tpu.memory_space<vmem_shared>>) target(%dma_start3A_97 : memref<16x1024xf32, #tpu.memory_space<hbm>>) target_semaphore(%arg17 : memref<!tpu.dma_semaphore, #tpu.memory_space<semaphore_mem>>)
    %add3A_101 = arith.constant 864 : i32
    %add3A_102 = arith.addi %mul3A_2, %add3A_101 : i32
    %dma_wait3A = arith.constant 0 : i32
    %dma_wait3A_103 = arith.constant 0 : i32
    %dma_wait3A_104 = tpu.memref_slice %arg4[%add3A_102, %dma_wait3A_103] : memref<32768x1024xf32, #tpu.memory_space<hbm>> -> memref<16x1024xf32, #tpu.memory_space<hbm>>
    %dma_wait3A_105 = arith.constant 0 : i32
    %dma_wait3A_106 = tpu.memref_slice %arg7[%dma_wait3A, %mul3A_4, %dma_wait3A_105] : memref<6x256x1024xf32, #tpu.memory_space<vmem_shared>> -> memref<1x16x1024xf32, #tpu.memory_space<vmem_shared>>
    %dma_wait3A_107 = tpu.memref_squeeze %dma_wait3A_106 : memref<1x16x1024xf32, #tpu.memory_space<vmem_shared>> -> memref<16x1024xf32, #tpu.memory_space<vmem_shared>>
    tpu.wait_dma2 semaphore(%arg14 : memref<!tpu.dma_semaphore, #tpu.memory_space<semaphore_mem>>) src(%dma_wait3A_107 : memref<16x1024xf32, #tpu.memory_space<vmem_shared>>) dst(%dma_wait3A_104 : memref<16x1024xf32, #tpu.memory_space<hbm>>)
    %scan3A_108 = arith.constant 0 : i32
    %scan3A_109 = arith.constant 0 : i32
    %scan3A_110 = arith.constant 16 : i32
    %scan3A_111 = arith.addi %scan3A_109, %scan3A_110 : i32
    %scan3A_112 = arith.constant 1 : i32
    scf.for %scan3A_288 = %scan3A_109 to %scan3A_111 step %scan3A_112  : i32 {
      %add3A_289 = arith.constant 960 : i32
      %add3A_290 = arith.addi %add3A_289, %scan3A_288 : i32
      %get3A = arith.index_cast %add3A_290 : i32 to index
      %get3A_291 = memref.load %arg5[%get3A] : memref<1024xi32, #tpu.memory_space<smem>>
      %add3A_292 = arith.addi %mul3A_4, %scan3A_288 : i32
      %dma_start3A_293 = arith.constant 0 : i32
      %dma_start3A_294 = arith.constant 0 : i32
      %dma_start3A_295 = tpu.memref_slice %arg7[%dma_start3A_293, %add3A_292, %dma_start3A_294] : memref<6x256x1024xf32, #tpu.memory_space<vmem_shared>> -> memref<1x1x1024xf32, #tpu.memory_space<vmem_shared>>
      %dma_start3A_296 = tpu.memref_squeeze %dma_start3A_295 : memref<1x1x1024xf32, #tpu.memory_space<vmem_shared>> -> memref<1x1024xf32, #tpu.memory_space<vmem_shared>>
      %dma_start3A_297 = arith.constant 0 : i32
      %dma_start3A_298 = tpu.memref_slice %arg2[%get3A_291, %dma_start3A_297] : memref<8192x1024xf32, #tpu.memory_space<hbm>> -> memref<1x1024xf32, #tpu.memory_space<hbm>>
      tpu.enqueue_dma source(%dma_start3A_298 : memref<1x1024xf32, #tpu.memory_space<hbm>>) target(%dma_start3A_296 : memref<1x1024xf32, #tpu.memory_space<vmem_shared>>) target_semaphore(%arg8 : memref<!tpu.dma_semaphore, #tpu.memory_space<semaphore_mem>>)
    }
    %scan3A_113 = arith.constant 16 : i32
    %scan3A_114 = arith.constant 0 : i32
    %scan3A_115 = arith.constant 0 : i32
    %scan3A_116 = arith.constant 16 : i32
    %scan3A_117 = arith.addi %scan3A_115, %scan3A_116 : i32
    %scan3A_118 = arith.constant 1 : i32
    scf.for %scan3A_288 = %scan3A_115 to %scan3A_117 step %scan3A_118  : i32 {
      %add3A_289 = arith.addi %mul3A_4, %scan3A_288 : i32
      %dma_wait3A_290 = arith.constant 4 : i32
      %dma_wait3A_291 = arith.constant 0 : i32
      %dma_wait3A_292 = tpu.memref_slice %arg7[%dma_wait3A_290, %add3A_289, %dma_wait3A_291] : memref<6x256x1024xf32, #tpu.memory_space<vmem_shared>> -> memref<1x1x1024xf32, #tpu.memory_space<vmem_shared>>
      %dma_wait3A_293 = tpu.memref_squeeze %dma_wait3A_292 : memref<1x1x1024xf32, #tpu.memory_space<vmem_shared>> -> memref<1x1024xf32, #tpu.memory_space<vmem_shared>>
      %dma_wait3A_294 = arith.constant 0 : i32
      %dma_wait3A_295 = arith.constant 0 : i32
      %dma_wait3A_296 = tpu.memref_slice %arg2[%dma_wait3A_294, %dma_wait3A_295] : memref<8192x1024xf32, #tpu.memory_space<hbm>> -> memref<1x1024xf32, #tpu.memory_space<hbm>>
      tpu.wait_dma2 semaphore(%arg12 : memref<!tpu.dma_semaphore, #tpu.memory_space<semaphore_mem>>) src(%dma_wait3A_296 : memref<1x1024xf32, #tpu.memory_space<hbm>>) dst(%dma_wait3A_293 : memref<1x1024xf32, #tpu.memory_space<vmem_shared>>)
    }
    %scan3A_119 = arith.constant 16 : i32
    %add3A_120 = arith.constant 928 : i32
    %add3A_121 = arith.addi %mul3A_2, %add3A_120 : i32
    %dma_start3A_122 = arith.constant 4 : i32
    %dma_start3A_123 = arith.constant 0 : i32
    %dma_start3A_124 = tpu.memref_slice %arg4[%add3A_121, %dma_start3A_123] : memref<32768x1024xf32, #tpu.memory_space<hbm>> -> memref<16x1024xf32, #tpu.memory_space<hbm>>
    %dma_start3A_125 = arith.constant 0 : i32
    %dma_start3A_126 = tpu.memref_slice %arg7[%dma_start3A_122, %mul3A_4, %dma_start3A_125] : memref<6x256x1024xf32, #tpu.memory_space<vmem_shared>> -> memref<1x16x1024xf32, #tpu.memory_space<vmem_shared>>
    %dma_start3A_127 = tpu.memref_squeeze %dma_start3A_126 : memref<1x16x1024xf32, #tpu.memory_space<vmem_shared>> -> memref<16x1024xf32, #tpu.memory_space<vmem_shared>>
    tpu.enqueue_dma source(%dma_start3A_127 : memref<16x1024xf32, #tpu.memory_space<vmem_shared>>) target(%dma_start3A_124 : memref<16x1024xf32, #tpu.memory_space<hbm>>) target_semaphore(%arg18 : memref<!tpu.dma_semaphore, #tpu.memory_space<semaphore_mem>>)
    %add3A_128 = arith.constant 880 : i32
    %add3A_129 = arith.addi %mul3A_2, %add3A_128 : i32
    %dma_wait3A_130 = arith.constant 1 : i32
    %dma_wait3A_131 = arith.constant 0 : i32
    %dma_wait3A_132 = tpu.memref_slice %arg4[%add3A_129, %dma_wait3A_131] : memref<32768x1024xf32, #tpu.memory_space<hbm>> -> memref<16x1024xf32, #tpu.memory_space<hbm>>
    %dma_wait3A_133 = arith.constant 0 : i32
    %dma_wait3A_134 = tpu.memref_slice %arg7[%dma_wait3A_130, %mul3A_4, %dma_wait3A_133] : memref<6x256x1024xf32, #tpu.memory_space<vmem_shared>> -> memref<1x16x1024xf32, #tpu.memory_space<vmem_shared>>
    %dma_wait3A_135 = tpu.memref_squeeze %dma_wait3A_134 : memref<1x16x1024xf32, #tpu.memory_space<vmem_shared>> -> memref<16x1024xf32, #tpu.memory_space<vmem_shared>>
    tpu.wait_dma2 semaphore(%arg15 : memref<!tpu.dma_semaphore, #tpu.memory_space<semaphore_mem>>) src(%dma_wait3A_135 : memref<16x1024xf32, #tpu.memory_space<vmem_shared>>) dst(%dma_wait3A_132 : memref<16x1024xf32, #tpu.memory_space<hbm>>)
    %scan3A_136 = arith.constant 0 : i32
    %scan3A_137 = arith.constant 0 : i32
    %scan3A_138 = arith.constant 16 : i32
    %scan3A_139 = arith.addi %scan3A_137, %scan3A_138 : i32
    %scan3A_140 = arith.constant 1 : i32
    scf.for %scan3A_288 = %scan3A_137 to %scan3A_139 step %scan3A_140  : i32 {
      %add3A_289 = arith.constant 976 : i32
      %add3A_290 = arith.addi %add3A_289, %scan3A_288 : i32
      %get3A = arith.index_cast %add3A_290 : i32 to index
      %get3A_291 = memref.load %arg5[%get3A] : memref<1024xi32, #tpu.memory_space<smem>>
      %add3A_292 = arith.addi %mul3A_4, %scan3A_288 : i32
      %dma_start3A_293 = arith.constant 1 : i32
      %dma_start3A_294 = arith.constant 0 : i32
      %dma_start3A_295 = tpu.memref_slice %arg7[%dma_start3A_293, %add3A_292, %dma_start3A_294] : memref<6x256x1024xf32, #tpu.memory_space<vmem_shared>> -> memref<1x1x1024xf32, #tpu.memory_space<vmem_shared>>
      %dma_start3A_296 = tpu.memref_squeeze %dma_start3A_295 : memref<1x1x1024xf32, #tpu.memory_space<vmem_shared>> -> memref<1x1024xf32, #tpu.memory_space<vmem_shared>>
      %dma_start3A_297 = arith.constant 0 : i32
      %dma_start3A_298 = tpu.memref_slice %arg2[%get3A_291, %dma_start3A_297] : memref<8192x1024xf32, #tpu.memory_space<hbm>> -> memref<1x1024xf32, #tpu.memory_space<hbm>>
      tpu.enqueue_dma source(%dma_start3A_298 : memref<1x1024xf32, #tpu.memory_space<hbm>>) target(%dma_start3A_296 : memref<1x1024xf32, #tpu.memory_space<vmem_shared>>) target_semaphore(%arg9 : memref<!tpu.dma_semaphore, #tpu.memory_space<semaphore_mem>>)
    }
    %scan3A_141 = arith.constant 16 : i32
    %scan3A_142 = arith.constant 0 : i32
    %scan3A_143 = arith.constant 0 : i32
    %scan3A_144 = arith.constant 16 : i32
    %scan3A_145 = arith.addi %scan3A_143, %scan3A_144 : i32
    %scan3A_146 = arith.constant 1 : i32
    scf.for %scan3A_288 = %scan3A_143 to %scan3A_145 step %scan3A_146  : i32 {
      %add3A_289 = arith.addi %mul3A_4, %scan3A_288 : i32
      %dma_wait3A_290 = arith.constant 5 : i32
      %dma_wait3A_291 = arith.constant 0 : i32
      %dma_wait3A_292 = tpu.memref_slice %arg7[%dma_wait3A_290, %add3A_289, %dma_wait3A_291] : memref<6x256x1024xf32, #tpu.memory_space<vmem_shared>> -> memref<1x1x1024xf32, #tpu.memory_space<vmem_shared>>
      %dma_wait3A_293 = tpu.memref_squeeze %dma_wait3A_292 : memref<1x1x1024xf32, #tpu.memory_space<vmem_shared>> -> memref<1x1024xf32, #tpu.memory_space<vmem_shared>>
      %dma_wait3A_294 = arith.constant 0 : i32
      %dma_wait3A_295 = arith.constant 0 : i32
      %dma_wait3A_296 = tpu.memref_slice %arg2[%dma_wait3A_294, %dma_wait3A_295] : memref<8192x1024xf32, #tpu.memory_space<hbm>> -> memref<1x1024xf32, #tpu.memory_space<hbm>>
      tpu.wait_dma2 semaphore(%arg13 : memref<!tpu.dma_semaphore, #tpu.memory_space<semaphore_mem>>) src(%dma_wait3A_296 : memref<1x1024xf32, #tpu.memory_space<hbm>>) dst(%dma_wait3A_293 : memref<1x1024xf32, #tpu.memory_space<vmem_shared>>)
    }
    %scan3A_147 = arith.constant 16 : i32
    %add3A_148 = arith.constant 944 : i32
    %add3A_149 = arith.addi %mul3A_2, %add3A_148 : i32
    %dma_start3A_150 = arith.constant 5 : i32
    %dma_start3A_151 = arith.constant 0 : i32
    %dma_start3A_152 = tpu.memref_slice %arg4[%add3A_149, %dma_start3A_151] : memref<32768x1024xf32, #tpu.memory_space<hbm>> -> memref<16x1024xf32, #tpu.memory_space<hbm>>
    %dma_start3A_153 = arith.constant 0 : i32
    %dma_start3A_154 = tpu.memref_slice %arg7[%dma_start3A_150, %mul3A_4, %dma_start3A_153] : memref<6x256x1024xf32, #tpu.memory_space<vmem_shared>> -> memref<1x16x1024xf32, #tpu.memory_space<vmem_shared>>
    %dma_start3A_155 = tpu.memref_squeeze %dma_start3A_154 : memref<1x16x1024xf32, #tpu.memory_space<vmem_shared>> -> memref<16x1024xf32, #tpu.memory_space<vmem_shared>>
    tpu.enqueue_dma source(%dma_start3A_155 : memref<16x1024xf32, #tpu.memory_space<vmem_shared>>) target(%dma_start3A_152 : memref<16x1024xf32, #tpu.memory_space<hbm>>) target_semaphore(%arg19 : memref<!tpu.dma_semaphore, #tpu.memory_space<semaphore_mem>>)
    %add3A_156 = arith.constant 896 : i32
    %add3A_157 = arith.addi %mul3A_2, %add3A_156 : i32
    %dma_wait3A_158 = arith.constant 2 : i32
    %dma_wait3A_159 = arith.constant 0 : i32
    %dma_wait3A_160 = tpu.memref_slice %arg4[%add3A_157, %dma_wait3A_159] : memref<32768x1024xf32, #tpu.memory_space<hbm>> -> memref<16x1024xf32, #tpu.memory_space<hbm>>
    %dma_wait3A_161 = arith.constant 0 : i32
    %dma_wait3A_162 = tpu.memref_slice %arg7[%dma_wait3A_158, %mul3A_4, %dma_wait3A_161] : memref<6x256x1024xf32, #tpu.memory_space<vmem_shared>> -> memref<1x16x1024xf32, #tpu.memory_space<vmem_shared>>
    %dma_wait3A_163 = tpu.memref_squeeze %dma_wait3A_162 : memref<1x16x1024xf32, #tpu.memory_space<vmem_shared>> -> memref<16x1024xf32, #tpu.memory_space<vmem_shared>>
    tpu.wait_dma2 semaphore(%arg16 : memref<!tpu.dma_semaphore, #tpu.memory_space<semaphore_mem>>) src(%dma_wait3A_163 : memref<16x1024xf32, #tpu.memory_space<vmem_shared>>) dst(%dma_wait3A_160 : memref<16x1024xf32, #tpu.memory_space<hbm>>)
    %scan3A_164 = arith.constant 0 : i32
    %scan3A_165 = arith.constant 0 : i32
    %scan3A_166 = arith.constant 16 : i32
    %scan3A_167 = arith.addi %scan3A_165, %scan3A_166 : i32
    %scan3A_168 = arith.constant 1 : i32
    scf.for %scan3A_288 = %scan3A_165 to %scan3A_167 step %scan3A_168  : i32 {
      %add3A_289 = arith.constant 992 : i32
      %add3A_290 = arith.addi %add3A_289, %scan3A_288 : i32
      %get3A = arith.index_cast %add3A_290 : i32 to index
      %get3A_291 = memref.load %arg5[%get3A] : memref<1024xi32, #tpu.memory_space<smem>>
      %add3A_292 = arith.addi %mul3A_4, %scan3A_288 : i32
      %dma_start3A_293 = arith.constant 2 : i32
      %dma_start3A_294 = arith.constant 0 : i32
      %dma_start3A_295 = tpu.memref_slice %arg7[%dma_start3A_293, %add3A_292, %dma_start3A_294] : memref<6x256x1024xf32, #tpu.memory_space<vmem_shared>> -> memref<1x1x1024xf32, #tpu.memory_space<vmem_shared>>
      %dma_start3A_296 = tpu.memref_squeeze %dma_start3A_295 : memref<1x1x1024xf32, #tpu.memory_space<vmem_shared>> -> memref<1x1024xf32, #tpu.memory_space<vmem_shared>>
      %dma_start3A_297 = arith.constant 0 : i32
      %dma_start3A_298 = tpu.memref_slice %arg2[%get3A_291, %dma_start3A_297] : memref<8192x1024xf32, #tpu.memory_space<hbm>> -> memref<1x1024xf32, #tpu.memory_space<hbm>>
      tpu.enqueue_dma source(%dma_start3A_298 : memref<1x1024xf32, #tpu.memory_space<hbm>>) target(%dma_start3A_296 : memref<1x1024xf32, #tpu.memory_space<vmem_shared>>) target_semaphore(%arg10 : memref<!tpu.dma_semaphore, #tpu.memory_space<semaphore_mem>>)
    }
    %scan3A_169 = arith.constant 16 : i32
    %scan3A_170 = arith.constant 0 : i32
    %scan3A_171 = arith.constant 0 : i32
    %scan3A_172 = arith.constant 16 : i32
    %scan3A_173 = arith.addi %scan3A_171, %scan3A_172 : i32
    %scan3A_174 = arith.constant 1 : i32
    scf.for %scan3A_288 = %scan3A_171 to %scan3A_173 step %scan3A_174  : i32 {
      %add3A_289 = arith.addi %mul3A_4, %scan3A_288 : i32
      %dma_wait3A_290 = arith.constant 0 : i32
      %dma_wait3A_291 = arith.constant 0 : i32
      %dma_wait3A_292 = tpu.memref_slice %arg7[%dma_wait3A_290, %add3A_289, %dma_wait3A_291] : memref<6x256x1024xf32, #tpu.memory_space<vmem_shared>> -> memref<1x1x1024xf32, #tpu.memory_space<vmem_shared>>
      %dma_wait3A_293 = tpu.memref_squeeze %dma_wait3A_292 : memref<1x1x1024xf32, #tpu.memory_space<vmem_shared>> -> memref<1x1024xf32, #tpu.memory_space<vmem_shared>>
      %dma_wait3A_294 = arith.constant 0 : i32
      %dma_wait3A_295 = arith.constant 0 : i32
      %dma_wait3A_296 = tpu.memref_slice %arg2[%dma_wait3A_294, %dma_wait3A_295] : memref<8192x1024xf32, #tpu.memory_space<hbm>> -> memref<1x1024xf32, #tpu.memory_space<hbm>>
      tpu.wait_dma2 semaphore(%arg8 : memref<!tpu.dma_semaphore, #tpu.memory_space<semaphore_mem>>) src(%dma_wait3A_296 : memref<1x1024xf32, #tpu.memory_space<hbm>>) dst(%dma_wait3A_293 : memref<1x1024xf32, #tpu.memory_space<vmem_shared>>)
    }
    %scan3A_175 = arith.constant 16 : i32
    %add3A_176 = arith.constant 960 : i32
    %add3A_177 = arith.addi %mul3A_2, %add3A_176 : i32
    %dma_start3A_178 = arith.constant 0 : i32
    %dma_start3A_179 = arith.constant 0 : i32
    %dma_start3A_180 = tpu.memref_slice %arg4[%add3A_177, %dma_start3A_179] : memref<32768x1024xf32, #tpu.memory_space<hbm>> -> memref<16x1024xf32, #tpu.memory_space<hbm>>
    %dma_start3A_181 = arith.constant 0 : i32
    %dma_start3A_182 = tpu.memref_slice %arg7[%dma_start3A_178, %mul3A_4, %dma_start3A_181] : memref<6x256x1024xf32, #tpu.memory_space<vmem_shared>> -> memref<1x16x1024xf32, #tpu.memory_space<vmem_shared>>
    %dma_start3A_183 = tpu.memref_squeeze %dma_start3A_182 : memref<1x16x1024xf32, #tpu.memory_space<vmem_shared>> -> memref<16x1024xf32, #tpu.memory_space<vmem_shared>>
    tpu.enqueue_dma source(%dma_start3A_183 : memref<16x1024xf32, #tpu.memory_space<vmem_shared>>) target(%dma_start3A_180 : memref<16x1024xf32, #tpu.memory_space<hbm>>) target_semaphore(%arg14 : memref<!tpu.dma_semaphore, #tpu.memory_space<semaphore_mem>>)
    %add3A_184 = arith.constant 912 : i32
    %add3A_185 = arith.addi %mul3A_2, %add3A_184 : i32
    %dma_wait3A_186 = arith.constant 3 : i32
    %dma_wait3A_187 = arith.constant 0 : i32
    %dma_wait3A_188 = tpu.memref_slice %arg4[%add3A_185, %dma_wait3A_187] : memref<32768x1024xf32, #tpu.memory_space<hbm>> -> memref<16x1024xf32, #tpu.memory_space<hbm>>
    %dma_wait3A_189 = arith.constant 0 : i32
    %dma_wait3A_190 = tpu.memref_slice %arg7[%dma_wait3A_186, %mul3A_4, %dma_wait3A_189] : memref<6x256x1024xf32, #tpu.memory_space<vmem_shared>> -> memref<1x16x1024xf32, #tpu.memory_space<vmem_shared>>
    %dma_wait3A_191 = tpu.memref_squeeze %dma_wait3A_190 : memref<1x16x1024xf32, #tpu.memory_space<vmem_shared>> -> memref<16x1024xf32, #tpu.memory_space<vmem_shared>>
    tpu.wait_dma2 semaphore(%arg17 : memref<!tpu.dma_semaphore, #tpu.memory_space<semaphore_mem>>) src(%dma_wait3A_191 : memref<16x1024xf32, #tpu.memory_space<vmem_shared>>) dst(%dma_wait3A_188 : memref<16x1024xf32, #tpu.memory_space<hbm>>)
    %scan3A_192 = arith.constant 0 : i32
    %scan3A_193 = arith.constant 0 : i32
    %scan3A_194 = arith.constant 16 : i32
    %scan3A_195 = arith.addi %scan3A_193, %scan3A_194 : i32
    %scan3A_196 = arith.constant 1 : i32
    scf.for %scan3A_288 = %scan3A_193 to %scan3A_195 step %scan3A_196  : i32 {
      %add3A_289 = arith.constant 1008 : i32
      %add3A_290 = arith.addi %add3A_289, %scan3A_288 : i32
      %get3A = arith.index_cast %add3A_290 : i32 to index
      %get3A_291 = memref.load %arg5[%get3A] : memref<1024xi32, #tpu.memory_space<smem>>
      %add3A_292 = arith.addi %mul3A_4, %scan3A_288 : i32
      %dma_start3A_293 = arith.constant 3 : i32
      %dma_start3A_294 = arith.constant 0 : i32
      %dma_start3A_295 = tpu.memref_slice %arg7[%dma_start3A_293, %add3A_292, %dma_start3A_294] : memref<6x256x1024xf32, #tpu.memory_space<vmem_shared>> -> memref<1x1x1024xf32, #tpu.memory_space<vmem_shared>>
      %dma_start3A_296 = tpu.memref_squeeze %dma_start3A_295 : memref<1x1x1024xf32, #tpu.memory_space<vmem_shared>> -> memref<1x1024xf32, #tpu.memory_space<vmem_shared>>
      %dma_start3A_297 = arith.constant 0 : i32
      %dma_start3A_298 = tpu.memref_slice %arg2[%get3A_291, %dma_start3A_297] : memref<8192x1024xf32, #tpu.memory_space<hbm>> -> memref<1x1024xf32, #tpu.memory_space<hbm>>
      tpu.enqueue_dma source(%dma_start3A_298 : memref<1x1024xf32, #tpu.memory_space<hbm>>) target(%dma_start3A_296 : memref<1x1024xf32, #tpu.memory_space<vmem_shared>>) target_semaphore(%arg11 : memref<!tpu.dma_semaphore, #tpu.memory_space<semaphore_mem>>)
    }
    %scan3A_197 = arith.constant 16 : i32
    %scan3A_198 = arith.constant 0 : i32
    %scan3A_199 = arith.constant 0 : i32
    %scan3A_200 = arith.constant 16 : i32
    %scan3A_201 = arith.addi %scan3A_199, %scan3A_200 : i32
    %scan3A_202 = arith.constant 1 : i32
    scf.for %scan3A_288 = %scan3A_199 to %scan3A_201 step %scan3A_202  : i32 {
      %add3A_289 = arith.addi %mul3A_4, %scan3A_288 : i32
      %dma_wait3A_290 = arith.constant 1 : i32
      %dma_wait3A_291 = arith.constant 0 : i32
      %dma_wait3A_292 = tpu.memref_slice %arg7[%dma_wait3A_290, %add3A_289, %dma_wait3A_291] : memref<6x256x1024xf32, #tpu.memory_space<vmem_shared>> -> memref<1x1x1024xf32, #tpu.memory_space<vmem_shared>>
      %dma_wait3A_293 = tpu.memref_squeeze %dma_wait3A_292 : memref<1x1x1024xf32, #tpu.memory_space<vmem_shared>> -> memref<1x1024xf32, #tpu.memory_space<vmem_shared>>
      %dma_wait3A_294 = arith.constant 0 : i32
      %dma_wait3A_295 = arith.constant 0 : i32
      %dma_wait3A_296 = tpu.memref_slice %arg2[%dma_wait3A_294, %dma_wait3A_295] : memref<8192x1024xf32, #tpu.memory_space<hbm>> -> memref<1x1024xf32, #tpu.memory_space<hbm>>
      tpu.wait_dma2 semaphore(%arg9 : memref<!tpu.dma_semaphore, #tpu.memory_space<semaphore_mem>>) src(%dma_wait3A_296 : memref<1x1024xf32, #tpu.memory_space<hbm>>) dst(%dma_wait3A_293 : memref<1x1024xf32, #tpu.memory_space<vmem_shared>>)
    }
    %scan3A_203 = arith.constant 16 : i32
    %add3A_204 = arith.constant 976 : i32
    %add3A_205 = arith.addi %mul3A_2, %add3A_204 : i32
    %dma_start3A_206 = arith.constant 1 : i32
    %dma_start3A_207 = arith.constant 0 : i32
    %dma_start3A_208 = tpu.memref_slice %arg4[%add3A_205, %dma_start3A_207] : memref<32768x1024xf32, #tpu.memory_space<hbm>> -> memref<16x1024xf32, #tpu.memory_space<hbm>>
    %dma_start3A_209 = arith.constant 0 : i32
    %dma_start3A_210 = tpu.memref_slice %arg7[%dma_start3A_206, %mul3A_4, %dma_start3A_209] : memref<6x256x1024xf32, #tpu.memory_space<vmem_shared>> -> memref<1x16x1024xf32, #tpu.memory_space<vmem_shared>>
    %dma_start3A_211 = tpu.memref_squeeze %dma_start3A_210 : memref<1x16x1024xf32, #tpu.memory_space<vmem_shared>> -> memref<16x1024xf32, #tpu.memory_space<vmem_shared>>
    tpu.enqueue_dma source(%dma_start3A_211 : memref<16x1024xf32, #tpu.memory_space<vmem_shared>>) target(%dma_start3A_208 : memref<16x1024xf32, #tpu.memory_space<hbm>>) target_semaphore(%arg15 : memref<!tpu.dma_semaphore, #tpu.memory_space<semaphore_mem>>)
    %add3A_212 = arith.constant 928 : i32
    %add3A_213 = arith.addi %mul3A_2, %add3A_212 : i32
    %dma_wait3A_214 = arith.constant 4 : i32
    %dma_wait3A_215 = arith.constant 0 : i32
    %dma_wait3A_216 = tpu.memref_slice %arg4[%add3A_213, %dma_wait3A_215] : memref<32768x1024xf32, #tpu.memory_space<hbm>> -> memref<16x1024xf32, #tpu.memory_space<hbm>>
    %dma_wait3A_217 = arith.constant 0 : i32
    %dma_wait3A_218 = tpu.memref_slice %arg7[%dma_wait3A_214, %mul3A_4, %dma_wait3A_217] : memref<6x256x1024xf32, #tpu.memory_space<vmem_shared>> -> memref<1x16x1024xf32, #tpu.memory_space<vmem_shared>>
    %dma_wait3A_219 = tpu.memref_squeeze %dma_wait3A_218 : memref<1x16x1024xf32, #tpu.memory_space<vmem_shared>> -> memref<16x1024xf32, #tpu.memory_space<vmem_shared>>
    tpu.wait_dma2 semaphore(%arg18 : memref<!tpu.dma_semaphore, #tpu.memory_space<semaphore_mem>>) src(%dma_wait3A_219 : memref<16x1024xf32, #tpu.memory_space<vmem_shared>>) dst(%dma_wait3A_216 : memref<16x1024xf32, #tpu.memory_space<hbm>>)
    %scan3A_220 = arith.constant 0 : i32
    %scan3A_221 = arith.constant 0 : i32
    %scan3A_222 = arith.constant 16 : i32
    %scan3A_223 = arith.addi %scan3A_221, %scan3A_222 : i32
    %scan3A_224 = arith.constant 1 : i32
    scf.for %scan3A_288 = %scan3A_221 to %scan3A_223 step %scan3A_224  : i32 {
      %add3A_289 = arith.addi %mul3A_4, %scan3A_288 : i32
      %dma_wait3A_290 = arith.constant 2 : i32
      %dma_wait3A_291 = arith.constant 0 : i32
      %dma_wait3A_292 = tpu.memref_slice %arg7[%dma_wait3A_290, %add3A_289, %dma_wait3A_291] : memref<6x256x1024xf32, #tpu.memory_space<vmem_shared>> -> memref<1x1x1024xf32, #tpu.memory_space<vmem_shared>>
      %dma_wait3A_293 = tpu.memref_squeeze %dma_wait3A_292 : memref<1x1x1024xf32, #tpu.memory_space<vmem_shared>> -> memref<1x1024xf32, #tpu.memory_space<vmem_shared>>
      %dma_wait3A_294 = arith.constant 0 : i32
      %dma_wait3A_295 = arith.constant 0 : i32
      %dma_wait3A_296 = tpu.memref_slice %arg2[%dma_wait3A_294, %dma_wait3A_295] : memref<8192x1024xf32, #tpu.memory_space<hbm>> -> memref<1x1024xf32, #tpu.memory_space<hbm>>
      tpu.wait_dma2 semaphore(%arg10 : memref<!tpu.dma_semaphore, #tpu.memory_space<semaphore_mem>>) src(%dma_wait3A_296 : memref<1x1024xf32, #tpu.memory_space<hbm>>) dst(%dma_wait3A_293 : memref<1x1024xf32, #tpu.memory_space<vmem_shared>>)
    }
    %scan3A_225 = arith.constant 16 : i32
    %add3A_226 = arith.constant 992 : i32
    %add3A_227 = arith.addi %mul3A_2, %add3A_226 : i32
    %dma_start3A_228 = arith.constant 2 : i32
    %dma_start3A_229 = arith.constant 0 : i32
    %dma_start3A_230 = tpu.memref_slice %arg4[%add3A_227, %dma_start3A_229] : memref<32768x1024xf32, #tpu.memory_space<hbm>> -> memref<16x1024xf32, #tpu.memory_space<hbm>>
    %dma_start3A_231 = arith.constant 0 : i32
    %dma_start3A_232 = tpu.memref_slice %arg7[%dma_start3A_228, %mul3A_4, %dma_start3A_231] : memref<6x256x1024xf32, #tpu.memory_space<vmem_shared>> -> memref<1x16x1024xf32, #tpu.memory_space<vmem_shared>>
    %dma_start3A_233 = tpu.memref_squeeze %dma_start3A_232 : memref<1x16x1024xf32, #tpu.memory_space<vmem_shared>> -> memref<16x1024xf32, #tpu.memory_space<vmem_shared>>
    tpu.enqueue_dma source(%dma_start3A_233 : memref<16x1024xf32, #tpu.memory_space<vmem_shared>>) target(%dma_start3A_230 : memref<16x1024xf32, #tpu.memory_space<hbm>>) target_semaphore(%arg16 : memref<!tpu.dma_semaphore, #tpu.memory_space<semaphore_mem>>)
    %add3A_234 = arith.constant 944 : i32
    %add3A_235 = arith.addi %mul3A_2, %add3A_234 : i32
    %dma_wait3A_236 = arith.constant 5 : i32
    %dma_wait3A_237 = arith.constant 0 : i32
    %dma_wait3A_238 = tpu.memref_slice %arg4[%add3A_235, %dma_wait3A_237] : memref<32768x1024xf32, #tpu.memory_space<hbm>> -> memref<16x1024xf32, #tpu.memory_space<hbm>>
    %dma_wait3A_239 = arith.constant 0 : i32
    %dma_wait3A_240 = tpu.memref_slice %arg7[%dma_wait3A_236, %mul3A_4, %dma_wait3A_239] : memref<6x256x1024xf32, #tpu.memory_space<vmem_shared>> -> memref<1x16x1024xf32, #tpu.memory_space<vmem_shared>>
    %dma_wait3A_241 = tpu.memref_squeeze %dma_wait3A_240 : memref<1x16x1024xf32, #tpu.memory_space<vmem_shared>> -> memref<16x1024xf32, #tpu.memory_space<vmem_shared>>
    tpu.wait_dma2 semaphore(%arg19 : memref<!tpu.dma_semaphore, #tpu.memory_space<semaphore_mem>>) src(%dma_wait3A_241 : memref<16x1024xf32, #tpu.memory_space<vmem_shared>>) dst(%dma_wait3A_238 : memref<16x1024xf32, #tpu.memory_space<hbm>>)
    %scan3A_242 = arith.constant 0 : i32
    %scan3A_243 = arith.constant 0 : i32
    %scan3A_244 = arith.constant 16 : i32
    %scan3A_245 = arith.addi %scan3A_243, %scan3A_244 : i32
    %scan3A_246 = arith.constant 1 : i32
    scf.for %scan3A_288 = %scan3A_243 to %scan3A_245 step %scan3A_246  : i32 {
      %add3A_289 = arith.addi %mul3A_4, %scan3A_288 : i32
      %dma_wait3A_290 = arith.constant 3 : i32
      %dma_wait3A_291 = arith.constant 0 : i32
      %dma_wait3A_292 = tpu.memref_slice %arg7[%dma_wait3A_290, %add3A_289, %dma_wait3A_291] : memref<6x256x1024xf32, #tpu.memory_space<vmem_shared>> -> memref<1x1x1024xf32, #tpu.memory_space<vmem_shared>>
      %dma_wait3A_293 = tpu.memref_squeeze %dma_wait3A_292 : memref<1x1x1024xf32, #tpu.memory_space<vmem_shared>> -> memref<1x1024xf32, #tpu.memory_space<vmem_shared>>
      %dma_wait3A_294 = arith.constant 0 : i32
      %dma_wait3A_295 = arith.constant 0 : i32
      %dma_wait3A_296 = tpu.memref_slice %arg2[%dma_wait3A_294, %dma_wait3A_295] : memref<8192x1024xf32, #tpu.memory_space<hbm>> -> memref<1x1024xf32, #tpu.memory_space<hbm>>
      tpu.wait_dma2 semaphore(%arg11 : memref<!tpu.dma_semaphore, #tpu.memory_space<semaphore_mem>>) src(%dma_wait3A_296 : memref<1x1024xf32, #tpu.memory_space<hbm>>) dst(%dma_wait3A_293 : memref<1x1024xf32, #tpu.memory_space<vmem_shared>>)
    }
    %scan3A_247 = arith.constant 16 : i32
    %add3A_248 = arith.constant 1008 : i32
    %add3A_249 = arith.addi %mul3A_2, %add3A_248 : i32
    %dma_start3A_250 = arith.constant 3 : i32
    %dma_start3A_251 = arith.constant 0 : i32
    %dma_start3A_252 = tpu.memref_slice %arg4[%add3A_249, %dma_start3A_251] : memref<32768x1024xf32, #tpu.memory_space<hbm>> -> memref<16x1024xf32, #tpu.memory_space<hbm>>
    %dma_start3A_253 = arith.constant 0 : i32
    %dma_start3A_254 = tpu.memref_slice %arg7[%dma_start3A_250, %mul3A_4, %dma_start3A_253] : memref<6x256x1024xf32, #tpu.memory_space<vmem_shared>> -> memref<1x16x1024xf32, #tpu.memory_space<vmem_shared>>
    %dma_start3A_255 = tpu.memref_squeeze %dma_start3A_254 : memref<1x16x1024xf32, #tpu.memory_space<vmem_shared>> -> memref<16x1024xf32, #tpu.memory_space<vmem_shared>>
    tpu.enqueue_dma source(%dma_start3A_255 : memref<16x1024xf32, #tpu.memory_space<vmem_shared>>) target(%dma_start3A_252 : memref<16x1024xf32, #tpu.memory_space<hbm>>) target_semaphore(%arg17 : memref<!tpu.dma_semaphore, #tpu.memory_space<semaphore_mem>>)
    %add3A_256 = arith.constant 960 : i32
    %add3A_257 = arith.addi %mul3A_2, %add3A_256 : i32
    %dma_wait3A_258 = arith.constant 0 : i32
    %dma_wait3A_259 = arith.constant 0 : i32
    %dma_wait3A_260 = tpu.memref_slice %arg4[%add3A_257, %dma_wait3A_259] : memref<32768x1024xf32, #tpu.memory_space<hbm>> -> memref<16x1024xf32, #tpu.memory_space<hbm>>
    %dma_wait3A_261 = arith.constant 0 : i32
    %dma_wait3A_262 = tpu.memref_slice %arg7[%dma_wait3A_258, %mul3A_4, %dma_wait3A_261] : memref<6x256x1024xf32, #tpu.memory_space<vmem_shared>> -> memref<1x16x1024xf32, #tpu.memory_space<vmem_shared>>
    %dma_wait3A_263 = tpu.memref_squeeze %dma_wait3A_262 : memref<1x16x1024xf32, #tpu.memory_space<vmem_shared>> -> memref<16x1024xf32, #tpu.memory_space<vmem_shared>>
    tpu.wait_dma2 semaphore(%arg14 : memref<!tpu.dma_semaphore, #tpu.memory_space<semaphore_mem>>) src(%dma_wait3A_263 : memref<16x1024xf32, #tpu.memory_space<vmem_shared>>) dst(%dma_wait3A_260 : memref<16x1024xf32, #tpu.memory_space<hbm>>)
    %add3A_264 = arith.constant 976 : i32
    %add3A_265 = arith.addi %mul3A_2, %add3A_264 : i32
    %dma_wait3A_266 = arith.constant 1 : i32
    %dma_wait3A_267 = arith.constant 0 : i32
    %dma_wait3A_268 = tpu.memref_slice %arg4[%add3A_265, %dma_wait3A_267] : memref<32768x1024xf32, #tpu.memory_space<hbm>> -> memref<16x1024xf32, #tpu.memory_space<hbm>>
    %dma_wait3A_269 = arith.constant 0 : i32
    %dma_wait3A_270 = tpu.memref_slice %arg7[%dma_wait3A_266, %mul3A_4, %dma_wait3A_269] : memref<6x256x1024xf32, #tpu.memory_space<vmem_shared>> -> memref<1x16x1024xf32, #tpu.memory_space<vmem_shared>>
    %dma_wait3A_271 = tpu.memref_squeeze %dma_wait3A_270 : memref<1x16x1024xf32, #tpu.memory_space<vmem_shared>> -> memref<16x1024xf32, #tpu.memory_space<vmem_shared>>
    tpu.wait_dma2 semaphore(%arg15 : memref<!tpu.dma_semaphore, #tpu.memory_space<semaphore_mem>>) src(%dma_wait3A_271 : memref<16x1024xf32, #tpu.memory_space<vmem_shared>>) dst(%dma_wait3A_268 : memref<16x1024xf32, #tpu.memory_space<hbm>>)
    %add3A_272 = arith.constant 992 : i32
    %add3A_273 = arith.addi %mul3A_2, %add3A_272 : i32
    %dma_wait3A_274 = arith.constant 2 : i32
    %dma_wait3A_275 = arith.constant 0 : i32
    %dma_wait3A_276 = tpu.memref_slice %arg4[%add3A_273, %dma_wait3A_275] : memref<32768x1024xf32, #tpu.memory_space<hbm>> -> memref<16x1024xf32, #tpu.memory_space<hbm>>
    %dma_wait3A_277 = arith.constant 0 : i32
    %dma_wait3A_278 = tpu.memref_slice %arg7[%dma_wait3A_274, %mul3A_4, %dma_wait3A_277] : memref<6x256x1024xf32, #tpu.memory_space<vmem_shared>> -> memref<1x16x1024xf32, #tpu.memory_space<vmem_shared>>
    %dma_wait3A_279 = tpu.memref_squeeze %dma_wait3A_278 : memref<1x16x1024xf32, #tpu.memory_space<vmem_shared>> -> memref<16x1024xf32, #tpu.memory_space<vmem_shared>>
    tpu.wait_dma2 semaphore(%arg16 : memref<!tpu.dma_semaphore, #tpu.memory_space<semaphore_mem>>) src(%dma_wait3A_279 : memref<16x1024xf32, #tpu.memory_space<vmem_shared>>) dst(%dma_wait3A_276 : memref<16x1024xf32, #tpu.memory_space<hbm>>)
    %add3A_280 = arith.constant 1008 : i32
    %add3A_281 = arith.addi %mul3A_2, %add3A_280 : i32
    %dma_wait3A_282 = arith.constant 3 : i32
    %dma_wait3A_283 = arith.constant 0 : i32
    %dma_wait3A_284 = tpu.memref_slice %arg4[%add3A_281, %dma_wait3A_283] : memref<32768x1024xf32, #tpu.memory_space<hbm>> -> memref<16x1024xf32, #tpu.memory_space<hbm>>
    %dma_wait3A_285 = arith.constant 0 : i32
    %dma_wait3A_286 = tpu.memref_slice %arg7[%dma_wait3A_282, %mul3A_4, %dma_wait3A_285] : memref<6x256x1024xf32, #tpu.memory_space<vmem_shared>> -> memref<1x16x1024xf32, #tpu.memory_space<vmem_shared>>
    %dma_wait3A_287 = tpu.memref_squeeze %dma_wait3A_286 : memref<1x16x1024xf32, #tpu.memory_space<vmem_shared>> -> memref<16x1024xf32, #tpu.memory_space<vmem_shared>>
    tpu.wait_dma2 semaphore(%arg17 : memref<!tpu.dma_semaphore, #tpu.memory_space<semaphore_mem>>) src(%dma_wait3A_287 : memref<16x1024xf32, #tpu.memory_space<vmem_shared>>) dst(%dma_wait3A_284 : memref<16x1024xf32, #tpu.memory_space<hbm>>)
    return
  }
}

</mosaic_0001>

<sc_bundles>
// kernel: kernel.3.cloned.1.call-start
scs
__scs_entry_jumppad:
0x0: {  	(pc) =	sbr.rel $0x88, $3  }
0x1: {  	(tag) =	ssettag $0x0;
	lr =	simm.s32 $0x1  }
0x2: {  	[smem:$0x3F9F] =	sst lr;
	_ =	strace $0xD0000000  }
0x3: {  	_ = 	snop  }
0x4: {  	_ = 	snop  }
0x5: {  	_ = 	snop  }
0x6: {  	_ = 	snop  }
0x7: {  	_ = 	snop  }
__scs_overlays_trampoline_lowered:
0x8: {  	[smem:$0x3FAE] =	sst s0  }
0x9: {  	[smem:$0x3FAF] =	sst s1  }
0xa: {  	[smem:$0x3FB0] =	sst s2  }
0xb: {  	[smem:$0x3FB1] =	sst s3  }
0xc: {  	[smem:$0x3FB2] =	sst s4  }
0xd: {  	[smem:$0x3FB3] =	sst s5  }
0xe: {  	[smem:$0x3FB4] =	sst s6  }
0xf: {  	[smem:$0x3FB5] =	sst s7  }
0x10: {  	[smem:$0x3FB6] =	sst s8  }
0x11: {  	[smem:$0x3FB7] =	sst s9;
	s0 =	simm.s32 @!p0 $0x0  }
0x12: {  	s1 =	sld [smem:$0x3F9D];
	s0 =	simm.s32 @p0 $0x1  }
0x13: {  	[smem:$0x3FB8] =	sst s0;
	s0 =	simm.s32 @!p1 $0x0  }
0x14: {  	s2 =	sld [smem:$0x3F9C];
	s0 =	simm.s32 @p1 $0x1  }
0x15: {  	[smem:$0x3FB9] =	sst s0;
	s0 =	simm.s32 @!p2 $0x0  }
0x16: {  	s3 =	sld [smem:$0x3FDB];
	s0 =	simm.s32 @p2 $0x1  }
0x17: {  	s4 =	simm.s32 $0x1BF5;
	[smem:$0x3FBB] =	sst s0  }
0x18: {  	s0 =	sld [smem:$0x3F9E];
	_ =	swait.ge [sflag:s4], $0x0  }
0x19: {  	s7 =	sld [smem:$0x3F9F]  }
0x1a: {  	s8 =	sadd.s32 $0xFFFFE003, lr  }
0x1b: {  	s9 =	sadd.s32 $0xFFFFFEF7, lr;
	s5 =	simm.s32 $0xFFFFFFFF;
	p2 =	slt.u32 s8, $0xFFFFF086  }
0x1c: {  	p1 =	slt.u32 s9, $0xF7A;
	s5 =	simm.s32 @!p2 $0x0  }
0x1d: {  	s5 =	simm.s32 @p1 $0x1;
	p0 =	seq.s32 s7, s2  }
0x1e: {  	s7 =	smul.u32 @!p0 $0xF7A, s2;
	p2 =	seq.s32 @!p0 s5, $0x0  }
0x1f: {  	s9 =	smul.u32 $0xF7A, s1;
	s8 =	simm.s32 @!p0 $0x1BF5;
	p2 =	por !p2, p0  }
0x20: {  	[sflag:s8] =	ssyncset.s32 @!p0 $0xFFFFF086;
	s6 =	sadd.s32 @!p0 s3, s7;
	s7 =	simm.s32 @!p0 $0x108  }
0x21: {  	s3 =	sadd.s32 s3, s9;
	s6 =	sadd.s32 @!p0 $0x88, s6;
	s7 =	simm.s32 @p2 $0x1082  }
0x22: {  	[simem:s7], [sflag:s8] =	dma.local @!p0 [hbm:s6], $0xF7A  }
0x23: {  	s9 =	sor.u32 $0xD0000000, s2;
	s6 =	simm.s32 $0x108;
	_ =	swait.ge @!p0 [sflag:s8], $0x0  }
0x24: {  	s3 =	sadd.s32 $0x88, s3;
	s6 =	simm.s32 @!p1 $0x1082;
	[sflag:s4] =	ssyncset.s32 $0xFFFFF086  }
0x25: {  	[simem:s6], [sflag:s4] =	dma.local [hbm:s3], $0xF7A  }
0x26: {  	[smem:$0x3F9F] =	sst s1;
	(tag) =	ssettag s2;
	_ =	strace s9  }
0x27: {  	s1 =	sld [smem:$0x3FAF]  }
0x28: {  	s2 =	sld [smem:$0x3FB0]  }
0x29: {  	s4 =	sld [smem:$0x3FB2]  }
0x2a: {  	p0 =	seq.s32 s5, $0x0;
	s5 =	sld [smem:$0x3FB3]  }
0x2b: {  	s6 =	sld [smem:$0x3FB4]  }
0x2c: {  	s7 =	sld [smem:$0x3FB5]  }
0x2d: {  	s3 =	simm.s32 $0x108;
	s8 =	sld [smem:$0x3FB6]  }
0x2e: {  	s3 =	simm.s32 @!p0 $0x1082;
	s9 =	sld [smem:$0x3FB7]  }
0x2f: {  	lr =	sadd.s32 s0, s3;
	s0 =	sld [smem:$0x3FAE]  }
0x30: {  	s3 =	sld [smem:$0x3FB1]  }
0x31: {  	[smem:$0x3FBA] =	sst s10  }
0x32: {  	s10 =	sld [smem:$0x3FB8];
	_ =	sdelay $0x3  }
0x33: {  	p0 =	seq.s32 s10, $0x1;
	s10 =	sld [smem:$0x3FBA];
	_ =	sdelay $0x3  }
0x34: {  	[smem:$0x3FBA] =	sst s10  }
0x35: {  	s10 =	sld [smem:$0x3FB9];
	_ =	sdelay $0x3  }
0x36: {  	p1 =	seq.s32 s10, $0x1;
	s10 =	sld [smem:$0x3FBA];
	_ =	sdelay $0x3  }
0x37: {  	[smem:$0x3FBA] =	sst s10  }
0x38: {  	s10 =	sld [smem:$0x3FBB]  }
0x39: {  	_ = 	snop;
	(pc) =	sbr.ind lr, $3  }
0x3a: {  	_ = 	snop  }
0x3b: {  	_ = 	snop  }
0x3c: {  	p2 =	seq.s32 s10, $0x1;
	s10 =	sld [smem:$0x3FBA]  }
0x3d: {  	_ =	shalt  }
0x3e: {  	_ =	shalt  }
0x3f: {  	_ =	shalt  }
0x40: {  	_ =	shalt  }
0x41: {  	_ =	shalt  }
0x42: {  	_ =	shalt  }
0x43: {  	_ =	shalt  }
0x44: {  	_ =	shalt  }
0x45: {  	_ =	shalt  }
0x46: {  	_ =	shalt  }
0x47: {  	_ =	shalt  }
0x48: {  	_ =	shalt  }
0x49: {  	_ =	shalt  }
0x4a: {  	_ =	shalt  }
0x4b: {  	_ =	shalt  }
0x4c: {  	_ =	shalt  }
0x4d: {  	_ =	shalt  }
0x4e: {  	_ =	shalt  }
0x4f: {  	_ =	shalt  }
0x50: {  	_ =	shalt  }
0x51: {  	_ =	shalt  }
0x52: {  	_ =	shalt  }
0x53: {  	_ =	shalt  }
0x54: {  	_ =	shalt  }
0x55: {  	_ =	shalt  }
0x56: {  	_ =	shalt  }
0x57: {  	_ =	shalt  }
0x58: {  	_ =	shalt  }
0x59: {  	_ =	shalt  }
0x5a: {  	_ =	shalt  }
0x5b: {  	_ =	shalt  }
0x5c: {  	_ =	shalt  }
0x5d: {  	_ =	shalt  }
0x5e: {  	_ =	shalt  }
0x5f: {  	_ =	shalt  }
0x60: {  	_ =	shalt  }
0x61: {  	_ =	shalt  }
0x62: {  	_ =	shalt  }
0x63: {  	_ =	shalt  }
0x64: {  	_ =	shalt  }
0x65: {  	_ =	shalt  }
0x66: {  	_ =	shalt  }
0x67: {  	_ =	shalt  }
0x68: {  	_ =	shalt  }
0x69: {  	_ =	shalt  }
0x6a: {  	_ =	shalt  }
0x6b: {  	_ =	shalt  }
0x6c: {  	_ =	shalt  }
0x6d: {  	_ =	shalt  }
0x6e: {  	_ =	shalt  }
0x6f: {  	_ =	shalt  }
0x70: {  	_ =	shalt  }
0x71: {  	_ =	shalt  }
0x72: {  	_ =	shalt  }
0x73: {  	_ =	shalt  }
0x74: {  	_ =	shalt  }
0x75: {  	_ =	shalt  }
0x76: {  	_ =	shalt  }
0x77: {  	_ =	shalt  }
0x78: {  	_ =	shalt  }
0x79: {  	_ =	shalt  }
0x7a: {  	_ =	shalt  }
0x7b: {  	_ =	shalt  }
0x7c: {  	_ =	shalt  }
0x7d: {  	_ =	shalt  }
0x7e: {  	_ =	shalt  }
0x7f: {  	_ =	shalt  }
0x80: {  	_ =	shalt  }
0x81: {  	_ =	shalt  }
0x82: {  	_ =	shalt  }
0x83: {  	_ =	shalt  }
0x84: {  	_ =	shalt  }
0x85: {  	_ =	shalt  }
0x86: {  	_ =	shalt  }
0x87: {  	_ =	shalt  }
.Lfunc_end0:
.L_simem_size_0:
called_computation_lowered:
.L_overlay_start_0:
0x88: {  	s2 =	sld [smem:$0x3FD9]  }
0x89: {  	s3 =	sld [smem:$0x3FFE];
	_ =	sdelay $0x1  }
0x8a: {  	s1 =	srdreg.scid  }
0x8b: {  	s0 =	sand.u32 $0x1, s1  }
0x8c: {  	s17 =	sshll.u32 s0, $0xA;
	s2 =	sadd.s32 s3, s2  }
0x8d: {  	s2 =	sadd.s32 s2, s17  }
0x8e: {  	[smem:$0x3FC6] =	sst s2  }
0x8f: {  	_ = 	snop  }
0x90: {  	s2 =	sld [smem:$0x3FC8]  }
0x91: {  	s18 =	sld [smem:$0x3FD0];
	(tm) =	ssettm $0x1  }
0x92: {  	s4 =	sld [smem:$0x3FFB];
	_ =	sdelay $0x3  }
0x93: {  	_ =	strace s4  }
0x94: {  	s4 =	sld [smem:$0x3FFC];
	_ =	sdelay $0x3  }
0x95: {  	_ =	strace s4  }
0x96: {  	s4 =	sld [smem:$0x3FFD];
	_ =	sdelay $0x3  }
0x97: {  	_ =	strace s4  }
0x98: {  	_ =	strace $0x8FFFFFFF  }
0x99: {  	s19 =	sld [smem:$0x3FDB];
	_ =	sdelay $0x1  }
0x9a: {  	s5 =	simm.s32 $_scs_section_size  }
0x9b: {  	s6 =	simm.s32 $_size__tile_overlayer_lowered;
	s7 =	simm.s32 $_tile_overlayer_lowered  }
0x9c: {  	s22 =	simm.s32 $0x1BFF;
	s21 =	sshll.u32 s7, $0x1;
	s4 =	sadd.s32 s5, s19  }
0x9d: {  	s8 =	simm.s32 $0x0;
	s20 =	sshll.u32 s6, $0x1;
	s6 =	sadd.s32 s21, s4  }
0x9e: {  	[timem:s8], [sflag:s22] =	dma.local [hbm:s6], s20  }
0x9f: {  	_ =	swait.ge [sflag:s22], s20  }
0xa0: {  	s5 =	ssub.s32 $0x0, s20;
	[sflag:s22] =	ssyncset.done $0x0  }
0xa1: {  	[sflag:s22] =	ssyncadd.s32 s5;
	_ =	sdelay $0x1  }
0xa2: {  	s23 =	simm.s32 $0x1B8B  }
0xa3: {  	_ =	swait.ge [sflag:s23], $0x1  }
0xa4: {  	[sflag:s23] =	ssyncset.done $0x0  }
0xa5: {  	s25 =	simm.s32 $0x1B8E;
	s24 =	sld [smem:$0x3FFE];
	[sflag:s23] =	ssyncadd.s32 $0xFFFFFFFF  }
0xa6: {  	s26 =	simm.s32 $execute0_lowered;
	[smem:$0x3FD2] =	sst s25  }
0xa7: {  	s6 =	sshll.u32 s26, $0x1;
	_ =	strace $0x80000046;
	[dreg:$0x1] =	wrdreg $0xFFFFFFFF  }
0xa8: {  	s28 =	simm.s32 $_size_execute0_lowered;
	s4 =	sadd.s32 s4, s6;
	[dreg:$0x0] =	wrdreg $0x0  }
0xa9: {  	s6 =	sshll.u32 s28, $0x1;
	[dreg:$0x2] =	wrdreg s4  }
0xaa: {  	[dreg:$0x3] =	wrdreg s6  }
0xab: {  	[dreg:$0x4] =	wrdreg $0xC0  }
0xac: {  	_ =	task [dreg:s8], $0x5FFFF  }
0xad: {  	[dreg:$0x1] =	wrdreg $0xFFFFFFFF  }
0xae: {  	[dreg:$0x0] =	wrdreg $0x60  }
0xaf: {  	[dreg:$0x2] =	wrdreg s2  }
0xb0: {  	[dreg:$0x3] =	wrdreg s24  }
0xb1: {  	[dreg:$0x4] =	wrdreg s18  }
0xb2: {  	[dreg:$0x5] =	wrdreg $0x0  }
0xb3: {  	[dreg:$0x6] =	wrdreg $0x4000  }
0xb4: {  	[dreg:$0x7] =	wrdreg $0x9  }
0xb5: {  	_ =	task.clear_ibuf [dreg:s8], $0x8FFFF;
	_ =	strace $0x90000046  }
0xb6: {  	s29 =	simm.s32 $0x9;
	_ =	strace $0x80000048  }
0xb7: {  	_ =	swait.ge [sflag:s29], $0x1  }
0xb8: {  	[sflag:s29] =	ssyncadd.s32 $0xFFFFFFFF  }
0xb9: {  	_ =	strace $0x90000048  }
0xba: {  	_ =	sfence  }
0xbb: {  	s30 =	sld [smem:$0x0];
	_ =	sdelay $0x2  }
0xbc: {  	s31 =	sshll.u32 s1, $0xD;
	s1 =	sshrl.u32 s1, $0x2  }
0xbd: {  	s3 =	sand.u32 $0x4000, s31;
	s1 =	sadd.s32 s1, s30  }
0xbe: {  	s0 =	sor.u32 s3, s0;
	s1 =	sshll.u32 s1, $0x11  }
0xbf: {  	s0 =	sor.u32 s1, s0  }
0xc0: {  	s0 =	sadd.s32 $0x8F2B, s0  }
0xc1: {  	[sflag:s0] =	ssyncadd.remote.s32 $0x1  }
0xc2: {  	_ =	sfence.sel $0xFFFF  }
0xc3: {  	[dreg:$0x0] =	wrdreg $0xFFFFFFFF;
	(pc) =	sbr.abs _section_cstart, $3  }
0xc4: {  	[dreg:$0x1] =	wrdreg $0xFFFFFFFF  }
0xc5: {  	_ =	task.clear_ibuf [dreg:s8], $0x2FFFF;
	_ =	strace $0x9FFFFFFF  }
0xc6: {  	(tm) =	ssettm $0x7FFFFFFF  }
0xc7: {  	_ =	shalt  }
tec
execute0_lowered:
.L_overlay_start_1:
0x0: {  	(tag) =	ssettag $0x1  }
0x1: {  	s1 =	rddreg [dreg:$0x0]  }
0x2: {  	s0 =	rddreg [dreg:$0x1]  }
0x3: {  	s11 =	rddreg [dreg:$0x2]  }
0x4: {  	s2 =	srdreg.scid;
	s5 =	rddreg [dreg:$0x3]  }
0x5: {  	s10 =	stileid.u32;
	s4 =	rddreg [dreg:$0x4]  }
0x6: {  	s8 =	simm.s32 $0x0;
	s2 =	sand.u32 $0x1, s2;
	s3 =	sshll.u32 s10, $0x1  }
0x7: {  	[smem:$0x7FF] =	sst s8;
	s19 =	sshll.u32 s10, $0xA;
	s9 =	sshll.u32 s10, $0x7  }
0x8: {  	s22 =	sshll.u32 s10, $0xE;
	s23 =	sshll.u32 s10, $0x6;
	s3 =	sor.u32 s2, s3  }
0x9: {  	_ =	strace $0x80000047;
	s2 =	ssub.s32 $0x2, s2;
	[dreg:$0x8] =	wrdreg s22  }
0xa: {  	s24 =	sadd.s32 s22, s4;
	[dreg:$0x9] =	wrdreg s23;
	s26 =	sor.u32 $0x1C0D, s23  }
0xb: {  	s6 =	sshll.u32 s3, $0xA;
	s7 =	sshll.u32 s3, $0x7;
	[dreg:$0xb] =	wrdreg s26  }
0xc: {  	s20 =	sshrl.u32 s2, $0x1;
	s28 =	sadd.s32 $0x40000, s24;
	[dreg:$0xa] =	wrdreg s24  }
0xd: {  	s25 =	sshll.u32 s3, $0x11;
	s10 =	sadd.s32 $0xC0000, s24;
	[dreg:$0xd] =	wrdreg s28  }
0xe: {  	s12 =	sadd.s32 $0x100000, s24;
	s14 =	sadd.s32 $0x140000, s24;
	[dreg:$0x11] =	wrdreg s10  }
0xf: {  	s7 =	sor.u32 s7, s6;
	s2 =	ssub.s32 s2, s20;
	[dreg:$0x13] =	wrdreg s12  }
0x10: {  	s13 =	sor.u32 $0x40, s6;
	[dreg:$0x15] =	wrdreg s14;
	s7 =	sand.u32 $0x6380, s7  }
0x11: {  	s15 =	sor.u32 $0x50, s6;
	[dreg:$0x14] =	wrdreg s13;
	s7 =	sshrl.u32 s7, $0x3  }
0x12: {  	[dreg:$0x16] =	wrdreg s15;
	s2 =	smax.u32 s2, $0x1;
	s0 =	sadd.s32 s7, s0  }
0x13: {  	[dreg:$0x19] =	wrdreg s2;
	s7 =	sand.u32 $0x2000, s19;
	s0 =	sadd.s32 $0x400, s0  }
0x14: {  	s5 =	sadd.s32 s7, s5;
	s7 =	sadd.s32 $0x80000, s24;
	[dreg:$0x7] =	wrdreg s0  }
0x15: {  	s0 =	sadd.s32 s11, s25;
	[dreg:$0xf] =	wrdreg s7;
	s11 =	sor.u32 $0x30, s6  }
0x16: {  	s21 =	sand.u32 $0x380, s9;
	[dreg:$0x12] =	wrdreg s11  }
0x17: {  	s5 =	sadd.s32 s21, s5;
	[dreg:$0xc] =	wrdreg s0  }
0x18: {  	s30 =	sadd.s32 $0x800, s0;
	[dreg:$0x6] =	wrdreg s5  }
0x19: {  	s9 =	sadd.s32 $0x1000, s0;
	[dreg:$0xe] =	wrdreg s30  }
0x1a: {  	s16 =	sadd.s32 $0x1C800, s0;
	[dreg:$0x10] =	wrdreg s9  }
0x1b: {  	s17 =	sadd.s32 $0x1D000, s0;
	[dreg:$0x17] =	wrdreg s16  }
0x1c: {  	s18 =	sadd.s32 $0x1D800, s0;
	[dreg:$0x18] =	wrdreg s17  }
0x1d: {  	s19 =	sadd.s32 $0x1E000, s0;
	[dreg:$0x1a] =	wrdreg s18  }
0x1e: {  	s20 =	sadd.s32 $0x1E800, s0;
	[dreg:$0x1b] =	wrdreg s19  }
0x1f: {  	s21 =	sadd.s32 $0x1F000, s0;
	[dreg:$0x1c] =	wrdreg s20  }
0x20: {  	s0 =	sadd.s32 $0x1F800, s0;
	[dreg:$0x1d] =	wrdreg s21  }
0x21: {  	s22 =	sadd.s32 $0x400, s5;
	[dreg:$0x1e] =	wrdreg s0  }
0x22: {  	s23 =	sadd.s32 $0x800, s5;
	[dreg:$0x1f] =	wrdreg s22  }
0x23: {  	s24 =	sadd.s32 $0xC00, s5;
	[smem:$0x7F8] =	sst s23  }
0x24: {  	s25 =	sadd.s32 $0x1000, s5;
	[smem:$0x7F9] =	sst s24  }
0x25: {  	s29 =	simm.s32 $0x5;
	s26 =	sadd.s32 $0x1400, s5;
	[smem:$0x7FA] =	sst s25  }
0x26: {  	s31 =	simm.s32 $0x6;
	s28 =	sadd.s32 $0x1800, s5;
	[smem:$0x7FB] =	sst s26  }
0x27: {  	s3 =	simm.s32 $0x0;
	s15 =	simm.s32 $0x1;
	[smem:$0x7FC] =	sst s28  }
0x28: {  	s30 =	sadd.s32 $0x1C00, s5;
	s16 =	simm.s32 $0x80;
	s24 =	simm.s32 $0x2  }
0x29: {  	s25 =	simm.s32 $0x3;
	s26 =	simm.s32 $0x4;
	[smem:$0x7FD] =	sst s30  }
.LBB2_1:
0x2a: {  	[smem:$0x7F6] =	sst s3  }
0x2b: {  	s2 =	rddreg [dreg:$0x6]  }
0x2c: {  	s9 =	rddreg [dreg:$0x7]  }
0x2d: {  	s5 =	rddreg [dreg:$0xb];
	s10 =	simm.s32 $0xD;
	s0 =	sshrl.u32 s2, $0x3  }
0x2e: {  	[spmem:s0@s16], [sflag:s5] =	dma.strided [hbm:s9@s16], $0x80, s15, $0x10   }
0x2f: {  	_ =	swait.ge [sflag:s10], $0x80  }
0x30: {  	[sflag:s10] =	ssyncset.done $0x0  }
0x31: {  	s11 =	simm.s32 $0x0;
	[sflag:s10] =	ssyncadd.s32 $0xFFFFFF80  }
0x32: {  	[smem:s11], [sflag:$0xD] =	stream.linear.gather [spmem:s2], $0x80, $0x38;
	[tilespmem:$0x18400] =	vst v63  }
0x33: {  	s12 =	rddreg [dreg:$0x1f]  }
0x34: {  	[smem:s16], [sflag:$0xD] =	stream.linear.gather [spmem:s12], $0x80, $0x38;
	[tilespmem:$0x18400] =	vst v63  }
0x35: {  	s0 =	sld [smem:$0x7F8];
	_ =	sdelay $0x1  }
0x36: {  	s13 =	simm.s32 $0x100  }
0x37: {  	[smem:s13], [sflag:$0xD] =	stream.linear.gather [spmem:s0], $0x80, $0x38;
	[tilespmem:$0x18400] =	vst v63  }
0x38: {  	s0 =	sld [smem:$0x7F9];
	_ =	sdelay $0x1  }
0x39: {  	s14 =	simm.s32 $0x180  }
0x3a: {  	[smem:s14], [sflag:$0xD] =	stream.linear.gather [spmem:s0], $0x80, $0x38;
	[tilespmem:$0x18400] =	vst v63  }
0x3b: {  	s0 =	sld [smem:$0x7FA];
	_ =	sdelay $0x1  }
0x3c: {  	s17 =	simm.s32 $0x200  }
0x3d: {  	[smem:s17], [sflag:$0xD] =	stream.linear.gather [spmem:s0], $0x80, $0x38;
	[tilespmem:$0x18400] =	vst v63  }
0x3e: {  	s0 =	sld [smem:$0x7FB];
	_ =	sdelay $0x1  }
0x3f: {  	s18 =	simm.s32 $0x280  }
0x40: {  	[smem:s18], [sflag:$0xD] =	stream.linear.gather [spmem:s0], $0x80, $0x38;
	[tilespmem:$0x18400] =	vst v63  }
0x41: {  	s0 =	sld [smem:$0x7FC];
	_ =	sdelay $0x1  }
0x42: {  	s19 =	simm.s32 $0x300  }
0x43: {  	[smem:s19], [sflag:$0xD] =	stream.linear.gather [spmem:s0], $0x80, $0x38;
	[tilespmem:$0x18400] =	vst v63  }
0x44: {  	s0 =	sld [smem:$0x7FD];
	_ =	sdelay $0x1  }
0x45: {  	s20 =	simm.s32 $0x380  }
0x46: {  	[smem:s20], [sflag:$0xD] =	stream.linear.gather [spmem:s0], $0x80, $0x38;
	[tilespmem:$0x18400] =	vst v63  }
0x47: {  	_ =	swait.ge [sflag:s10], $0x400  }
0x48: {  	[sflag:s10] =	ssyncset.done $0x0  }
0x49: {  	[sflag:s10] =	ssyncadd.s32 $0xFFFFFC00  }
0x4a: {  	s21 =	sld [smem:$0x0];
	_ =	sdelay $0x1  }
0x4b: {  	s28 =	sand.u32 $0x380, s11;
	s5 =	simm.s32 $0x100;
	s7 =	rddreg [dreg:$0x8]  }
0x4c: {  	s30 =	rddreg [dreg:$0x9];
	s22 =	sshll.u32 s21, $0xA;
	s0 =	sshll.u32 s21, $0x7  }
0x4d: {  	s23 =	sand.u32 $0x3E000, s7;
	s2 =	sand.u32 $0xFFFFE000, s22;
	s0 =	sand.u32 $0x380, s0  }
0x4e: {  	s19 =	sor.u32 $0x1C01, s30;
	s3 =	sadd.s32 s23, s4;
	s0 =	sor.u32 s0, s2  }
0x4f: {  	[smem:$0x7F7] =	sst s3;
	s2 =	sadd.s32 s28, s3;
	s0 =	sshrl.u32 s0, $0x3  }
0x50: {  	s3 =	simm.s32 $0x80;
	s2 =	sshrl.u32 s2, $0x3;
	s0 =	sadd.s32 s1, s0  }
0x51: {  	[spmem:s2@s16], [sflag:s19] =	dma.strided [hbm:s0@s16], $0x80, s15, $0x10   }
0x52: {  	s2 =	simm.s32 $0x1;
	s0 =	smov.u32 s7;
	s6 =	sld [smem:$0x1]  }
.LBB2_2:
0x53: {  	p0 =	sne.s32 s5, $0x780  }
0x54: {  	s0 =	sadd.s32 $0x400, s0  }
0x55: {  	s3 =	sand.u32 $0x380, s3;
	s7 =	sshll.u32 s6, $0xA;
	s6 =	sshll.u32 s6, $0x7  }
0x56: {  	s8 =	sand.u32 $0x3E000, s0;
	s7 =	sand.u32 $0xFFFFE000, s7;
	s6 =	sand.u32 $0x380, s6  }
.Ltmp0:
0x57: {  	s6 =	sor.u32 s6, s7;
	s7 =	sadd.s32 s8, s4;
	(pc) =	sbr.rel @p0 .LBB2_2-.Ltmp0, $4  }
0x58: {  	s2 =	sadd.s32 $0x1, s2;
	s3 =	sadd.s32 s3, s7;
	s6 =	sshrl.u32 s6, $0x3  }
0x59: {  	s6 =	sadd.s32 s1, s6;
	s3 =	sshrl.u32 s3, $0x3  }
0x5a: {  	[spmem:s3@s16], [sflag:s19] =	dma.strided [hbm:s6@s16], $0x80, s15, $0x10   }
0x5b: {  	s3 =	smov.u32 s5;
	s5 =	sadd.s32 $0x80, s5;
	s6 =	sld [smem:s2+$0x0]  }
0x5c: {  	_ =	sdelay $0x1  }
0x5d: {  	s0 =	sadd.s32 $0x400, s0;
	s2 =	sshll.u32 s6, $0xA;
	s5 =	sshll.u32 s6, $0x7  }
0x5e: {  	s0 =	sand.u32 $0x3E000, s0;
	s2 =	sand.u32 $0xFFFFE000, s2;
	s5 =	sand.u32 $0x380, s5  }
0x5f: {  	s3 =	sand.u32 $0x380, s3;
	s0 =	sadd.s32 s0, s4;
	s2 =	sor.u32 s5, s2  }
0x60: {  	s0 =	sadd.s32 s3, s0;
	s2 =	sshrl.u32 s2, $0x3  }
0x61: {  	s0 =	sshrl.u32 s0, $0x3;
	s2 =	sadd.s32 s1, s2  }
0x62: {  	[spmem:s0@s16], [sflag:s19] =	dma.strided [hbm:s2@s16], $0x80, s15, $0x10   }
0x63: {  	s0 =	sld [smem:$0x10];
	_ =	sdelay $0x1  }
0x64: {  	s28 =	sld [smem:$0x7F7]  }
0x65: {  	s22 =	simm.s32 $0x0;
	s23 =	sshll.u32 s0, $0xA;
	s0 =	sshll.u32 s0, $0x7  }
0x66: {  	s2 =	sand.u32 $0x380, s22;
	s3 =	sand.u32 $0xFFFFE000, s23;
	s0 =	sand.u32 $0x380, s0  }
0x67: {  	s2 =	sadd.s32 s2, s28;
	s0 =	sor.u32 s0, s3  }
0x68: {  	s30 =	rddreg [dreg:$0x9];
	s3 =	sadd.s32 $0x40000, s2;
	s0 =	sshrl.u32 s0, $0x3  }
0x69: {  	s11 =	sor.u32 $0x1C02, s30;
	s3 =	sshrl.u32 s3, $0x3;
	s0 =	sadd.s32 s1, s0  }
0x6a: {  	[spmem:s3@s16], [sflag:s11] =	dma.strided [hbm:s0@s16], $0x80, s15, $0x10   }
0x6b: {  	s7 =	simm.s32 $0x80;
	s6 =	simm.s32 $0x100;
	s8 =	sld [smem:$0x11]  }
0x6c: {  	s0 =	simm.s32 $0x80;
	s3 =	simm.s32 $0x11;
	s5 =	rddreg [dreg:$0x8]  }
.LBB2_4:
0x6d: {  	p0 =	sne.s32 s6, $0x780  }
0x6e: {  	s9 =	sand.u32 $0x380, s7;
	s5 =	sadd.s32 $0x400, s5;
	s7 =	smov.u32 s6  }
0x6f: {  	s12 =	sand.u32 $0x3E000, s5;
	s10 =	sshll.u32 s8, $0xA;
	s8 =	sshll.u32 s8, $0x7  }
0x70: {  	s12 =	sadd.s32 s12, s4;
	s10 =	sand.u32 $0xFFFFE000, s10;
	s8 =	sand.u32 $0x380, s8  }
.Ltmp1:
0x71: {  	s9 =	sadd.s32 s9, s12;
	s8 =	sor.u32 s8, s10;
	(pc) =	sbr.rel @p0 .LBB2_4-.Ltmp1, $4  }
0x72: {  	s3 =	sadd.s32 $0x1, s3;
	s9 =	sadd.s32 $0x40000, s9;
	s8 =	sshrl.u32 s8, $0x3  }
0x73: {  	s9 =	sshrl.u32 s9, $0x3;
	s8 =	sadd.s32 s1, s8  }
0x74: {  	[spmem:s9@s16], [sflag:s11] =	dma.strided [hbm:s8@s16], $0x80, s15, $0x10   }
0x75: {  	s6 =	sadd.s32 $0x80, s6;
	s8 =	sld [smem:s3+$0x0]  }
0x76: {  	_ = 	snop  }
0x77: {  	s3 =	sand.u32 $0x380, s7;
	s5 =	sadd.s32 $0x400, s5  }
0x78: {  	s5 =	sand.u32 $0x3E000, s5;
	s6 =	sshll.u32 s8, $0xA;
	s22 =	sshll.u32 s8, $0x7  }
0x79: {  	s5 =	sadd.s32 s5, s4;
	s6 =	sand.u32 $0xFFFFE000, s6;
	s7 =	sand.u32 $0x380, s22  }
0x7a: {  	s3 =	sadd.s32 s3, s5;
	s6 =	sor.u32 s7, s6  }
0x7b: {  	s3 =	sadd.s32 $0x40000, s3;
	s23 =	sshrl.u32 s6, $0x3  }
0x7c: {  	s3 =	sshrl.u32 s3, $0x3;
	s5 =	sadd.s32 s1, s23  }
0x7d: {  	[spmem:s3@s16], [sflag:s11] =	dma.strided [hbm:s5@s16], $0x80, s15, $0x10   }
0x7e: {  	s3 =	sld [smem:$0x20];
	_ =	sdelay $0x2  }
0x7f: {  	s28 =	sshll.u32 s3, $0xA;
	s3 =	sshll.u32 s3, $0x7  }
0x80: {  	s5 =	sand.u32 $0xFFFFE000, s28;
	s3 =	sand.u32 $0x380, s3  }
0x81: {  	s3 =	sor.u32 s3, s5  }
0x82: {  	s2 =	sadd.s32 $0x80000, s2;
	s30 =	rddreg [dreg:$0x9];
	s3 =	sshrl.u32 s3, $0x3  }
0x83: {  	s2 =	sshrl.u32 s2, $0x3;
	s10 =	sor.u32 $0x1C03, s30;
	s3 =	sadd.s32 s1, s3  }
0x84: {  	[spmem:s2@s16], [sflag:s10] =	dma.strided [hbm:s3@s16], $0x80, s15, $0x10   }
0x85: {  	s6 =	sld [smem:$0x21]  }
0x86: {  	s5 =	simm.s32 $0x100;
	s2 =	simm.s32 $0x21;
	s3 =	rddreg [dreg:$0x8]  }
.LBB2_6:
0x87: {  	p0 =	sne.s32 s5, $0x780  }
0x88: {  	s7 =	sand.u32 $0x380, s0;
	s3 =	sadd.s32 $0x400, s3;
	s0 =	smov.u32 s5  }
0x89: {  	s9 =	sand.u32 $0x3E000, s3;
	s8 =	sshll.u32 s6, $0xA;
	s6 =	sshll.u32 s6, $0x7  }
0x8a: {  	s9 =	sadd.s32 s9, s4;
	s8 =	sand.u32 $0xFFFFE000, s8;
	s6 =	sand.u32 $0x380, s6  }
.Ltmp2:
0x8b: {  	s7 =	sadd.s32 s7, s9;
	s6 =	sor.u32 s6, s8;
	(pc) =	sbr.rel @p0 .LBB2_6-.Ltmp2, $4  }
0x8c: {  	s2 =	sadd.s32 $0x1, s2;
	s7 =	sadd.s32 $0x80000, s7;
	s6 =	sshrl.u32 s6, $0x3  }
0x8d: {  	s7 =	sshrl.u32 s7, $0x3;
	s6 =	sadd.s32 s1, s6  }
0x8e: {  	[spmem:s7@s16], [sflag:s10] =	dma.strided [hbm:s6@s16], $0x80, s15, $0x10   }
0x8f: {  	s5 =	sadd.s32 $0x80, s5;
	s6 =	sld [smem:s2+$0x0]  }
0x90: {  	_ = 	snop  }
0x91: {  	s0 =	sand.u32 $0x380, s0;
	s2 =	sadd.s32 $0x400, s3  }
0x92: {  	s2 =	sand.u32 $0x3E000, s2;
	s13 =	sshll.u32 s6, $0xA;
	s5 =	sshll.u32 s6, $0x7  }
0x93: {  	s2 =	sadd.s32 s2, s4;
	s3 =	sand.u32 $0xFFFFE000, s13;
	s5 =	sand.u32 $0x380, s5  }
0x94: {  	s0 =	sadd.s32 s0, s2;
	s3 =	sor.u32 s5, s3  }
0x95: {  	s0 =	sadd.s32 $0x80000, s0;
	s14 =	sshrl.u32 s3, $0x3  }
0x96: {  	s0 =	sshrl.u32 s0, $0x3;
	s2 =	sadd.s32 s1, s14  }
0x97: {  	[spmem:s0@s16], [sflag:s10] =	dma.strided [hbm:s2@s16], $0x80, s15, $0x10   }
0x98: {  	_ =	swait.ge [sflag:s15], $0x80  }
0x99: {  	[sflag:s15] =	ssyncset.done $0x0  }
0x9a: {  	[sflag:s15] =	ssyncadd.s32 $0xFFFFFF80  }
0x9b: {  	_ =	swait.ge [sflag:s15], $0x80  }
0x9c: {  	[sflag:s15] =	ssyncset.done $0x0  }
0x9d: {  	[sflag:s15] =	ssyncadd.s32 $0xFFFFFF80  }
0x9e: {  	_ =	swait.ge [sflag:s15], $0x80  }
0x9f: {  	[sflag:s15] =	ssyncset.done $0x0  }
0xa0: {  	[sflag:s15] =	ssyncadd.s32 $0xFFFFFF80  }
0xa1: {  	_ =	swait.ge [sflag:s15], $0x80  }
0xa2: {  	[sflag:s15] =	ssyncset.done $0x0  }
0xa3: {  	[sflag:s15] =	ssyncadd.s32 $0xFFFFFF80  }
0xa4: {  	_ =	swait.ge [sflag:s15], $0x80  }
0xa5: {  	[sflag:s15] =	ssyncset.done $0x0  }
0xa6: {  	[sflag:s15] =	ssyncadd.s32 $0xFFFFFF80  }
0xa7: {  	_ =	swait.ge [sflag:s15], $0x80  }
0xa8: {  	[sflag:s15] =	ssyncset.done $0x0  }
0xa9: {  	[sflag:s15] =	ssyncadd.s32 $0xFFFFFF80  }
0xaa: {  	_ =	swait.ge [sflag:s15], $0x80  }
0xab: {  	[sflag:s15] =	ssyncset.done $0x0  }
0xac: {  	[sflag:s15] =	ssyncadd.s32 $0xFFFFFF80  }
0xad: {  	_ =	swait.ge [sflag:s15], $0x80  }
0xae: {  	[sflag:s15] =	ssyncset.done $0x0  }
0xaf: {  	[sflag:s15] =	ssyncadd.s32 $0xFFFFFF80  }
0xb0: {  	_ =	swait.ge [sflag:s15], $0x80  }
0xb1: {  	[sflag:s15] =	ssyncset.done $0x0  }
0xb2: {  	[sflag:s15] =	ssyncadd.s32 $0xFFFFFF80  }
0xb3: {  	_ =	swait.ge [sflag:s15], $0x80  }
0xb4: {  	[sflag:s15] =	ssyncset.done $0x0  }
0xb5: {  	[sflag:s15] =	ssyncadd.s32 $0xFFFFFF80  }
0xb6: {  	_ =	swait.ge [sflag:s15], $0x80  }
0xb7: {  	[sflag:s15] =	ssyncset.done $0x0  }
0xb8: {  	[sflag:s15] =	ssyncadd.s32 $0xFFFFFF80  }
0xb9: {  	_ =	swait.ge [sflag:s15], $0x80  }
0xba: {  	[sflag:s15] =	ssyncset.done $0x0  }
0xbb: {  	[sflag:s15] =	ssyncadd.s32 $0xFFFFFF80  }
0xbc: {  	_ =	swait.ge [sflag:s15], $0x80  }
0xbd: {  	[sflag:s15] =	ssyncset.done $0x0  }
0xbe: {  	[sflag:s15] =	ssyncadd.s32 $0xFFFFFF80  }
0xbf: {  	_ =	swait.ge [sflag:s15], $0x80  }
0xc0: {  	[sflag:s15] =	ssyncset.done $0x0  }
0xc1: {  	[sflag:s15] =	ssyncadd.s32 $0xFFFFFF80  }
0xc2: {  	_ =	swait.ge [sflag:s15], $0x80  }
0xc3: {  	[sflag:s15] =	ssyncset.done $0x0  }
0xc4: {  	[sflag:s15] =	ssyncadd.s32 $0xFFFFFF80  }
0xc5: {  	_ =	swait.ge [sflag:s15], $0x80  }
0xc6: {  	s17 =	rddreg [dreg:$0x9]  }
0xc7: {  	s20 =	rddreg [dreg:$0xa]  }
0xc8: {  	s22 =	rddreg [dreg:$0xc];
	s18 =	sor.u32 $0x1C07, s17  }
0xc9: {  	[sflag:s15] =	ssyncset.done $0x0;
	s21 =	sshrl.u32 s20, $0x3;
	[smem:$0x7F4] =	sst s18  }
0xca: {  	[sflag:s15] =	ssyncadd.s32 $0xFFFFFF80;
	[smem:$0x7F5] =	sst s21  }
0xcb: {  	[hbm:s22], [sflag:s18] =	dma.local [spmem:s21], $0x800  }
0xcc: {  	s0 =	sld [smem:$0x30];
	_ =	sdelay $0x1  }
0xcd: {  	s30 =	sld [smem:$0x7F7]  }
0xce: {  	s23 =	simm.s32 $0x0;
	s28 =	sshll.u32 s0, $0xA;
	s0 =	sshll.u32 s0, $0x7  }
0xcf: {  	s2 =	sand.u32 $0x380, s23;
	s3 =	sand.u32 $0xFFFFE000, s28;
	s0 =	sand.u32 $0x380, s0  }
0xd0: {  	s2 =	sadd.s32 s2, s30;
	s0 =	sor.u32 s0, s3  }
0xd1: {  	s2 =	sadd.s32 $0xC0000, s2;
	s0 =	sshrl.u32 s0, $0x3  }
0xd2: {  	s14 =	sor.u32 $0x1C04, s17;
	s2 =	sshrl.u32 s2, $0x3;
	s0 =	sadd.s32 s1, s0  }
0xd3: {  	[spmem:s2@s16], [sflag:s14] =	dma.strided [hbm:s0@s16], $0x80, s15, $0x10   }
0xd4: {  	s5 =	simm.s32 $0x100;
	s6 =	sld [smem:$0x31]  }
0xd5: {  	s0 =	simm.s32 $0x80;
	s2 =	simm.s32 $0x31;
	s3 =	rddreg [dreg:$0x8]  }
.LBB2_8:
0xd6: {  	p0 =	sne.s32 s5, $0x780  }
0xd7: {  	s7 =	sand.u32 $0x380, s0;
	s3 =	sadd.s32 $0x400, s3;
	s0 =	smov.u32 s5  }
0xd8: {  	s9 =	sand.u32 $0x3E000, s3;
	s8 =	sshll.u32 s6, $0xA;
	s6 =	sshll.u32 s6, $0x7  }
0xd9: {  	s9 =	sadd.s32 s9, s4;
	s8 =	sand.u32 $0xFFFFE000, s8;
	s6 =	sand.u32 $0x380, s6  }
.Ltmp3:
0xda: {  	s7 =	sadd.s32 s7, s9;
	s6 =	sor.u32 s6, s8;
	(pc) =	sbr.rel @p0 .LBB2_8-.Ltmp3, $4  }
0xdb: {  	s2 =	sadd.s32 $0x1, s2;
	s7 =	sadd.s32 $0xC0000, s7;
	s6 =	sshrl.u32 s6, $0x3  }
0xdc: {  	s7 =	sshrl.u32 s7, $0x3;
	s6 =	sadd.s32 s1, s6  }
0xdd: {  	[spmem:s7@s16], [sflag:s14] =	dma.strided [hbm:s6@s16], $0x80, s15, $0x10   }
0xde: {  	s5 =	sadd.s32 $0x80, s5;
	s6 =	sld [smem:s2+$0x0]  }
0xdf: {  	_ = 	snop  }
0xe0: {  	s0 =	sand.u32 $0x380, s0;
	s2 =	sadd.s32 $0x400, s3  }
0xe1: {  	s2 =	sand.u32 $0x3E000, s2;
	s12 =	sshll.u32 s6, $0xA;
	s5 =	sshll.u32 s6, $0x7  }
0xe2: {  	s2 =	sadd.s32 s2, s4;
	s3 =	sand.u32 $0xFFFFE000, s12;
	s5 =	sand.u32 $0x380, s5  }
0xe3: {  	s0 =	sadd.s32 s0, s2;
	s3 =	sor.u32 s5, s3  }
0xe4: {  	s0 =	sadd.s32 $0xC0000, s0;
	s13 =	sshrl.u32 s3, $0x3  }
0xe5: {  	s0 =	sshrl.u32 s0, $0x3;
	s2 =	sadd.s32 s1, s13  }
0xe6: {  	[spmem:s0@s16], [sflag:s14] =	dma.strided [hbm:s2@s16], $0x80, s15, $0x10   }
0xe7: {  	_ =	swait.ge [sflag:s24], $0x80  }
0xe8: {  	[sflag:s24] =	ssyncset.done $0x0  }
0xe9: {  	[sflag:s24] =	ssyncadd.s32 $0xFFFFFF80  }
0xea: {  	_ =	swait.ge [sflag:s24], $0x80  }
0xeb: {  	[sflag:s24] =	ssyncset.done $0x0  }
0xec: {  	[sflag:s24] =	ssyncadd.s32 $0xFFFFFF80  }
0xed: {  	_ =	swait.ge [sflag:s24], $0x80  }
0xee: {  	[sflag:s24] =	ssyncset.done $0x0  }
0xef: {  	[sflag:s24] =	ssyncadd.s32 $0xFFFFFF80  }
0xf0: {  	_ =	swait.ge [sflag:s24], $0x80  }
0xf1: {  	[sflag:s24] =	ssyncset.done $0x0  }
0xf2: {  	[sflag:s24] =	ssyncadd.s32 $0xFFFFFF80  }
0xf3: {  	_ =	swait.ge [sflag:s24], $0x80  }
0xf4: {  	[sflag:s24] =	ssyncset.done $0x0  }
0xf5: {  	[sflag:s24] =	ssyncadd.s32 $0xFFFFFF80  }
0xf6: {  	_ =	swait.ge [sflag:s24], $0x80  }
0xf7: {  	[sflag:s24] =	ssyncset.done $0x0  }
0xf8: {  	[sflag:s24] =	ssyncadd.s32 $0xFFFFFF80  }
0xf9: {  	_ =	swait.ge [sflag:s24], $0x80  }
0xfa: {  	[sflag:s24] =	ssyncset.done $0x0  }
0xfb: {  	[sflag:s24] =	ssyncadd.s32 $0xFFFFFF80  }
0xfc: {  	_ =	swait.ge [sflag:s24], $0x80  }
0xfd: {  	[sflag:s24] =	ssyncset.done $0x0  }
0xfe: {  	[sflag:s24] =	ssyncadd.s32 $0xFFFFFF80  }
0xff: {  	_ =	swait.ge [sflag:s24], $0x80  }
0x100: {  	[sflag:s24] =	ssyncset.done $0x0  }
0x101: {  	[sflag:s24] =	ssyncadd.s32 $0xFFFFFF80  }
0x102: {  	_ =	swait.ge [sflag:s24], $0x80  }
0x103: {  	[sflag:s24] =	ssyncset.done $0x0  }
0x104: {  	[sflag:s24] =	ssyncadd.s32 $0xFFFFFF80  }
0x105: {  	_ =	swait.ge [sflag:s24], $0x80  }
0x106: {  	[sflag:s24] =	ssyncset.done $0x0  }
0x107: {  	[sflag:s24] =	ssyncadd.s32 $0xFFFFFF80  }
0x108: {  	_ =	swait.ge [sflag:s24], $0x80  }
0x109: {  	[sflag:s24] =	ssyncset.done $0x0  }
0x10a: {  	[sflag:s24] =	ssyncadd.s32 $0xFFFFFF80  }
0x10b: {  	_ =	swait.ge [sflag:s24], $0x80  }
0x10c: {  	[sflag:s24] =	ssyncset.done $0x0  }
0x10d: {  	[sflag:s24] =	ssyncadd.s32 $0xFFFFFF80  }
0x10e: {  	_ =	swait.ge [sflag:s24], $0x80  }
0x10f: {  	[sflag:s24] =	ssyncset.done $0x0  }
0x110: {  	[sflag:s24] =	ssyncadd.s32 $0xFFFFFF80  }
0x111: {  	_ =	swait.ge [sflag:s24], $0x80  }
0x112: {  	[sflag:s24] =	ssyncset.done $0x0  }
0x113: {  	[sflag:s24] =	ssyncadd.s32 $0xFFFFFF80  }
0x114: {  	_ =	swait.ge [sflag:s24], $0x80  }
0x115: {  	s17 =	rddreg [dreg:$0x9]  }
0x116: {  	s20 =	rddreg [dreg:$0xd]  }
0x117: {  	s22 =	rddreg [dreg:$0xe];
	s18 =	sor.u32 $0x1C08, s17  }
0x118: {  	[sflag:s24] =	ssyncset.done $0x0;
	s21 =	sshrl.u32 s20, $0x3;
	[smem:$0x7F2] =	sst s18  }
0x119: {  	[sflag:s24] =	ssyncadd.s32 $0xFFFFFF80;
	[smem:$0x7F3] =	sst s21  }
0x11a: {  	[hbm:s22], [sflag:s18] =	dma.local [spmem:s21], $0x800  }
0x11b: {  	s0 =	sld [smem:$0x40];
	_ =	sdelay $0x1  }
0x11c: {  	s30 =	sld [smem:$0x7F7]  }
0x11d: {  	s23 =	simm.s32 $0x0;
	s28 =	sshll.u32 s0, $0xA;
	s0 =	sshll.u32 s0, $0x7  }
0x11e: {  	s2 =	sand.u32 $0x380, s23;
	s3 =	sand.u32 $0xFFFFE000, s28;
	s0 =	sand.u32 $0x380, s0  }
0x11f: {  	s2 =	sadd.s32 s2, s30;
	s0 =	sor.u32 s0, s3  }
0x120: {  	s2 =	sadd.s32 $0x100000, s2;
	s0 =	sshrl.u32 s0, $0x3  }
0x121: {  	s6 =	sor.u32 $0x1C05, s17;
	s2 =	sshrl.u32 s2, $0x3;
	s0 =	sadd.s32 s1, s0  }
0x122: {  	[spmem:s2@s16], [sflag:s6] =	dma.strided [hbm:s0@s16], $0x80, s15, $0x10   }
0x123: {  	s5 =	simm.s32 $0x100;
	s7 =	sld [smem:$0x41]  }
0x124: {  	s0 =	simm.s32 $0x80;
	s2 =	simm.s32 $0x41;
	s3 =	rddreg [dreg:$0x8]  }
.LBB2_10:
0x125: {  	p0 =	sne.s32 s5, $0x780  }
0x126: {  	s8 =	sand.u32 $0x380, s0;
	s3 =	sadd.s32 $0x400, s3;
	s0 =	smov.u32 s5  }
0x127: {  	s12 =	sand.u32 $0x3E000, s3;
	s9 =	sshll.u32 s7, $0xA;
	s7 =	sshll.u32 s7, $0x7  }
0x128: {  	s12 =	sadd.s32 s12, s4;
	s9 =	sand.u32 $0xFFFFE000, s9;
	s7 =	sand.u32 $0x380, s7  }
.Ltmp4:
0x129: {  	s8 =	sadd.s32 s8, s12;
	s7 =	sor.u32 s7, s9;
	(pc) =	sbr.rel @p0 .LBB2_10-.Ltmp4, $4  }
0x12a: {  	s2 =	sadd.s32 $0x1, s2;
	s8 =	sadd.s32 $0x100000, s8;
	s7 =	sshrl.u32 s7, $0x3  }
0x12b: {  	s8 =	sshrl.u32 s8, $0x3;
	s7 =	sadd.s32 s1, s7  }
0x12c: {  	[spmem:s8@s16], [sflag:s6] =	dma.strided [hbm:s7@s16], $0x80, s15, $0x10   }
0x12d: {  	s5 =	sadd.s32 $0x80, s5;
	s7 =	sld [smem:s2+$0x0]  }
0x12e: {  	_ = 	snop  }
0x12f: {  	s0 =	sand.u32 $0x380, s0;
	s2 =	sadd.s32 $0x400, s3  }
0x130: {  	s2 =	sand.u32 $0x3E000, s2;
	s8 =	sshll.u32 s7, $0xA;
	s5 =	sshll.u32 s7, $0x7  }
0x131: {  	s2 =	sadd.s32 s2, s4;
	s3 =	sand.u32 $0xFFFFE000, s8;
	s5 =	sand.u32 $0x380, s5  }
0x132: {  	s0 =	sadd.s32 s0, s2;
	s3 =	sor.u32 s5, s3  }
0x133: {  	s0 =	sadd.s32 $0x100000, s0;
	s9 =	sshrl.u32 s3, $0x3  }
0x134: {  	s0 =	sshrl.u32 s0, $0x3;
	s2 =	sadd.s32 s1, s9  }
0x135: {  	[spmem:s0@s16], [sflag:s6] =	dma.strided [hbm:s2@s16], $0x80, s15, $0x10   }
0x136: {  	_ =	swait.ge [sflag:s25], $0x80  }
0x137: {  	[sflag:s25] =	ssyncset.done $0x0  }
0x138: {  	[sflag:s25] =	ssyncadd.s32 $0xFFFFFF80  }
0x139: {  	_ =	swait.ge [sflag:s25], $0x80  }
0x13a: {  	[sflag:s25] =	ssyncset.done $0x0  }
0x13b: {  	[sflag:s25] =	ssyncadd.s32 $0xFFFFFF80  }
0x13c: {  	_ =	swait.ge [sflag:s25], $0x80  }
0x13d: {  	[sflag:s25] =	ssyncset.done $0x0  }
0x13e: {  	[sflag:s25] =	ssyncadd.s32 $0xFFFFFF80  }
0x13f: {  	_ =	swait.ge [sflag:s25], $0x80  }
0x140: {  	[sflag:s25] =	ssyncset.done $0x0  }
0x141: {  	[sflag:s25] =	ssyncadd.s32 $0xFFFFFF80  }
0x142: {  	_ =	swait.ge [sflag:s25], $0x80  }
0x143: {  	[sflag:s25] =	ssyncset.done $0x0  }
0x144: {  	[sflag:s25] =	ssyncadd.s32 $0xFFFFFF80  }
0x145: {  	_ =	swait.ge [sflag:s25], $0x80  }
0x146: {  	[sflag:s25] =	ssyncset.done $0x0  }
0x147: {  	[sflag:s25] =	ssyncadd.s32 $0xFFFFFF80  }
0x148: {  	_ =	swait.ge [sflag:s25], $0x80  }
0x149: {  	[sflag:s25] =	ssyncset.done $0x0  }
0x14a: {  	[sflag:s25] =	ssyncadd.s32 $0xFFFFFF80  }
0x14b: {  	_ =	swait.ge [sflag:s25], $0x80  }
0x14c: {  	[sflag:s25] =	ssyncset.done $0x0  }
0x14d: {  	[sflag:s25] =	ssyncadd.s32 $0xFFFFFF80  }
0x14e: {  	_ =	swait.ge [sflag:s25], $0x80  }
0x14f: {  	[sflag:s25] =	ssyncset.done $0x0  }
0x150: {  	[sflag:s25] =	ssyncadd.s32 $0xFFFFFF80  }
0x151: {  	_ =	swait.ge [sflag:s25], $0x80  }
0x152: {  	[sflag:s25] =	ssyncset.done $0x0  }
0x153: {  	[sflag:s25] =	ssyncadd.s32 $0xFFFFFF80  }
0x154: {  	_ =	swait.ge [sflag:s25], $0x80  }
0x155: {  	[sflag:s25] =	ssyncset.done $0x0  }
0x156: {  	[sflag:s25] =	ssyncadd.s32 $0xFFFFFF80  }
0x157: {  	_ =	swait.ge [sflag:s25], $0x80  }
0x158: {  	[sflag:s25] =	ssyncset.done $0x0  }
0x159: {  	[sflag:s25] =	ssyncadd.s32 $0xFFFFFF80  }
0x15a: {  	_ =	swait.ge [sflag:s25], $0x80  }
0x15b: {  	[sflag:s25] =	ssyncset.done $0x0  }
0x15c: {  	[sflag:s25] =	ssyncadd.s32 $0xFFFFFF80  }
0x15d: {  	_ =	swait.ge [sflag:s25], $0x80  }
0x15e: {  	[sflag:s25] =	ssyncset.done $0x0  }
0x15f: {  	[sflag:s25] =	ssyncadd.s32 $0xFFFFFF80  }
0x160: {  	_ =	swait.ge [sflag:s25], $0x80  }
0x161: {  	[sflag:s25] =	ssyncset.done $0x0  }
0x162: {  	[sflag:s25] =	ssyncadd.s32 $0xFFFFFF80  }
0x163: {  	_ =	swait.ge [sflag:s25], $0x80  }
0x164: {  	s12 =	rddreg [dreg:$0x9]  }
0x165: {  	s17 =	rddreg [dreg:$0xf]  }
0x166: {  	s20 =	rddreg [dreg:$0x10];
	s13 =	sor.u32 $0x1C09, s12  }
0x167: {  	[sflag:s25] =	ssyncset.done $0x0;
	s18 =	sshrl.u32 s17, $0x3;
	[smem:$0x7F0] =	sst s13  }
0x168: {  	[sflag:s25] =	ssyncadd.s32 $0xFFFFFF80;
	[smem:$0x7F1] =	sst s18  }
0x169: {  	[hbm:s20], [sflag:s13] =	dma.local [spmem:s18], $0x800  }
0x16a: {  	s0 =	sld [smem:$0x50];
	_ =	sdelay $0x1  }
0x16b: {  	s28 =	sld [smem:$0x7F7]  }
0x16c: {  	s23 =	simm.s32 $0x0;
	s21 =	sshll.u32 s0, $0xA;
	s0 =	sshll.u32 s0, $0x7  }
0x16d: {  	s22 =	sand.u32 $0x380, s23;
	s2 =	sand.u32 $0xFFFFE000, s21;
	s0 =	sand.u32 $0x380, s0  }
0x16e: {  	s0 =	sor.u32 s0, s2;
	s2 =	sadd.s32 s22, s28  }
0x16f: {  	s17 =	sor.u32 $0x1C06, s12;
	s2 =	sadd.s32 $0x140000, s2;
	s0 =	sshrl.u32 s0, $0x3  }
0x170: {  	s30 =	sadd.s32 s1, s0;
	s2 =	sshrl.u32 s2, $0x3;
	s0 =	simm.s32 $0x80  }
0x171: {  	[spmem:s2@s0], [sflag:s17] =	dma.strided [hbm:s30@s0], $0x80, s15, $0x10   }
0x172: {  	s7 =	simm.s32 $0x100;
	s8 =	sld [smem:$0x51]  }
0x173: {  	s3 =	simm.s32 $0x51;
	s2 =	simm.s32 $0x80;
	s5 =	rddreg [dreg:$0x8]  }
.LBB2_12:
0x174: {  	p0 =	sne.s32 s7, $0x780;
	s9 =	sand.u32 $0x380, s2  }
0x175: {  	s5 =	sadd.s32 $0x400, s5;
	s2 =	smov.u32 s7;
	s3 =	sadd.s32 $0x1, s3  }
0x176: {  	s13 =	sand.u32 $0x3E000, s5;
	s12 =	sshll.u32 s8, $0xA;
	s8 =	sshll.u32 s8, $0x7  }
0x177: {  	s13 =	sadd.s32 s13, s4;
	s12 =	sand.u32 $0xFFFFE000, s12;
	s8 =	sand.u32 $0x380, s8  }
.Ltmp5:
0x178: {  	s9 =	sadd.s32 s9, s13;
	s8 =	sor.u32 s8, s12;
	(pc) =	sbr.rel @p0 .LBB2_12-.Ltmp5, $4  }
0x179: {  	s9 =	sadd.s32 $0x140000, s9;
	s8 =	sshrl.u32 s8, $0x3  }
0x17a: {  	s9 =	sshrl.u32 s9, $0x3;
	s8 =	sadd.s32 s1, s8  }
0x17b: {  	[spmem:s9@s0], [sflag:s17] =	dma.strided [hbm:s8@s0], $0x80, s15, $0x10   }
0x17c: {  	s7 =	sadd.s32 $0x80, s7;
	s8 =	sld [smem:s3+$0x0]  }
0x17d: {  	s0 =	sand.u32 $0x380, s2;
	s21 =	sadd.s32 $0x400, s5  }
0x17e: {  	s18 =	simm.s32 $0x80;
	s13 =	simm.s32 $0x60;
	s7 =	simm.s32 $0xA0  }
0x17f: {  	s2 =	sand.u32 $0x3E000, s21;
	s3 =	sshll.u32 s8, $0xA;
	s22 =	sshll.u32 s8, $0x7  }
0x180: {  	s2 =	sadd.s32 s2, s4;
	s3 =	sand.u32 $0xFFFFE000, s3;
	s5 =	sand.u32 $0x380, s22  }
0x181: {  	s28 =	simm.s32 $0xB0;
	s0 =	sadd.s32 s0, s2;
	s3 =	sor.u32 s5, s3  }
0x182: {  	s21 =	simm.s32 $0x70;
	s0 =	sadd.s32 $0x140000, s0;
	s30 =	sshrl.u32 s3, $0x3  }
0x183: {  	s5 =	simm.s32 $0x90;
	s0 =	sshrl.u32 s0, $0x3;
	s2 =	sadd.s32 s1, s30  }
0x184: {  	[spmem:s0@s18], [sflag:s17] =	dma.strided [hbm:s2@s18], $0x80, s15, $0x10   }
.LBB2_14:
0x185: {  	_ =	swait.ge [sflag:s26], $0x80  }
0x186: {  	[sflag:s26] =	ssyncset.done $0x0  }
0x187: {  	[sflag:s26] =	ssyncadd.s32 $0xFFFFFF80  }
0x188: {  	_ =	swait.ge [sflag:s26], $0x80  }
0x189: {  	[sflag:s26] =	ssyncset.done $0x0  }
0x18a: {  	[sflag:s26] =	ssyncadd.s32 $0xFFFFFF80  }
0x18b: {  	_ =	swait.ge [sflag:s26], $0x80  }
0x18c: {  	[sflag:s26] =	ssyncset.done $0x0  }
0x18d: {  	[sflag:s26] =	ssyncadd.s32 $0xFFFFFF80  }
0x18e: {  	_ =	swait.ge [sflag:s26], $0x80  }
0x18f: {  	[sflag:s26] =	ssyncset.done $0x0  }
0x190: {  	[sflag:s26] =	ssyncadd.s32 $0xFFFFFF80  }
0x191: {  	_ =	swait.ge [sflag:s26], $0x80  }
0x192: {  	[sflag:s26] =	ssyncset.done $0x0  }
0x193: {  	[sflag:s26] =	ssyncadd.s32 $0xFFFFFF80  }
0x194: {  	_ =	swait.ge [sflag:s26], $0x80  }
0x195: {  	[sflag:s26] =	ssyncset.done $0x0  }
0x196: {  	[sflag:s26] =	ssyncadd.s32 $0xFFFFFF80  }
0x197: {  	_ =	swait.ge [sflag:s26], $0x80  }
0x198: {  	[sflag:s26] =	ssyncset.done $0x0  }
0x199: {  	[sflag:s26] =	ssyncadd.s32 $0xFFFFFF80  }
0x19a: {  	_ =	swait.ge [sflag:s26], $0x80  }
0x19b: {  	[sflag:s26] =	ssyncset.done $0x0  }
0x19c: {  	[sflag:s26] =	ssyncadd.s32 $0xFFFFFF80  }
0x19d: {  	_ =	swait.ge [sflag:s26], $0x80  }
0x19e: {  	[sflag:s26] =	ssyncset.done $0x0  }
0x19f: {  	[sflag:s26] =	ssyncadd.s32 $0xFFFFFF80  }
0x1a0: {  	_ =	swait.ge [sflag:s26], $0x80  }
0x1a1: {  	[sflag:s26] =	ssyncset.done $0x0  }
0x1a2: {  	[sflag:s26] =	ssyncadd.s32 $0xFFFFFF80  }
0x1a3: {  	_ =	swait.ge [sflag:s26], $0x80  }
0x1a4: {  	[sflag:s26] =	ssyncset.done $0x0  }
0x1a5: {  	[sflag:s26] =	ssyncadd.s32 $0xFFFFFF80  }
0x1a6: {  	_ =	swait.ge [sflag:s26], $0x80  }
0x1a7: {  	[sflag:s26] =	ssyncset.done $0x0  }
0x1a8: {  	[sflag:s26] =	ssyncadd.s32 $0xFFFFFF80  }
0x1a9: {  	_ =	swait.ge [sflag:s26], $0x80  }
0x1aa: {  	[sflag:s26] =	ssyncset.done $0x0  }
0x1ab: {  	[sflag:s26] =	ssyncadd.s32 $0xFFFFFF80  }
0x1ac: {  	_ =	swait.ge [sflag:s26], $0x80  }
0x1ad: {  	[sflag:s26] =	ssyncset.done $0x0  }
0x1ae: {  	[sflag:s26] =	ssyncadd.s32 $0xFFFFFF80  }
0x1af: {  	_ =	swait.ge [sflag:s26], $0x80  }
0x1b0: {  	[sflag:s26] =	ssyncset.done $0x0  }
0x1b1: {  	[sflag:s26] =	ssyncadd.s32 $0xFFFFFF80  }
0x1b2: {  	_ =	swait.ge [sflag:s26], $0x80  }
0x1b3: {  	s0 =	smul.u32 $0x60, s23;
	s2 =	rddreg [dreg:$0x12]  }
0x1b4: {  	[sflag:s26] =	ssyncset.done $0x0;
	s22 =	rddreg [dreg:$0x9]  }
0x1b5: {  	s30 =	rddreg [dreg:$0x11];
	s2 =	sadd.s32 s0, s2;
	[sflag:s26] =	ssyncadd.s32 $0xFFFFFF80  }
0x1b6: {  	s8 =	sor.u32 $0x1C0A, s22;
	s2 =	sshll.u32 s2, $0x7;
	s3 =	rddreg [dreg:$0x2]  }
0x1b7: {  	[smem:$0x7EC] =	sst s8;
	s2 =	sadd.s32 s3, s2;
	s3 =	sshrl.u32 s30, $0x3  }
0x1b8: {  	[smem:$0x7ED] =	sst s3  }
0x1b9: {  	[hbm:s2], [sflag:s8] =	dma.local [spmem:s3], $0x800  }
0x1ba: {  	s8 =	simm.s32 $0x7  }
0x1bb: {  	_ =	swait.ge [sflag:s8], $0x800  }
0x1bc: {  	[sflag:s8] =	ssyncset.done $0x0  }
0x1bd: {  	[sflag:s8] =	ssyncadd.s32 $0xFFFFF800  }
0x1be: {  	s2 =	sld [smem:s13+$0x0];
	_ =	sdelay $0x2  }
0x1bf: {  	s22 =	sld [smem:$0x7F7];
	s9 =	sshll.u32 s2, $0xA;
	s2 =	sshll.u32 s2, $0x7  }
0x1c0: {  	s12 =	simm.s32 $0x0;
	s3 =	sand.u32 $0xFFFFE000, s9;
	s2 =	sand.u32 $0x380, s2  }
0x1c1: {  	s20 =	sand.u32 $0x380, s12;
	s9 =	smul.u32 $0x6, s23;
	s2 =	sor.u32 s2, s3  }
0x1c2: {  	s3 =	sadd.s32 s20, s22;
	s2 =	sshrl.u32 s2, $0x3  }
0x1c3: {  	s3 =	sshrl.u32 s3, $0x3;
	s30 =	sadd.s32 $0x6, s9;
	s2 =	sadd.s32 s1, s2  }
0x1c4: {  	[spmem:s3@s16], [sflag:s19] =	dma.strided [hbm:s2@s16], $0x80, s15, $0x10   }
0x1c5: {  	[smem:$0x7EE] =	sst s30  }
0x1c6: {  	[smem:$0x7EF] =	sst s13;
	s3 =	sadd.s32 $0x1, s13  }
0x1c7: {  	s13 =	sld [smem:s3+$0x0]  }
0x1c8: {  	s8 =	simm.s32 $0x100;
	s2 =	simm.s32 $0x80;
	s12 =	rddreg [dreg:$0x8]  }
.LBB2_15:
0x1c9: {  	p0 =	sne.s32 s8, $0x780  }
0x1ca: {  	s12 =	sadd.s32 $0x400, s12  }
0x1cb: {  	s2 =	sand.u32 $0x380, s2;
	s30 =	sshll.u32 s13, $0xA;
	s13 =	sshll.u32 s13, $0x7  }
0x1cc: {  	s22 =	sand.u32 $0x3E000, s12;
	s30 =	sand.u32 $0xFFFFE000, s30;
	s13 =	sand.u32 $0x380, s13  }
.Ltmp6:
0x1cd: {  	s22 =	sadd.s32 s22, s4;
	s13 =	sor.u32 s13, s30;
	(pc) =	sbr.rel @p0 .LBB2_15-.Ltmp6, $4  }
0x1ce: {  	s22 =	sadd.s32 s2, s22;
	s2 =	smov.u32 s8;
	s13 =	sshrl.u32 s13, $0x3  }
0x1cf: {  	s3 =	sadd.s32 $0x1, s3;
	s22 =	sshrl.u32 s22, $0x3;
	s13 =	sadd.s32 s1, s13  }
0x1d0: {  	[spmem:s22@s16], [sflag:s19] =	dma.strided [hbm:s13@s16], $0x80, s15, $0x10   }
0x1d1: {  	s8 =	sadd.s32 $0x80, s8;
	s13 =	sld [smem:s3+$0x0]  }
0x1d2: {  	_ =	sdelay $0x1  }
0x1d3: {  	s12 =	sadd.s32 $0x400, s12;
	s3 =	sshll.u32 s13, $0xA;
	s8 =	sshll.u32 s13, $0x7  }
0x1d4: {  	s12 =	sand.u32 $0x3E000, s12;
	s3 =	sand.u32 $0xFFFFE000, s3;
	s8 =	sand.u32 $0x380, s8  }
0x1d5: {  	s2 =	sand.u32 $0x380, s2;
	s22 =	sadd.s32 s12, s4;
	s3 =	sor.u32 s8, s3  }
0x1d6: {  	s2 =	sadd.s32 s2, s22;
	s3 =	sshrl.u32 s3, $0x3  }
0x1d7: {  	s2 =	sshrl.u32 s2, $0x3;
	s3 =	sadd.s32 s1, s3  }
0x1d8: {  	[spmem:s2@s16], [sflag:s19] =	dma.strided [hbm:s3@s16], $0x80, s15, $0x10   }
0x1d9: {  	_ =	swait.ge [sflag:s29], $0x80  }
0x1da: {  	[sflag:s29] =	ssyncset.done $0x0  }
0x1db: {  	[sflag:s29] =	ssyncadd.s32 $0xFFFFFF80  }
0x1dc: {  	_ =	swait.ge [sflag:s29], $0x80  }
0x1dd: {  	[sflag:s29] =	ssyncset.done $0x0  }
0x1de: {  	[sflag:s29] =	ssyncadd.s32 $0xFFFFFF80  }
0x1df: {  	_ =	swait.ge [sflag:s29], $0x80  }
0x1e0: {  	[sflag:s29] =	ssyncset.done $0x0  }
0x1e1: {  	[sflag:s29] =	ssyncadd.s32 $0xFFFFFF80  }
0x1e2: {  	_ =	swait.ge [sflag:s29], $0x80  }
0x1e3: {  	[sflag:s29] =	ssyncset.done $0x0  }
0x1e4: {  	[sflag:s29] =	ssyncadd.s32 $0xFFFFFF80  }
0x1e5: {  	_ =	swait.ge [sflag:s29], $0x80  }
0x1e6: {  	[sflag:s29] =	ssyncset.done $0x0  }
0x1e7: {  	[sflag:s29] =	ssyncadd.s32 $0xFFFFFF80  }
0x1e8: {  	_ =	swait.ge [sflag:s29], $0x80  }
0x1e9: {  	[sflag:s29] =	ssyncset.done $0x0  }
0x1ea: {  	[sflag:s29] =	ssyncadd.s32 $0xFFFFFF80  }
0x1eb: {  	_ =	swait.ge [sflag:s29], $0x80  }
0x1ec: {  	[sflag:s29] =	ssyncset.done $0x0  }
0x1ed: {  	[sflag:s29] =	ssyncadd.s32 $0xFFFFFF80  }
0x1ee: {  	_ =	swait.ge [sflag:s29], $0x80  }
0x1ef: {  	[sflag:s29] =	ssyncset.done $0x0  }
0x1f0: {  	[sflag:s29] =	ssyncadd.s32 $0xFFFFFF80  }
0x1f1: {  	_ =	swait.ge [sflag:s29], $0x80  }
0x1f2: {  	[sflag:s29] =	ssyncset.done $0x0  }
0x1f3: {  	[sflag:s29] =	ssyncadd.s32 $0xFFFFFF80  }
0x1f4: {  	_ =	swait.ge [sflag:s29], $0x80  }
0x1f5: {  	[sflag:s29] =	ssyncset.done $0x0  }
0x1f6: {  	[sflag:s29] =	ssyncadd.s32 $0xFFFFFF80  }
0x1f7: {  	_ =	swait.ge [sflag:s29], $0x80  }
0x1f8: {  	[sflag:s29] =	ssyncset.done $0x0  }
0x1f9: {  	[sflag:s29] =	ssyncadd.s32 $0xFFFFFF80  }
0x1fa: {  	_ =	swait.ge [sflag:s29], $0x80  }
0x1fb: {  	[sflag:s29] =	ssyncset.done $0x0  }
0x1fc: {  	[sflag:s29] =	ssyncadd.s32 $0xFFFFFF80  }
0x1fd: {  	_ =	swait.ge [sflag:s29], $0x80  }
0x1fe: {  	[sflag:s29] =	ssyncset.done $0x0  }
0x1ff: {  	[sflag:s29] =	ssyncadd.s32 $0xFFFFFF80  }
0x200: {  	_ =	swait.ge [sflag:s29], $0x80  }
0x201: {  	[sflag:s29] =	ssyncset.done $0x0  }
0x202: {  	[sflag:s29] =	ssyncadd.s32 $0xFFFFFF80  }
0x203: {  	_ =	swait.ge [sflag:s29], $0x80  }
0x204: {  	[sflag:s29] =	ssyncset.done $0x0  }
0x205: {  	[sflag:s29] =	ssyncadd.s32 $0xFFFFFF80  }
0x206: {  	_ =	swait.ge [sflag:s29], $0x80  }
0x207: {  	s8 =	rddreg [dreg:$0x14]  }
0x208: {  	[sflag:s29] =	ssyncset.done $0x0;
	s13 =	rddreg [dreg:$0x9]  }
0x209: {  	s22 =	rddreg [dreg:$0x13];
	[sflag:s29] =	ssyncadd.s32 $0xFFFFFF80  }
0x20a: {  	s2 =	sadd.s32 s0, s8;
	s20 =	sor.u32 $0x1C0B, s13;
	s12 =	rddreg [dreg:$0x2]  }
0x20b: {  	s3 =	sshrl.u32 s22, $0x3;
	s2 =	sshll.u32 s2, $0x7;
	[smem:$0x7E9] =	sst s20  }
0x20c: {  	s8 =	simm.s32 $0x8;
	[smem:$0x7EA] =	sst s3;
	s2 =	sadd.s32 s12, s2  }
0x20d: {  	[hbm:s2], [sflag:s20] =	dma.local [spmem:s3], $0x800  }
0x20e: {  	_ =	swait.ge [sflag:s8], $0x800  }
0x20f: {  	[sflag:s8] =	ssyncset.done $0x0  }
0x210: {  	[sflag:s8] =	ssyncadd.s32 $0xFFFFF800  }
0x211: {  	s2 =	sld [smem:s21+$0x0];
	_ =	sdelay $0x1  }
0x212: {  	s20 =	sld [smem:$0x7F7]  }
0x213: {  	s12 =	simm.s32 $0x0;
	s13 =	sshll.u32 s2, $0xA;
	s2 =	sshll.u32 s2, $0x7  }
0x214: {  	s3 =	sand.u32 $0x380, s12;
	s8 =	sand.u32 $0xFFFFE000, s13;
	s2 =	sand.u32 $0x380, s2  }
0x215: {  	s3 =	sadd.s32 s3, s20;
	s2 =	sor.u32 s2, s8  }
0x216: {  	s3 =	sadd.s32 $0x40000, s3;
	s2 =	sshrl.u32 s2, $0x3  }
0x217: {  	s22 =	sadd.s32 $0x7, s9;
	s3 =	sshrl.u32 s3, $0x3;
	s2 =	sadd.s32 s1, s2  }
0x218: {  	[spmem:s3@s16], [sflag:s11] =	dma.strided [hbm:s2@s16], $0x80, s15, $0x10   }
0x219: {  	s12 =	sadd.s32 $0x1, s21;
	[smem:$0x7EB] =	sst s22  }
0x21a: {  	s13 =	sld [smem:s12+$0x0]  }
0x21b: {  	s30 =	simm.s32 $0x80;
	s8 =	simm.s32 $0x100;
	s3 =	rddreg [dreg:$0x8]  }
.LBB2_17:
0x21c: {  	p0 =	sne.s32 s8, $0x780  }
0x21d: {  	s22 =	sand.u32 $0x380, s30;
	s3 =	sadd.s32 $0x400, s3;
	s30 =	smov.u32 s8  }
0x21e: {  	s20 =	sand.u32 $0x3E000, s3;
	s2 =	sshll.u32 s13, $0xA;
	s13 =	sshll.u32 s13, $0x7  }
0x21f: {  	s20 =	sadd.s32 s20, s4;
	s2 =	sand.u32 $0xFFFFE000, s2;
	s13 =	sand.u32 $0x380, s13  }
.Ltmp7:
0x220: {  	s2 =	sor.u32 s13, s2;
	s13 =	sadd.s32 s22, s20;
	(pc) =	sbr.rel @p0 .LBB2_17-.Ltmp7, $4  }
0x221: {  	s13 =	sadd.s32 $0x40000, s13;
	s2 =	sshrl.u32 s2, $0x3  }
0x222: {  	s12 =	sadd.s32 $0x1, s12;
	s2 =	sadd.s32 s1, s2;
	s13 =	sshrl.u32 s13, $0x3  }
0x223: {  	[spmem:s13@s16], [sflag:s11] =	dma.strided [hbm:s2@s16], $0x80, s15, $0x10   }
0x224: {  	s8 =	sadd.s32 $0x80, s8;
	s13 =	sld [smem:s12+$0x0]  }
0x225: {  	_ = 	snop  }
0x226: {  	s2 =	sand.u32 $0x380, s30;
	s3 =	sadd.s32 $0x400, s3  }
0x227: {  	s3 =	sand.u32 $0x3E000, s3;
	s8 =	sshll.u32 s13, $0xA;
	s12 =	sshll.u32 s13, $0x7  }
0x228: {  	s3 =	sadd.s32 s3, s4;
	s8 =	sand.u32 $0xFFFFE000, s8;
	s12 =	sand.u32 $0x380, s12  }
0x229: {  	s2 =	sadd.s32 s2, s3;
	s8 =	sor.u32 s12, s8  }
0x22a: {  	s2 =	sadd.s32 $0x40000, s2;
	s22 =	sshrl.u32 s8, $0x3  }
0x22b: {  	s2 =	sshrl.u32 s2, $0x3;
	s3 =	sadd.s32 s1, s22  }
0x22c: {  	[spmem:s2@s16], [sflag:s11] =	dma.strided [hbm:s3@s16], $0x80, s15, $0x10   }
0x22d: {  	_ =	swait.ge [sflag:s31], $0x80  }
0x22e: {  	[sflag:s31] =	ssyncset.done $0x0  }
0x22f: {  	[sflag:s31] =	ssyncadd.s32 $0xFFFFFF80  }
0x230: {  	_ =	swait.ge [sflag:s31], $0x80  }
0x231: {  	[sflag:s31] =	ssyncset.done $0x0  }
0x232: {  	[sflag:s31] =	ssyncadd.s32 $0xFFFFFF80  }
0x233: {  	_ =	swait.ge [sflag:s31], $0x80  }
0x234: {  	[sflag:s31] =	ssyncset.done $0x0  }
0x235: {  	[sflag:s31] =	ssyncadd.s32 $0xFFFFFF80  }
0x236: {  	_ =	swait.ge [sflag:s31], $0x80  }
0x237: {  	[sflag:s31] =	ssyncset.done $0x0  }
0x238: {  	[sflag:s31] =	ssyncadd.s32 $0xFFFFFF80  }
0x239: {  	_ =	swait.ge [sflag:s31], $0x80  }
0x23a: {  	[sflag:s31] =	ssyncset.done $0x0  }
0x23b: {  	[sflag:s31] =	ssyncadd.s32 $0xFFFFFF80  }
0x23c: {  	_ =	swait.ge [sflag:s31], $0x80  }
0x23d: {  	[sflag:s31] =	ssyncset.done $0x0  }
0x23e: {  	[sflag:s31] =	ssyncadd.s32 $0xFFFFFF80  }
0x23f: {  	_ =	swait.ge [sflag:s31], $0x80  }
0x240: {  	[sflag:s31] =	ssyncset.done $0x0  }
0x241: {  	[sflag:s31] =	ssyncadd.s32 $0xFFFFFF80  }
0x242: {  	_ =	swait.ge [sflag:s31], $0x80  }
0x243: {  	[sflag:s31] =	ssyncset.done $0x0  }
0x244: {  	[sflag:s31] =	ssyncadd.s32 $0xFFFFFF80  }
0x245: {  	_ =	swait.ge [sflag:s31], $0x80  }
0x246: {  	[sflag:s31] =	ssyncset.done $0x0  }
0x247: {  	[sflag:s31] =	ssyncadd.s32 $0xFFFFFF80  }
0x248: {  	_ =	swait.ge [sflag:s31], $0x80  }
0x249: {  	[sflag:s31] =	ssyncset.done $0x0  }
0x24a: {  	[sflag:s31] =	ssyncadd.s32 $0xFFFFFF80  }
0x24b: {  	_ =	swait.ge [sflag:s31], $0x80  }
0x24c: {  	[sflag:s31] =	ssyncset.done $0x0  }
0x24d: {  	[sflag:s31] =	ssyncadd.s32 $0xFFFFFF80  }
0x24e: {  	_ =	swait.ge [sflag:s31], $0x80  }
0x24f: {  	[sflag:s31] =	ssyncset.done $0x0  }
0x250: {  	[sflag:s31] =	ssyncadd.s32 $0xFFFFFF80  }
0x251: {  	_ =	swait.ge [sflag:s31], $0x80  }
0x252: {  	[sflag:s31] =	ssyncset.done $0x0  }
0x253: {  	[sflag:s31] =	ssyncadd.s32 $0xFFFFFF80  }
0x254: {  	_ =	swait.ge [sflag:s31], $0x80  }
0x255: {  	[sflag:s31] =	ssyncset.done $0x0  }
0x256: {  	[sflag:s31] =	ssyncadd.s32 $0xFFFFFF80  }
0x257: {  	_ =	swait.ge [sflag:s31], $0x80  }
0x258: {  	[sflag:s31] =	ssyncset.done $0x0  }
0x259: {  	[sflag:s31] =	ssyncadd.s32 $0xFFFFFF80  }
0x25a: {  	_ =	swait.ge [sflag:s31], $0x80  }
0x25b: {  	s8 =	rddreg [dreg:$0x16]  }
0x25c: {  	s13 =	rddreg [dreg:$0x9]  }
0x25d: {  	[sflag:s31] =	ssyncset.done $0x0;
	s22 =	rddreg [dreg:$0x15]  }
0x25e: {  	s0 =	sadd.s32 s0, s8;
	[sflag:s31] =	ssyncadd.s32 $0xFFFFFF80;
	s20 =	sor.u32 $0x1C0C, s13  }
0x25f: {  	s8 =	simm.s32 $0x9;
	s0 =	sshll.u32 s0, $0x7;
	s12 =	rddreg [dreg:$0x2]  }
0x260: {  	[smem:$0x7E8] =	sst s20;
	s0 =	sadd.s32 s12, s0;
	s12 =	sshrl.u32 s22, $0x3  }
0x261: {  	[hbm:s0], [sflag:s20] =	dma.local [spmem:s12], $0x800  }
0x262: {  	_ =	swait.ge [sflag:s8], $0x800  }
0x263: {  	[sflag:s8] =	ssyncset.done $0x0  }
0x264: {  	[sflag:s8] =	ssyncadd.s32 $0xFFFFF800  }
0x265: {  	s0 =	sld [smem:s18+$0x0];
	_ =	sdelay $0x1  }
0x266: {  	s22 =	sld [smem:$0x7F7]  }
0x267: {  	s13 =	simm.s32 $0x0;
	s20 =	sshll.u32 s0, $0xA;
	s0 =	sshll.u32 s0, $0x7  }
0x268: {  	s2 =	sand.u32 $0x380, s13;
	s3 =	sand.u32 $0xFFFFE000, s20;
	s0 =	sand.u32 $0x380, s0  }
0x269: {  	s2 =	sadd.s32 s2, s22;
	s0 =	sor.u32 s0, s3  }
0x26a: {  	s2 =	sadd.s32 $0x80000, s2;
	s0 =	sshrl.u32 s0, $0x3  }
0x26b: {  	s30 =	sadd.s32 $0x1, s18;
	s2 =	sshrl.u32 s2, $0x3;
	s0 =	sadd.s32 s1, s0  }
0x26c: {  	[spmem:s2@s16], [sflag:s10] =	dma.strided [hbm:s0@s16], $0x80, s15, $0x10   }
0x26d: {  	s9 =	sadd.s32 $0x8, s9;
	s13 =	sld [smem:s30+$0x0]  }
0x26e: {  	s3 =	simm.s32 $0x80;
	s0 =	simm.s32 $0x100;
	s8 =	rddreg [dreg:$0x8]  }
.LBB2_19:
0x26f: {  	p0 =	sne.s32 s0, $0x780  }
0x270: {  	s2 =	sand.u32 $0x380, s3;
	s8 =	sadd.s32 $0x400, s8;
	s3 =	smov.u32 s0  }
0x271: {  	s22 =	sand.u32 $0x3E000, s8;
	s20 =	sshll.u32 s13, $0xA;
	s13 =	sshll.u32 s13, $0x7  }
0x272: {  	s22 =	sadd.s32 s22, s4;
	s20 =	sand.u32 $0xFFFFE000, s20;
	s13 =	sand.u32 $0x380, s13  }
.Ltmp8:
0x273: {  	s2 =	sadd.s32 s2, s22;
	s13 =	sor.u32 s13, s20;
	(pc) =	sbr.rel @p0 .LBB2_19-.Ltmp8, $4  }
0x274: {  	s2 =	sadd.s32 $0x80000, s2;
	s13 =	sshrl.u32 s13, $0x3  }
0x275: {  	s30 =	sadd.s32 $0x1, s30;
	s2 =	sshrl.u32 s2, $0x3;
	s13 =	sadd.s32 s1, s13  }
0x276: {  	[spmem:s2@s16], [sflag:s10] =	dma.strided [hbm:s13@s16], $0x80, s15, $0x10   }
0x277: {  	s0 =	sadd.s32 $0x80, s0;
	s13 =	sld [smem:s30+$0x0]  }
0x278: {  	_ = 	snop  }
0x279: {  	s0 =	sand.u32 $0x380, s3;
	s2 =	sadd.s32 $0x400, s8  }
0x27a: {  	s2 =	sand.u32 $0x3E000, s2;
	s8 =	sshll.u32 s13, $0xA;
	s13 =	sshll.u32 s13, $0x7  }
0x27b: {  	s2 =	sadd.s32 s2, s4;
	s3 =	sand.u32 $0xFFFFE000, s8;
	s8 =	sand.u32 $0x380, s13  }
0x27c: {  	s0 =	sadd.s32 s0, s2;
	s3 =	sor.u32 s8, s3  }
0x27d: {  	s0 =	sadd.s32 $0x80000, s0;
	s20 =	sshrl.u32 s3, $0x3  }
0x27e: {  	s0 =	sshrl.u32 s0, $0x3;
	s2 =	sadd.s32 s1, s20  }
0x27f: {  	[spmem:s0@s16], [sflag:s10] =	dma.strided [hbm:s2@s16], $0x80, s15, $0x10   }
0x280: {  	_ =	swait.ge [sflag:s15], $0x80  }
0x281: {  	[sflag:s15] =	ssyncset.done $0x0  }
0x282: {  	[sflag:s15] =	ssyncadd.s32 $0xFFFFFF80  }
0x283: {  	_ =	swait.ge [sflag:s15], $0x80  }
0x284: {  	[sflag:s15] =	ssyncset.done $0x0  }
0x285: {  	[sflag:s15] =	ssyncadd.s32 $0xFFFFFF80  }
0x286: {  	_ =	swait.ge [sflag:s15], $0x80  }
0x287: {  	[sflag:s15] =	ssyncset.done $0x0  }
0x288: {  	[sflag:s15] =	ssyncadd.s32 $0xFFFFFF80  }
0x289: {  	_ =	swait.ge [sflag:s15], $0x80  }
0x28a: {  	[sflag:s15] =	ssyncset.done $0x0  }
0x28b: {  	[sflag:s15] =	ssyncadd.s32 $0xFFFFFF80  }
0x28c: {  	_ =	swait.ge [sflag:s15], $0x80  }
0x28d: {  	[sflag:s15] =	ssyncset.done $0x0  }
0x28e: {  	[sflag:s15] =	ssyncadd.s32 $0xFFFFFF80  }
0x28f: {  	_ =	swait.ge [sflag:s15], $0x80  }
0x290: {  	[sflag:s15] =	ssyncset.done $0x0  }
0x291: {  	[sflag:s15] =	ssyncadd.s32 $0xFFFFFF80  }
0x292: {  	_ =	swait.ge [sflag:s15], $0x80  }
0x293: {  	[sflag:s15] =	ssyncset.done $0x0  }
0x294: {  	[sflag:s15] =	ssyncadd.s32 $0xFFFFFF80  }
0x295: {  	_ =	swait.ge [sflag:s15], $0x80  }
0x296: {  	[sflag:s15] =	ssyncset.done $0x0  }
0x297: {  	[sflag:s15] =	ssyncadd.s32 $0xFFFFFF80  }
0x298: {  	_ =	swait.ge [sflag:s15], $0x80  }
0x299: {  	[sflag:s15] =	ssyncset.done $0x0  }
0x29a: {  	[sflag:s15] =	ssyncadd.s32 $0xFFFFFF80  }
0x29b: {  	_ =	swait.ge [sflag:s15], $0x80  }
0x29c: {  	[sflag:s15] =	ssyncset.done $0x0  }
0x29d: {  	[sflag:s15] =	ssyncadd.s32 $0xFFFFFF80  }
0x29e: {  	_ =	swait.ge [sflag:s15], $0x80  }
0x29f: {  	[sflag:s15] =	ssyncset.done $0x0  }
0x2a0: {  	[sflag:s15] =	ssyncadd.s32 $0xFFFFFF80  }
0x2a1: {  	_ =	swait.ge [sflag:s15], $0x80  }
0x2a2: {  	[sflag:s15] =	ssyncset.done $0x0  }
0x2a3: {  	[sflag:s15] =	ssyncadd.s32 $0xFFFFFF80  }
0x2a4: {  	_ =	swait.ge [sflag:s15], $0x80  }
0x2a5: {  	[sflag:s15] =	ssyncset.done $0x0  }
0x2a6: {  	[sflag:s15] =	ssyncadd.s32 $0xFFFFFF80  }
0x2a7: {  	_ =	swait.ge [sflag:s15], $0x80  }
0x2a8: {  	[sflag:s15] =	ssyncset.done $0x0  }
0x2a9: {  	[sflag:s15] =	ssyncadd.s32 $0xFFFFFF80  }
0x2aa: {  	_ =	swait.ge [sflag:s15], $0x80  }
0x2ab: {  	[sflag:s15] =	ssyncset.done $0x0  }
0x2ac: {  	[sflag:s15] =	ssyncadd.s32 $0xFFFFFF80  }
0x2ad: {  	_ =	swait.ge [sflag:s15], $0x80  }
0x2ae: {  	s22 =	sld [smem:$0x7EE]  }
0x2af: {  	s3 =	sld [smem:$0x7F4]  }
0x2b0: {  	s8 =	sld [smem:$0x7F5]  }
0x2b1: {  	[sflag:s15] =	ssyncset.done $0x0;
	s30 =	rddreg [dreg:$0xc];
	s0 =	sshll.u32 s22, $0xB  }
0x2b2: {  	s13 =	simm.s32 $0xA;
	[sflag:s15] =	ssyncadd.s32 $0xFFFFFF80;
	s0 =	sadd.s32 s0, s30  }
0x2b3: {  	[hbm:s0], [sflag:s3] =	dma.local [spmem:s8], $0x800  }
0x2b4: {  	_ =	swait.ge [sflag:s13], $0x800  }
0x2b5: {  	[sflag:s13] =	ssyncset.done $0x0  }
0x2b6: {  	[sflag:s13] =	ssyncadd.s32 $0xFFFFF800  }
0x2b7: {  	s0 =	sld [smem:s5+$0x0];
	_ =	sdelay $0x1  }
0x2b8: {  	s30 =	sld [smem:$0x7F7]  }
0x2b9: {  	s20 =	simm.s32 $0x0;
	s22 =	sshll.u32 s0, $0xA;
	s0 =	sshll.u32 s0, $0x7  }
0x2ba: {  	s2 =	sand.u32 $0x380, s20;
	s3 =	sand.u32 $0xFFFFE000, s22;
	s0 =	sand.u32 $0x380, s0  }
0x2bb: {  	s2 =	sadd.s32 s2, s30;
	s0 =	sor.u32 s0, s3  }
0x2bc: {  	s2 =	sadd.s32 $0xC0000, s2;
	s0 =	sshrl.u32 s0, $0x3  }
0x2bd: {  	s2 =	sshrl.u32 s2, $0x3;
	s22 =	sadd.s32 $0x1, s5;
	s0 =	sadd.s32 s1, s0  }
0x2be: {  	[spmem:s2@s16], [sflag:s14] =	dma.strided [hbm:s0@s16], $0x80, s15, $0x10   }
0x2bf: {  	s13 =	sld [smem:s22+$0x0]  }
0x2c0: {  	s3 =	simm.s32 $0x80;
	s0 =	simm.s32 $0x100;
	s8 =	rddreg [dreg:$0x8]  }
.LBB2_21:
0x2c1: {  	p0 =	sne.s32 s0, $0x780  }
0x2c2: {  	s2 =	sand.u32 $0x380, s3;
	s8 =	sadd.s32 $0x400, s8;
	s3 =	smov.u32 s0  }
0x2c3: {  	s30 =	sand.u32 $0x3E000, s8;
	s20 =	sshll.u32 s13, $0xA;
	s13 =	sshll.u32 s13, $0x7  }
0x2c4: {  	s30 =	sadd.s32 s30, s4;
	s20 =	sand.u32 $0xFFFFE000, s20;
	s13 =	sand.u32 $0x380, s13  }
.Ltmp9:
0x2c5: {  	s2 =	sadd.s32 s2, s30;
	s13 =	sor.u32 s13, s20;
	(pc) =	sbr.rel @p0 .LBB2_21-.Ltmp9, $4  }
0x2c6: {  	s2 =	sadd.s32 $0xC0000, s2;
	s13 =	sshrl.u32 s13, $0x3  }
0x2c7: {  	s22 =	sadd.s32 $0x1, s22;
	s2 =	sshrl.u32 s2, $0x3;
	s13 =	sadd.s32 s1, s13  }
0x2c8: {  	[spmem:s2@s16], [sflag:s14] =	dma.strided [hbm:s13@s16], $0x80, s15, $0x10   }
0x2c9: {  	s0 =	sadd.s32 $0x80, s0;
	s13 =	sld [smem:s22+$0x0]  }
0x2ca: {  	_ = 	snop  }
0x2cb: {  	s0 =	sand.u32 $0x380, s3;
	s2 =	sadd.s32 $0x400, s8  }
0x2cc: {  	s2 =	sand.u32 $0x3E000, s2;
	s8 =	sshll.u32 s13, $0xA;
	s13 =	sshll.u32 s13, $0x7  }
0x2cd: {  	s2 =	sadd.s32 s2, s4;
	s3 =	sand.u32 $0xFFFFE000, s8;
	s8 =	sand.u32 $0x380, s13  }
0x2ce: {  	s0 =	sadd.s32 s0, s2;
	s3 =	sor.u32 s8, s3  }
0x2cf: {  	s0 =	sadd.s32 $0xC0000, s0;
	s20 =	sshrl.u32 s3, $0x3  }
0x2d0: {  	s0 =	sshrl.u32 s0, $0x3;
	s2 =	sadd.s32 s1, s20  }
0x2d1: {  	[spmem:s0@s16], [sflag:s14] =	dma.strided [hbm:s2@s16], $0x80, s15, $0x10   }
0x2d2: {  	_ =	swait.ge [sflag:s24], $0x80  }
0x2d3: {  	[sflag:s24] =	ssyncset.done $0x0  }
0x2d4: {  	[sflag:s24] =	ssyncadd.s32 $0xFFFFFF80  }
0x2d5: {  	_ =	swait.ge [sflag:s24], $0x80  }
0x2d6: {  	[sflag:s24] =	ssyncset.done $0x0  }
0x2d7: {  	[sflag:s24] =	ssyncadd.s32 $0xFFFFFF80  }
0x2d8: {  	_ =	swait.ge [sflag:s24], $0x80  }
0x2d9: {  	[sflag:s24] =	ssyncset.done $0x0  }
0x2da: {  	[sflag:s24] =	ssyncadd.s32 $0xFFFFFF80  }
0x2db: {  	_ =	swait.ge [sflag:s24], $0x80  }
0x2dc: {  	[sflag:s24] =	ssyncset.done $0x0  }
0x2dd: {  	[sflag:s24] =	ssyncadd.s32 $0xFFFFFF80  }
0x2de: {  	_ =	swait.ge [sflag:s24], $0x80  }
0x2df: {  	[sflag:s24] =	ssyncset.done $0x0  }
0x2e0: {  	[sflag:s24] =	ssyncadd.s32 $0xFFFFFF80  }
0x2e1: {  	_ =	swait.ge [sflag:s24], $0x80  }
0x2e2: {  	[sflag:s24] =	ssyncset.done $0x0  }
0x2e3: {  	[sflag:s24] =	ssyncadd.s32 $0xFFFFFF80  }
0x2e4: {  	_ =	swait.ge [sflag:s24], $0x80  }
0x2e5: {  	[sflag:s24] =	ssyncset.done $0x0  }
0x2e6: {  	[sflag:s24] =	ssyncadd.s32 $0xFFFFFF80  }
0x2e7: {  	_ =	swait.ge [sflag:s24], $0x80  }
0x2e8: {  	[sflag:s24] =	ssyncset.done $0x0  }
0x2e9: {  	[sflag:s24] =	ssyncadd.s32 $0xFFFFFF80  }
0x2ea: {  	_ =	swait.ge [sflag:s24], $0x80  }
0x2eb: {  	[sflag:s24] =	ssyncset.done $0x0  }
0x2ec: {  	[sflag:s24] =	ssyncadd.s32 $0xFFFFFF80  }
0x2ed: {  	_ =	swait.ge [sflag:s24], $0x80  }
0x2ee: {  	[sflag:s24] =	ssyncset.done $0x0  }
0x2ef: {  	[sflag:s24] =	ssyncadd.s32 $0xFFFFFF80  }
0x2f0: {  	_ =	swait.ge [sflag:s24], $0x80  }
0x2f1: {  	[sflag:s24] =	ssyncset.done $0x0  }
0x2f2: {  	[sflag:s24] =	ssyncadd.s32 $0xFFFFFF80  }
0x2f3: {  	_ =	swait.ge [sflag:s24], $0x80  }
0x2f4: {  	[sflag:s24] =	ssyncset.done $0x0  }
0x2f5: {  	[sflag:s24] =	ssyncadd.s32 $0xFFFFFF80  }
0x2f6: {  	_ =	swait.ge [sflag:s24], $0x80  }
0x2f7: {  	[sflag:s24] =	ssyncset.done $0x0  }
0x2f8: {  	[sflag:s24] =	ssyncadd.s32 $0xFFFFFF80  }
0x2f9: {  	_ =	swait.ge [sflag:s24], $0x80  }
0x2fa: {  	[sflag:s24] =	ssyncset.done $0x0  }
0x2fb: {  	[sflag:s24] =	ssyncadd.s32 $0xFFFFFF80  }
0x2fc: {  	_ =	swait.ge [sflag:s24], $0x80  }
0x2fd: {  	[sflag:s24] =	ssyncset.done $0x0  }
0x2fe: {  	[sflag:s24] =	ssyncadd.s32 $0xFFFFFF80  }
0x2ff: {  	_ =	swait.ge [sflag:s24], $0x80  }
0x300: {  	s22 =	sld [smem:$0x7EB]  }
0x301: {  	s3 =	sld [smem:$0x7F2]  }
0x302: {  	s8 =	sld [smem:$0x7F3]  }
0x303: {  	[sflag:s24] =	ssyncset.done $0x0;
	s30 =	rddreg [dreg:$0xc];
	s0 =	sshll.u32 s22, $0xB  }
0x304: {  	s13 =	simm.s32 $0xB;
	[sflag:s24] =	ssyncadd.s32 $0xFFFFFF80;
	s0 =	sadd.s32 s0, s30  }
0x305: {  	[hbm:s0], [sflag:s3] =	dma.local [spmem:s8], $0x800  }
0x306: {  	_ =	swait.ge [sflag:s13], $0x800  }
0x307: {  	[sflag:s13] =	ssyncset.done $0x0  }
0x308: {  	[sflag:s13] =	ssyncadd.s32 $0xFFFFF800  }
0x309: {  	s0 =	sld [smem:s7+$0x0];
	_ =	sdelay $0x1  }
0x30a: {  	s30 =	sld [smem:$0x7F7]  }
0x30b: {  	s20 =	simm.s32 $0x0;
	s22 =	sshll.u32 s0, $0xA;
	s0 =	sshll.u32 s0, $0x7  }
0x30c: {  	s2 =	sand.u32 $0x380, s20;
	s3 =	sand.u32 $0xFFFFE000, s22;
	s0 =	sand.u32 $0x380, s0  }
0x30d: {  	s2 =	sadd.s32 s2, s30;
	s0 =	sor.u32 s0, s3  }
0x30e: {  	s2 =	sadd.s32 $0x100000, s2;
	s0 =	sshrl.u32 s0, $0x3  }
0x30f: {  	s2 =	sshrl.u32 s2, $0x3;
	s0 =	sadd.s32 s1, s0  }
0x310: {  	[spmem:s2@s16], [sflag:s6] =	dma.strided [hbm:s0@s16], $0x80, s15, $0x10   }
0x311: {  	s2 =	sadd.s32 $0x1, s7  }
0x312: {  	s13 =	sld [smem:s2+$0x0]  }
0x313: {  	s3 =	simm.s32 $0x80;
	s0 =	simm.s32 $0x100;
	s8 =	rddreg [dreg:$0x8]  }
.LBB2_23:
0x314: {  	p0 =	sne.s32 s0, $0x780  }
0x315: {  	s20 =	sand.u32 $0x380, s3;
	s8 =	sadd.s32 $0x400, s8;
	s3 =	smov.u32 s0  }
0x316: {  	s30 =	sand.u32 $0x3E000, s8;
	s22 =	sshll.u32 s13, $0xA;
	s13 =	sshll.u32 s13, $0x7  }
0x317: {  	s30 =	sadd.s32 s30, s4;
	s22 =	sand.u32 $0xFFFFE000, s22;
	s13 =	sand.u32 $0x380, s13  }
.Ltmp10:
0x318: {  	s20 =	sadd.s32 s20, s30;
	s13 =	sor.u32 s13, s22;
	(pc) =	sbr.rel @p0 .LBB2_23-.Ltmp10, $4  }
0x319: {  	s20 =	sadd.s32 $0x100000, s20;
	s13 =	sshrl.u32 s13, $0x3  }
0x31a: {  	s2 =	sadd.s32 $0x1, s2;
	s20 =	sshrl.u32 s20, $0x3;
	s13 =	sadd.s32 s1, s13  }
0x31b: {  	[spmem:s20@s16], [sflag:s6] =	dma.strided [hbm:s13@s16], $0x80, s15, $0x10   }
0x31c: {  	s0 =	sadd.s32 $0x80, s0;
	s13 =	sld [smem:s2+$0x0]  }
0x31d: {  	_ = 	snop  }
0x31e: {  	s0 =	sand.u32 $0x380, s3;
	s2 =	sadd.s32 $0x400, s8  }
0x31f: {  	s2 =	sand.u32 $0x3E000, s2;
	s20 =	sshll.u32 s13, $0xA;
	s22 =	sshll.u32 s13, $0x7  }
0x320: {  	s2 =	sadd.s32 s2, s4;
	s3 =	sand.u32 $0xFFFFE000, s20;
	s8 =	sand.u32 $0x380, s22  }
0x321: {  	s0 =	sadd.s32 s0, s2;
	s3 =	sor.u32 s8, s3  }
0x322: {  	s0 =	sadd.s32 $0x100000, s0;
	s30 =	sshrl.u32 s3, $0x3  }
0x323: {  	s0 =	sshrl.u32 s0, $0x3;
	s2 =	sadd.s32 s1, s30  }
0x324: {  	[spmem:s0@s16], [sflag:s6] =	dma.strided [hbm:s2@s16], $0x80, s15, $0x10   }
0x325: {  	_ =	swait.ge [sflag:s25], $0x80  }
0x326: {  	[sflag:s25] =	ssyncset.done $0x0  }
0x327: {  	[sflag:s25] =	ssyncadd.s32 $0xFFFFFF80  }
0x328: {  	_ =	swait.ge [sflag:s25], $0x80  }
0x329: {  	[sflag:s25] =	ssyncset.done $0x0  }
0x32a: {  	[sflag:s25] =	ssyncadd.s32 $0xFFFFFF80  }
0x32b: {  	_ =	swait.ge [sflag:s25], $0x80  }
0x32c: {  	[sflag:s25] =	ssyncset.done $0x0  }
0x32d: {  	[sflag:s25] =	ssyncadd.s32 $0xFFFFFF80  }
0x32e: {  	_ =	swait.ge [sflag:s25], $0x80  }
0x32f: {  	[sflag:s25] =	ssyncset.done $0x0  }
0x330: {  	[sflag:s25] =	ssyncadd.s32 $0xFFFFFF80  }
0x331: {  	_ =	swait.ge [sflag:s25], $0x80  }
0x332: {  	[sflag:s25] =	ssyncset.done $0x0  }
0x333: {  	[sflag:s25] =	ssyncadd.s32 $0xFFFFFF80  }
0x334: {  	_ =	swait.ge [sflag:s25], $0x80  }
0x335: {  	[sflag:s25] =	ssyncset.done $0x0  }
0x336: {  	[sflag:s25] =	ssyncadd.s32 $0xFFFFFF80  }
0x337: {  	_ =	swait.ge [sflag:s25], $0x80  }
0x338: {  	[sflag:s25] =	ssyncset.done $0x0  }
0x339: {  	[sflag:s25] =	ssyncadd.s32 $0xFFFFFF80  }
0x33a: {  	_ =	swait.ge [sflag:s25], $0x80  }
0x33b: {  	[sflag:s25] =	ssyncset.done $0x0  }
0x33c: {  	[sflag:s25] =	ssyncadd.s32 $0xFFFFFF80  }
0x33d: {  	_ =	swait.ge [sflag:s25], $0x80  }
0x33e: {  	[sflag:s25] =	ssyncset.done $0x0  }
0x33f: {  	[sflag:s25] =	ssyncadd.s32 $0xFFFFFF80  }
0x340: {  	_ =	swait.ge [sflag:s25], $0x80  }
0x341: {  	[sflag:s25] =	ssyncset.done $0x0  }
0x342: {  	[sflag:s25] =	ssyncadd.s32 $0xFFFFFF80  }
0x343: {  	_ =	swait.ge [sflag:s25], $0x80  }
0x344: {  	[sflag:s25] =	ssyncset.done $0x0  }
0x345: {  	[sflag:s25] =	ssyncadd.s32 $0xFFFFFF80  }
0x346: {  	_ =	swait.ge [sflag:s25], $0x80  }
0x347: {  	[sflag:s25] =	ssyncset.done $0x0  }
0x348: {  	[sflag:s25] =	ssyncadd.s32 $0xFFFFFF80  }
0x349: {  	_ =	swait.ge [sflag:s25], $0x80  }
0x34a: {  	[sflag:s25] =	ssyncset.done $0x0  }
0x34b: {  	[sflag:s25] =	ssyncadd.s32 $0xFFFFFF80  }
0x34c: {  	_ =	swait.ge [sflag:s25], $0x80  }
0x34d: {  	[sflag:s25] =	ssyncset.done $0x0  }
0x34e: {  	[sflag:s25] =	ssyncadd.s32 $0xFFFFFF80  }
0x34f: {  	_ =	swait.ge [sflag:s25], $0x80  }
0x350: {  	[sflag:s25] =	ssyncset.done $0x0  }
0x351: {  	[sflag:s25] =	ssyncadd.s32 $0xFFFFFF80  }
0x352: {  	_ =	swait.ge [sflag:s25], $0x80  }
0x353: {  	s8 =	sld [smem:$0x7F0]  }
0x354: {  	s2 =	sshll.u32 s9, $0xB;
	s9 =	sld [smem:$0x7F1]  }
0x355: {  	[sflag:s25] =	ssyncset.done $0x0;
	s3 =	rddreg [dreg:$0xc]  }
0x356: {  	s13 =	simm.s32 $0xC;
	[sflag:s25] =	ssyncadd.s32 $0xFFFFFF80;
	s0 =	sadd.s32 s2, s3  }
0x357: {  	[hbm:s0], [sflag:s8] =	dma.local [spmem:s9], $0x800  }
0x358: {  	_ =	swait.ge [sflag:s13], $0x800  }
0x359: {  	[sflag:s13] =	ssyncset.done $0x0  }
0x35a: {  	[sflag:s13] =	ssyncadd.s32 $0xFFFFF800  }
0x35b: {  	s0 =	sld [smem:s28+$0x0];
	_ =	sdelay $0x1  }
0x35c: {  	s30 =	sld [smem:$0x7F7]  }
0x35d: {  	s20 =	simm.s32 $0x0;
	s22 =	sshll.u32 s0, $0xA;
	s0 =	sshll.u32 s0, $0x7  }
0x35e: {  	s2 =	sand.u32 $0x380, s20;
	s3 =	sand.u32 $0xFFFFE000, s22;
	s0 =	sand.u32 $0x380, s0  }
0x35f: {  	s2 =	sadd.s32 s2, s30;
	s0 =	sor.u32 s0, s3  }
0x360: {  	s2 =	sadd.s32 $0x140000, s2;
	s0 =	sshrl.u32 s0, $0x3  }
0x361: {  	s2 =	sshrl.u32 s2, $0x3;
	s0 =	sadd.s32 s1, s0  }
0x362: {  	[spmem:s2@s16], [sflag:s17] =	dma.strided [hbm:s0@s16], $0x80, s15, $0x10   }
0x363: {  	s2 =	sadd.s32 $0x1, s28  }
0x364: {  	s9 =	sld [smem:s2+$0x0]  }
0x365: {  	s3 =	simm.s32 $0x80;
	s0 =	simm.s32 $0x100;
	s8 =	rddreg [dreg:$0x8]  }
.LBB2_25:
0x366: {  	p0 =	sne.s32 s0, $0x780  }
0x367: {  	s13 =	sand.u32 $0x380, s3;
	s8 =	sadd.s32 $0x400, s8;
	s3 =	smov.u32 s0  }
0x368: {  	s22 =	sand.u32 $0x3E000, s8;
	s20 =	sshll.u32 s9, $0xA;
	s9 =	sshll.u32 s9, $0x7  }
0x369: {  	s22 =	sadd.s32 s22, s4;
	s20 =	sand.u32 $0xFFFFE000, s20;
	s9 =	sand.u32 $0x380, s9  }
.Ltmp11:
0x36a: {  	s13 =	sadd.s32 s13, s22;
	s9 =	sor.u32 s9, s20;
	(pc) =	sbr.rel @p0 .LBB2_25-.Ltmp11, $4  }
0x36b: {  	s13 =	sadd.s32 $0x140000, s13;
	s9 =	sshrl.u32 s9, $0x3  }
0x36c: {  	s2 =	sadd.s32 $0x1, s2;
	s13 =	sshrl.u32 s13, $0x3;
	s9 =	sadd.s32 s1, s9  }
0x36d: {  	[spmem:s13@s16], [sflag:s17] =	dma.strided [hbm:s9@s16], $0x80, s15, $0x10   }
0x36e: {  	s0 =	sadd.s32 $0x80, s0;
	s9 =	sld [smem:s2+$0x0]  }
0x36f: {  	_ = 	snop  }
0x370: {  	s0 =	sand.u32 $0x380, s3;
	s2 =	sadd.s32 $0x400, s8  }
0x371: {  	s2 =	sand.u32 $0x3E000, s2;
	s20 =	sshll.u32 s9, $0xA;
	s22 =	sshll.u32 s9, $0x7  }
0x372: {  	s2 =	sadd.s32 s2, s4;
	s3 =	sand.u32 $0xFFFFE000, s20;
	s8 =	sand.u32 $0x380, s22  }
0x373: {  	s0 =	sadd.s32 s0, s2;
	s3 =	sor.u32 s8, s3  }
0x374: {  	s23 =	sadd.s32 $0x1, s23;
	s0 =	sadd.s32 $0x140000, s0;
	s30 =	sshrl.u32 s3, $0x3  }
0x375: {  	p0 =	sne.s32 s23, $0x9;
	s0 =	sshrl.u32 s0, $0x3;
	s2 =	sadd.s32 s1, s30  }
0x376: {  	[spmem:s0@s16], [sflag:s17] =	dma.strided [hbm:s2@s16], $0x80, s15, $0x10   }
.Ltmp12:
0x377: {  	_ = 	snop;
	(pc) =	sbr.rel @p0 .LBB2_14-.Ltmp12, $3  }
0x378: {  	s13 =	sld [smem:$0x7EF];
	_ =	sdelay $0x1  }
0x379: {  	s21 =	sadd.s32 $0x60, s21;
	s18 =	sadd.s32 $0x60, s18;
	s5 =	sadd.s32 $0x60, s5  }
0x37a: {  	s7 =	sadd.s32 $0x60, s7;
	s28 =	sadd.s32 $0x60, s28;
	s13 =	sadd.s32 $0x60, s13  }
0x37b: {  	_ =	swait.ge [sflag:s26], $0x80  }
0x37c: {  	[sflag:s26] =	ssyncset.done $0x0  }
0x37d: {  	[sflag:s26] =	ssyncadd.s32 $0xFFFFFF80  }
0x37e: {  	_ =	swait.ge [sflag:s26], $0x80  }
0x37f: {  	[sflag:s26] =	ssyncset.done $0x0  }
0x380: {  	[sflag:s26] =	ssyncadd.s32 $0xFFFFFF80  }
0x381: {  	_ =	swait.ge [sflag:s26], $0x80  }
0x382: {  	[sflag:s26] =	ssyncset.done $0x0  }
0x383: {  	[sflag:s26] =	ssyncadd.s32 $0xFFFFFF80  }
0x384: {  	_ =	swait.ge [sflag:s26], $0x80  }
0x385: {  	[sflag:s26] =	ssyncset.done $0x0  }
0x386: {  	[sflag:s26] =	ssyncadd.s32 $0xFFFFFF80  }
0x387: {  	_ =	swait.ge [sflag:s26], $0x80  }
0x388: {  	[sflag:s26] =	ssyncset.done $0x0  }
0x389: {  	[sflag:s26] =	ssyncadd.s32 $0xFFFFFF80  }
0x38a: {  	_ =	swait.ge [sflag:s26], $0x80  }
0x38b: {  	[sflag:s26] =	ssyncset.done $0x0  }
0x38c: {  	[sflag:s26] =	ssyncadd.s32 $0xFFFFFF80  }
0x38d: {  	_ =	swait.ge [sflag:s26], $0x80  }
0x38e: {  	[sflag:s26] =	ssyncset.done $0x0  }
0x38f: {  	[sflag:s26] =	ssyncadd.s32 $0xFFFFFF80  }
0x390: {  	_ =	swait.ge [sflag:s26], $0x80  }
0x391: {  	[sflag:s26] =	ssyncset.done $0x0  }
0x392: {  	[sflag:s26] =	ssyncadd.s32 $0xFFFFFF80  }
0x393: {  	_ =	swait.ge [sflag:s26], $0x80  }
0x394: {  	[sflag:s26] =	ssyncset.done $0x0  }
0x395: {  	[sflag:s26] =	ssyncadd.s32 $0xFFFFFF80  }
0x396: {  	_ =	swait.ge [sflag:s26], $0x80  }
0x397: {  	[sflag:s26] =	ssyncset.done $0x0  }
0x398: {  	[sflag:s26] =	ssyncadd.s32 $0xFFFFFF80  }
0x399: {  	_ =	swait.ge [sflag:s26], $0x80  }
0x39a: {  	[sflag:s26] =	ssyncset.done $0x0  }
0x39b: {  	[sflag:s26] =	ssyncadd.s32 $0xFFFFFF80  }
0x39c: {  	_ =	swait.ge [sflag:s26], $0x80  }
0x39d: {  	[sflag:s26] =	ssyncset.done $0x0  }
0x39e: {  	[sflag:s26] =	ssyncadd.s32 $0xFFFFFF80  }
0x39f: {  	_ =	swait.ge [sflag:s26], $0x80  }
0x3a0: {  	[sflag:s26] =	ssyncset.done $0x0  }
0x3a1: {  	[sflag:s26] =	ssyncadd.s32 $0xFFFFFF80  }
0x3a2: {  	_ =	swait.ge [sflag:s26], $0x80  }
0x3a3: {  	[sflag:s26] =	ssyncset.done $0x0  }
0x3a4: {  	[sflag:s26] =	ssyncadd.s32 $0xFFFFFF80  }
0x3a5: {  	_ =	swait.ge [sflag:s26], $0x80  }
0x3a6: {  	[sflag:s26] =	ssyncset.done $0x0  }
0x3a7: {  	[sflag:s26] =	ssyncadd.s32 $0xFFFFFF80  }
0x3a8: {  	_ =	swait.ge [sflag:s26], $0x80  }
0x3a9: {  	s13 =	sld [smem:$0x7EC]  }
0x3aa: {  	s17 =	sld [smem:$0x7ED]  }
0x3ab: {  	[sflag:s26] =	ssyncset.done $0x0  }
0x3ac: {  	s23 =	simm.s32 $0x7;
	s0 =	rddreg [dreg:$0x17];
	[sflag:s26] =	ssyncadd.s32 $0xFFFFFF80  }
0x3ad: {  	[hbm:s0], [sflag:s13] =	dma.local [spmem:s17], $0x800  }
0x3ae: {  	_ =	swait.ge [sflag:s23], $0x800  }
0x3af: {  	[sflag:s23] =	ssyncset.done $0x0  }
0x3b0: {  	[sflag:s23] =	ssyncadd.s32 $0xFFFFF800  }
0x3b1: {  	s0 =	sld [smem:$0x3C0];
	_ =	sdelay $0x2  }
0x3b2: {  	s30 =	sld [smem:$0x7F7];
	s2 =	sshll.u32 s0, $0xA;
	s0 =	sshll.u32 s0, $0x7  }
0x3b3: {  	s3 =	simm.s32 $0x0;
	s2 =	sand.u32 $0xFFFFE000, s2;
	s0 =	sand.u32 $0x380, s0  }
0x3b4: {  	s28 =	sand.u32 $0x380, s3;
	s0 =	sor.u32 s0, s2  }
0x3b5: {  	s2 =	sadd.s32 s28, s30;
	s0 =	sshrl.u32 s0, $0x3  }
0x3b6: {  	s2 =	sshrl.u32 s2, $0x3;
	s0 =	sadd.s32 s1, s0  }
0x3b7: {  	[spmem:s2@s16], [sflag:s19] =	dma.strided [hbm:s0@s16], $0x80, s15, $0x10   }
0x3b8: {  	s5 =	simm.s32 $0x3C1;
	s6 =	sld [smem:$0x3C1]  }
0x3b9: {  	s2 =	simm.s32 $0x80;
	s0 =	simm.s32 $0x100;
	s3 =	rddreg [dreg:$0x8]  }
.LBB2_28:
0x3ba: {  	p0 =	sne.s32 s0, $0x780  }
0x3bb: {  	s3 =	sadd.s32 $0x400, s3  }
0x3bc: {  	s2 =	sand.u32 $0x380, s2;
	s7 =	sshll.u32 s6, $0xA;
	s6 =	sshll.u32 s6, $0x7  }
0x3bd: {  	s8 =	sand.u32 $0x3E000, s3;
	s7 =	sand.u32 $0xFFFFE000, s7;
	s6 =	sand.u32 $0x380, s6  }
.Ltmp13:
0x3be: {  	s6 =	sor.u32 s6, s7;
	s7 =	sadd.s32 s8, s4;
	(pc) =	sbr.rel @p0 .LBB2_28-.Ltmp13, $4  }
0x3bf: {  	s7 =	sadd.s32 s2, s7;
	s6 =	sshrl.u32 s6, $0x3;
	s2 =	smov.u32 s0  }
0x3c0: {  	s5 =	sadd.s32 $0x1, s5;
	s6 =	sadd.s32 s1, s6;
	s7 =	sshrl.u32 s7, $0x3  }
0x3c1: {  	[spmem:s7@s16], [sflag:s19] =	dma.strided [hbm:s6@s16], $0x80, s15, $0x10   }
0x3c2: {  	s0 =	sadd.s32 $0x80, s0;
	s6 =	sld [smem:s5+$0x0]  }
0x3c3: {  	_ =	sdelay $0x1  }
0x3c4: {  	s3 =	sadd.s32 $0x400, s3;
	s0 =	sshll.u32 s6, $0xA;
	s5 =	sshll.u32 s6, $0x7  }
0x3c5: {  	s3 =	sand.u32 $0x3E000, s3;
	s0 =	sand.u32 $0xFFFFE000, s0;
	s5 =	sand.u32 $0x380, s5  }
0x3c6: {  	s2 =	sand.u32 $0x380, s2;
	s3 =	sadd.s32 s3, s4;
	s0 =	sor.u32 s5, s0  }
0x3c7: {  	s2 =	sadd.s32 s2, s3;
	s0 =	sshrl.u32 s0, $0x3  }
0x3c8: {  	s2 =	sshrl.u32 s2, $0x3;
	s0 =	sadd.s32 s1, s0  }
0x3c9: {  	[spmem:s2@s16], [sflag:s19] =	dma.strided [hbm:s0@s16], $0x80, s15, $0x10   }
0x3ca: {  	_ =	swait.ge [sflag:s29], $0x80  }
0x3cb: {  	[sflag:s29] =	ssyncset.done $0x0  }
0x3cc: {  	[sflag:s29] =	ssyncadd.s32 $0xFFFFFF80  }
0x3cd: {  	_ =	swait.ge [sflag:s29], $0x80  }
0x3ce: {  	[sflag:s29] =	ssyncset.done $0x0  }
0x3cf: {  	[sflag:s29] =	ssyncadd.s32 $0xFFFFFF80  }
0x3d0: {  	_ =	swait.ge [sflag:s29], $0x80  }
0x3d1: {  	[sflag:s29] =	ssyncset.done $0x0  }
0x3d2: {  	[sflag:s29] =	ssyncadd.s32 $0xFFFFFF80  }
0x3d3: {  	_ =	swait.ge [sflag:s29], $0x80  }
0x3d4: {  	[sflag:s29] =	ssyncset.done $0x0  }
0x3d5: {  	[sflag:s29] =	ssyncadd.s32 $0xFFFFFF80  }
0x3d6: {  	_ =	swait.ge [sflag:s29], $0x80  }
0x3d7: {  	[sflag:s29] =	ssyncset.done $0x0  }
0x3d8: {  	[sflag:s29] =	ssyncadd.s32 $0xFFFFFF80  }
0x3d9: {  	_ =	swait.ge [sflag:s29], $0x80  }
0x3da: {  	[sflag:s29] =	ssyncset.done $0x0  }
0x3db: {  	[sflag:s29] =	ssyncadd.s32 $0xFFFFFF80  }
0x3dc: {  	_ =	swait.ge [sflag:s29], $0x80  }
0x3dd: {  	[sflag:s29] =	ssyncset.done $0x0  }
0x3de: {  	[sflag:s29] =	ssyncadd.s32 $0xFFFFFF80  }
0x3df: {  	_ =	swait.ge [sflag:s29], $0x80  }
0x3e0: {  	[sflag:s29] =	ssyncset.done $0x0  }
0x3e1: {  	[sflag:s29] =	ssyncadd.s32 $0xFFFFFF80  }
0x3e2: {  	_ =	swait.ge [sflag:s29], $0x80  }
0x3e3: {  	[sflag:s29] =	ssyncset.done $0x0  }
0x3e4: {  	[sflag:s29] =	ssyncadd.s32 $0xFFFFFF80  }
0x3e5: {  	_ =	swait.ge [sflag:s29], $0x80  }
0x3e6: {  	[sflag:s29] =	ssyncset.done $0x0  }
0x3e7: {  	[sflag:s29] =	ssyncadd.s32 $0xFFFFFF80  }
0x3e8: {  	_ =	swait.ge [sflag:s29], $0x80  }
0x3e9: {  	[sflag:s29] =	ssyncset.done $0x0  }
0x3ea: {  	[sflag:s29] =	ssyncadd.s32 $0xFFFFFF80  }
0x3eb: {  	_ =	swait.ge [sflag:s29], $0x80  }
0x3ec: {  	[sflag:s29] =	ssyncset.done $0x0  }
0x3ed: {  	[sflag:s29] =	ssyncadd.s32 $0xFFFFFF80  }
0x3ee: {  	_ =	swait.ge [sflag:s29], $0x80  }
0x3ef: {  	[sflag:s29] =	ssyncset.done $0x0  }
0x3f0: {  	[sflag:s29] =	ssyncadd.s32 $0xFFFFFF80  }
0x3f1: {  	_ =	swait.ge [sflag:s29], $0x80  }
0x3f2: {  	[sflag:s29] =	ssyncset.done $0x0  }
0x3f3: {  	[sflag:s29] =	ssyncadd.s32 $0xFFFFFF80  }
0x3f4: {  	_ =	swait.ge [sflag:s29], $0x80  }
0x3f5: {  	[sflag:s29] =	ssyncset.done $0x0  }
0x3f6: {  	[sflag:s29] =	ssyncadd.s32 $0xFFFFFF80  }
0x3f7: {  	_ =	swait.ge [sflag:s29], $0x80  }
0x3f8: {  	s20 =	sld [smem:$0x7E9]  }
0x3f9: {  	s21 =	sld [smem:$0x7EA]  }
0x3fa: {  	[sflag:s29] =	ssyncset.done $0x0  }
0x3fb: {  	s22 =	simm.s32 $0x8;
	s19 =	rddreg [dreg:$0x18];
	[sflag:s29] =	ssyncadd.s32 $0xFFFFFF80  }
0x3fc: {  	[hbm:s19], [sflag:s20] =	dma.local [spmem:s21], $0x800  }
0x3fd: {  	_ =	swait.ge [sflag:s22], $0x800  }
0x3fe: {  	[sflag:s22] =	ssyncset.done $0x0  }
0x3ff: {  	[sflag:s22] =	ssyncadd.s32 $0xFFFFF800  }
0x400: {  	s0 =	sld [smem:$0x3D0];
	_ =	sdelay $0x1  }
0x401: {  	s30 =	sld [smem:$0x7F7]  }
0x402: {  	s23 =	simm.s32 $0x0;
	s28 =	sshll.u32 s0, $0xA;
	s0 =	sshll.u32 s0, $0x7  }
0x403: {  	s2 =	sand.u32 $0x380, s23;
	s3 =	sand.u32 $0xFFFFE000, s28;
	s0 =	sand.u32 $0x380, s0  }
0x404: {  	s2 =	sadd.s32 s2, s30;
	s0 =	sor.u32 s0, s3  }
0x405: {  	s2 =	sadd.s32 $0x40000, s2;
	s0 =	sshrl.u32 s0, $0x3  }
0x406: {  	s2 =	sshrl.u32 s2, $0x3;
	s0 =	sadd.s32 s1, s0  }
0x407: {  	[spmem:s2@s16], [sflag:s11] =	dma.strided [hbm:s0@s16], $0x80, s15, $0x10   }
0x408: {  	s3 =	simm.s32 $0x3D1;
	s6 =	sld [smem:$0x3D1]  }
0x409: {  	s2 =	simm.s32 $0x80;
	s0 =	simm.s32 $0x100;
	s5 =	rddreg [dreg:$0x8]  }
.LBB2_30:
0x40a: {  	p0 =	sne.s32 s0, $0x780  }
0x40b: {  	s7 =	sand.u32 $0x380, s2;
	s5 =	sadd.s32 $0x400, s5;
	s2 =	smov.u32 s0  }
0x40c: {  	s9 =	sand.u32 $0x3E000, s5;
	s8 =	sshll.u32 s6, $0xA;
	s6 =	sshll.u32 s6, $0x7  }
0x40d: {  	s9 =	sadd.s32 s9, s4;
	s8 =	sand.u32 $0xFFFFE000, s8;
	s6 =	sand.u32 $0x380, s6  }
.Ltmp14:
0x40e: {  	s7 =	sadd.s32 s7, s9;
	s6 =	sor.u32 s6, s8;
	(pc) =	sbr.rel @p0 .LBB2_30-.Ltmp14, $4  }
0x40f: {  	s7 =	sadd.s32 $0x40000, s7;
	s6 =	sshrl.u32 s6, $0x3  }
0x410: {  	s3 =	sadd.s32 $0x1, s3;
	s7 =	sshrl.u32 s7, $0x3;
	s6 =	sadd.s32 s1, s6  }
0x411: {  	[spmem:s7@s16], [sflag:s11] =	dma.strided [hbm:s6@s16], $0x80, s15, $0x10   }
0x412: {  	s0 =	sadd.s32 $0x80, s0;
	s6 =	sld [smem:s3+$0x0]  }
0x413: {  	_ = 	snop  }
0x414: {  	s0 =	sand.u32 $0x380, s2;
	s9 =	sadd.s32 $0x400, s5  }
0x415: {  	s2 =	sand.u32 $0x3E000, s9;
	s3 =	sshll.u32 s6, $0xA;
	s18 =	sshll.u32 s6, $0x7  }
0x416: {  	s2 =	sadd.s32 s2, s4;
	s3 =	sand.u32 $0xFFFFE000, s3;
	s5 =	sand.u32 $0x380, s18  }
0x417: {  	s0 =	sadd.s32 s0, s2;
	s3 =	sor.u32 s5, s3  }
0x418: {  	s0 =	sadd.s32 $0x40000, s0;
	s19 =	sshrl.u32 s3, $0x3  }
0x419: {  	s0 =	sshrl.u32 s0, $0x3;
	s2 =	sadd.s32 s1, s19  }
0x41a: {  	[spmem:s0@s16], [sflag:s11] =	dma.strided [hbm:s2@s16], $0x80, s15, $0x10   }
0x41b: {  	_ =	swait.ge [sflag:s31], $0x80  }
0x41c: {  	[sflag:s31] =	ssyncset.done $0x0  }
0x41d: {  	[sflag:s31] =	ssyncadd.s32 $0xFFFFFF80  }
0x41e: {  	_ =	swait.ge [sflag:s31], $0x80  }
0x41f: {  	[sflag:s31] =	ssyncset.done $0x0  }
0x420: {  	[sflag:s31] =	ssyncadd.s32 $0xFFFFFF80  }
0x421: {  	_ =	swait.ge [sflag:s31], $0x80  }
0x422: {  	[sflag:s31] =	ssyncset.done $0x0  }
0x423: {  	[sflag:s31] =	ssyncadd.s32 $0xFFFFFF80  }
0x424: {  	_ =	swait.ge [sflag:s31], $0x80  }
0x425: {  	[sflag:s31] =	ssyncset.done $0x0  }
0x426: {  	[sflag:s31] =	ssyncadd.s32 $0xFFFFFF80  }
0x427: {  	_ =	swait.ge [sflag:s31], $0x80  }
0x428: {  	[sflag:s31] =	ssyncset.done $0x0  }
0x429: {  	[sflag:s31] =	ssyncadd.s32 $0xFFFFFF80  }
0x42a: {  	_ =	swait.ge [sflag:s31], $0x80  }
0x42b: {  	[sflag:s31] =	ssyncset.done $0x0  }
0x42c: {  	[sflag:s31] =	ssyncadd.s32 $0xFFFFFF80  }
0x42d: {  	_ =	swait.ge [sflag:s31], $0x80  }
0x42e: {  	[sflag:s31] =	ssyncset.done $0x0  }
0x42f: {  	[sflag:s31] =	ssyncadd.s32 $0xFFFFFF80  }
0x430: {  	_ =	swait.ge [sflag:s31], $0x80  }
0x431: {  	[sflag:s31] =	ssyncset.done $0x0  }
0x432: {  	[sflag:s31] =	ssyncadd.s32 $0xFFFFFF80  }
0x433: {  	_ =	swait.ge [sflag:s31], $0x80  }
0x434: {  	[sflag:s31] =	ssyncset.done $0x0  }
0x435: {  	[sflag:s31] =	ssyncadd.s32 $0xFFFFFF80  }
0x436: {  	_ =	swait.ge [sflag:s31], $0x80  }
0x437: {  	[sflag:s31] =	ssyncset.done $0x0  }
0x438: {  	[sflag:s31] =	ssyncadd.s32 $0xFFFFFF80  }
0x439: {  	_ =	swait.ge [sflag:s31], $0x80  }
0x43a: {  	[sflag:s31] =	ssyncset.done $0x0  }
0x43b: {  	[sflag:s31] =	ssyncadd.s32 $0xFFFFFF80  }
0x43c: {  	_ =	swait.ge [sflag:s31], $0x80  }
0x43d: {  	[sflag:s31] =	ssyncset.done $0x0  }
0x43e: {  	[sflag:s31] =	ssyncadd.s32 $0xFFFFFF80  }
0x43f: {  	_ =	swait.ge [sflag:s31], $0x80  }
0x440: {  	[sflag:s31] =	ssyncset.done $0x0  }
0x441: {  	[sflag:s31] =	ssyncadd.s32 $0xFFFFFF80  }
0x442: {  	_ =	swait.ge [sflag:s31], $0x80  }
0x443: {  	[sflag:s31] =	ssyncset.done $0x0  }
0x444: {  	[sflag:s31] =	ssyncadd.s32 $0xFFFFFF80  }
0x445: {  	_ =	swait.ge [sflag:s31], $0x80  }
0x446: {  	[sflag:s31] =	ssyncset.done $0x0  }
0x447: {  	[sflag:s31] =	ssyncadd.s32 $0xFFFFFF80  }
0x448: {  	_ =	swait.ge [sflag:s31], $0x80  }
0x449: {  	s21 =	sld [smem:$0x7E8]  }
0x44a: {  	[sflag:s31] =	ssyncset.done $0x0  }
0x44b: {  	s22 =	simm.s32 $0x9;
	s20 =	rddreg [dreg:$0x1a];
	[sflag:s31] =	ssyncadd.s32 $0xFFFFFF80  }
0x44c: {  	[hbm:s20], [sflag:s21] =	dma.local [spmem:s12], $0x800  }
0x44d: {  	_ =	swait.ge [sflag:s22], $0x800  }
0x44e: {  	[sflag:s22] =	ssyncset.done $0x0  }
0x44f: {  	[sflag:s22] =	ssyncadd.s32 $0xFFFFF800  }
0x450: {  	s0 =	sld [smem:$0x3E0];
	_ =	sdelay $0x1  }
0x451: {  	s30 =	sld [smem:$0x7F7]  }
0x452: {  	s23 =	simm.s32 $0x0;
	s28 =	sshll.u32 s0, $0xA;
	s0 =	sshll.u32 s0, $0x7  }
0x453: {  	s2 =	sand.u32 $0x380, s23;
	s3 =	sand.u32 $0xFFFFE000, s28;
	s0 =	sand.u32 $0x380, s0  }
0x454: {  	s2 =	sadd.s32 s2, s30;
	s0 =	sor.u32 s0, s3  }
0x455: {  	s2 =	sadd.s32 $0x80000, s2;
	s0 =	sshrl.u32 s0, $0x3  }
0x456: {  	s2 =	sshrl.u32 s2, $0x3;
	s0 =	sadd.s32 s1, s0  }
0x457: {  	[spmem:s2@s16], [sflag:s10] =	dma.strided [hbm:s0@s16], $0x80, s15, $0x10   }
0x458: {  	s5 =	simm.s32 $0x100;
	s6 =	sld [smem:$0x3E1]  }
0x459: {  	s0 =	simm.s32 $0x80;
	s2 =	simm.s32 $0x3E1;
	s3 =	rddreg [dreg:$0x8]  }
.LBB2_32:
0x45a: {  	p0 =	sne.s32 s5, $0x780  }
0x45b: {  	s7 =	sand.u32 $0x380, s0;
	s3 =	sadd.s32 $0x400, s3;
	s0 =	smov.u32 s5  }
0x45c: {  	s9 =	sand.u32 $0x3E000, s3;
	s8 =	sshll.u32 s6, $0xA;
	s6 =	sshll.u32 s6, $0x7  }
0x45d: {  	s9 =	sadd.s32 s9, s4;
	s8 =	sand.u32 $0xFFFFE000, s8;
	s6 =	sand.u32 $0x380, s6  }
.Ltmp15:
0x45e: {  	s7 =	sadd.s32 s7, s9;
	s6 =	sor.u32 s6, s8;
	(pc) =	sbr.rel @p0 .LBB2_32-.Ltmp15, $4  }
0x45f: {  	s7 =	sadd.s32 $0x80000, s7;
	s6 =	sshrl.u32 s6, $0x3  }
0x460: {  	s2 =	sadd.s32 $0x1, s2;
	s7 =	sshrl.u32 s7, $0x3;
	s6 =	sadd.s32 s1, s6  }
0x461: {  	[spmem:s7@s16], [sflag:s10] =	dma.strided [hbm:s6@s16], $0x80, s15, $0x10   }
0x462: {  	s5 =	sadd.s32 $0x80, s5;
	s6 =	sld [smem:s2+$0x0]  }
0x463: {  	_ = 	snop  }
0x464: {  	s0 =	sand.u32 $0x380, s0;
	s2 =	sadd.s32 $0x400, s3  }
0x465: {  	s2 =	sand.u32 $0x3E000, s2;
	s12 =	sshll.u32 s6, $0xA;
	s5 =	sshll.u32 s6, $0x7  }
0x466: {  	s2 =	sadd.s32 s2, s4;
	s3 =	sand.u32 $0xFFFFE000, s12;
	s5 =	sand.u32 $0x380, s5  }
0x467: {  	s0 =	sadd.s32 s0, s2;
	s3 =	sor.u32 s5, s3  }
0x468: {  	s0 =	sadd.s32 $0x80000, s0;
	s18 =	sshrl.u32 s3, $0x3  }
0x469: {  	s0 =	sshrl.u32 s0, $0x3;
	s2 =	sadd.s32 s1, s18  }
0x46a: {  	[spmem:s0@s16], [sflag:s10] =	dma.strided [hbm:s2@s16], $0x80, s15, $0x10   }
0x46b: {  	_ =	swait.ge [sflag:s15], $0x80  }
0x46c: {  	[sflag:s15] =	ssyncset.done $0x0  }
0x46d: {  	[sflag:s15] =	ssyncadd.s32 $0xFFFFFF80  }
0x46e: {  	_ =	swait.ge [sflag:s15], $0x80  }
0x46f: {  	[sflag:s15] =	ssyncset.done $0x0  }
0x470: {  	[sflag:s15] =	ssyncadd.s32 $0xFFFFFF80  }
0x471: {  	_ =	swait.ge [sflag:s15], $0x80  }
0x472: {  	[sflag:s15] =	ssyncset.done $0x0  }
0x473: {  	[sflag:s15] =	ssyncadd.s32 $0xFFFFFF80  }
0x474: {  	_ =	swait.ge [sflag:s15], $0x80  }
0x475: {  	[sflag:s15] =	ssyncset.done $0x0  }
0x476: {  	[sflag:s15] =	ssyncadd.s32 $0xFFFFFF80  }
0x477: {  	_ =	swait.ge [sflag:s15], $0x80  }
0x478: {  	[sflag:s15] =	ssyncset.done $0x0  }
0x479: {  	[sflag:s15] =	ssyncadd.s32 $0xFFFFFF80  }
0x47a: {  	_ =	swait.ge [sflag:s15], $0x80  }
0x47b: {  	[sflag:s15] =	ssyncset.done $0x0  }
0x47c: {  	[sflag:s15] =	ssyncadd.s32 $0xFFFFFF80  }
0x47d: {  	_ =	swait.ge [sflag:s15], $0x80  }
0x47e: {  	[sflag:s15] =	ssyncset.done $0x0  }
0x47f: {  	[sflag:s15] =	ssyncadd.s32 $0xFFFFFF80  }
0x480: {  	_ =	swait.ge [sflag:s15], $0x80  }
0x481: {  	[sflag:s15] =	ssyncset.done $0x0  }
0x482: {  	[sflag:s15] =	ssyncadd.s32 $0xFFFFFF80  }
0x483: {  	_ =	swait.ge [sflag:s15], $0x80  }
0x484: {  	[sflag:s15] =	ssyncset.done $0x0  }
0x485: {  	[sflag:s15] =	ssyncadd.s32 $0xFFFFFF80  }
0x486: {  	_ =	swait.ge [sflag:s15], $0x80  }
0x487: {  	[sflag:s15] =	ssyncset.done $0x0  }
0x488: {  	[sflag:s15] =	ssyncadd.s32 $0xFFFFFF80  }
0x489: {  	_ =	swait.ge [sflag:s15], $0x80  }
0x48a: {  	[sflag:s15] =	ssyncset.done $0x0  }
0x48b: {  	[sflag:s15] =	ssyncadd.s32 $0xFFFFFF80  }
0x48c: {  	_ =	swait.ge [sflag:s15], $0x80  }
0x48d: {  	[sflag:s15] =	ssyncset.done $0x0  }
0x48e: {  	[sflag:s15] =	ssyncadd.s32 $0xFFFFFF80  }
0x48f: {  	_ =	swait.ge [sflag:s15], $0x80  }
0x490: {  	[sflag:s15] =	ssyncset.done $0x0  }
0x491: {  	[sflag:s15] =	ssyncadd.s32 $0xFFFFFF80  }
0x492: {  	_ =	swait.ge [sflag:s15], $0x80  }
0x493: {  	[sflag:s15] =	ssyncset.done $0x0  }
0x494: {  	[sflag:s15] =	ssyncadd.s32 $0xFFFFFF80  }
0x495: {  	_ =	swait.ge [sflag:s15], $0x80  }
0x496: {  	[sflag:s15] =	ssyncset.done $0x0  }
0x497: {  	[sflag:s15] =	ssyncadd.s32 $0xFFFFFF80  }
0x498: {  	_ =	swait.ge [sflag:s15], $0x80  }
0x499: {  	s20 =	sld [smem:$0x7F4]  }
0x49a: {  	s21 =	sld [smem:$0x7F5]  }
0x49b: {  	[sflag:s15] =	ssyncset.done $0x0  }
0x49c: {  	s22 =	simm.s32 $0xA;
	s19 =	rddreg [dreg:$0x1b];
	[sflag:s15] =	ssyncadd.s32 $0xFFFFFF80  }
0x49d: {  	[hbm:s19], [sflag:s20] =	dma.local [spmem:s21], $0x800  }
0x49e: {  	_ =	swait.ge [sflag:s22], $0x800  }
0x49f: {  	[sflag:s22] =	ssyncset.done $0x0  }
0x4a0: {  	[sflag:s22] =	ssyncadd.s32 $0xFFFFF800  }
0x4a1: {  	s0 =	sld [smem:$0x3F0];
	_ =	sdelay $0x1  }
0x4a2: {  	s30 =	sld [smem:$0x7F7]  }
0x4a3: {  	s23 =	simm.s32 $0x0;
	s28 =	sshll.u32 s0, $0xA;
	s0 =	sshll.u32 s0, $0x7  }
0x4a4: {  	s2 =	sand.u32 $0x380, s23;
	s3 =	sand.u32 $0xFFFFE000, s28;
	s0 =	sand.u32 $0x380, s0  }
0x4a5: {  	s2 =	sadd.s32 s2, s30;
	s0 =	sor.u32 s0, s3  }
0x4a6: {  	s2 =	sadd.s32 $0xC0000, s2;
	s0 =	sshrl.u32 s0, $0x3  }
0x4a7: {  	s2 =	sshrl.u32 s2, $0x3;
	s0 =	sadd.s32 s1, s0  }
0x4a8: {  	[spmem:s2@s16], [sflag:s14] =	dma.strided [hbm:s0@s16], $0x80, s15, $0x10   }
0x4a9: {  	s5 =	simm.s32 $0x100;
	s6 =	sld [smem:$0x3F1]  }
0x4aa: {  	s0 =	simm.s32 $0x80;
	s2 =	simm.s32 $0x3F1;
	s3 =	rddreg [dreg:$0x8]  }
.LBB2_34:
0x4ab: {  	p0 =	sne.s32 s5, $0x780  }
0x4ac: {  	s7 =	sand.u32 $0x380, s0;
	s3 =	sadd.s32 $0x400, s3;
	s0 =	smov.u32 s5  }
0x4ad: {  	s9 =	sand.u32 $0x3E000, s3;
	s8 =	sshll.u32 s6, $0xA;
	s6 =	sshll.u32 s6, $0x7  }
0x4ae: {  	s9 =	sadd.s32 s9, s4;
	s8 =	sand.u32 $0xFFFFE000, s8;
	s6 =	sand.u32 $0x380, s6  }
.Ltmp16:
0x4af: {  	s7 =	sadd.s32 s7, s9;
	s6 =	sor.u32 s6, s8;
	(pc) =	sbr.rel @p0 .LBB2_34-.Ltmp16, $4  }
0x4b0: {  	s7 =	sadd.s32 $0xC0000, s7;
	s6 =	sshrl.u32 s6, $0x3  }
0x4b1: {  	s2 =	sadd.s32 $0x1, s2;
	s7 =	sshrl.u32 s7, $0x3;
	s6 =	sadd.s32 s1, s6  }
0x4b2: {  	[spmem:s7@s16], [sflag:s14] =	dma.strided [hbm:s6@s16], $0x80, s15, $0x10   }
0x4b3: {  	s5 =	sadd.s32 $0x80, s5;
	s6 =	sld [smem:s2+$0x0]  }
0x4b4: {  	_ = 	snop  }
0x4b5: {  	s0 =	sand.u32 $0x380, s0;
	s2 =	sadd.s32 $0x400, s3  }
0x4b6: {  	s2 =	sand.u32 $0x3E000, s2;
	s30 =	sshll.u32 s6, $0xA;
	s5 =	sshll.u32 s6, $0x7  }
0x4b7: {  	s2 =	sadd.s32 s2, s4;
	s3 =	sand.u32 $0xFFFFE000, s30;
	s5 =	sand.u32 $0x380, s5  }
0x4b8: {  	s0 =	sadd.s32 s0, s2;
	s3 =	sor.u32 s5, s3  }
0x4b9: {  	s0 =	sadd.s32 $0xC0000, s0;
	s6 =	sshrl.u32 s3, $0x3  }
0x4ba: {  	s0 =	sshrl.u32 s0, $0x3;
	s2 =	sadd.s32 s1, s6  }
0x4bb: {  	[spmem:s0@s16], [sflag:s14] =	dma.strided [hbm:s2@s16], $0x80, s15, $0x10   }
0x4bc: {  	_ =	swait.ge [sflag:s24], $0x80  }
0x4bd: {  	[sflag:s24] =	ssyncset.done $0x0  }
0x4be: {  	[sflag:s24] =	ssyncadd.s32 $0xFFFFFF80  }
0x4bf: {  	_ =	swait.ge [sflag:s24], $0x80  }
0x4c0: {  	[sflag:s24] =	ssyncset.done $0x0  }
0x4c1: {  	[sflag:s24] =	ssyncadd.s32 $0xFFFFFF80  }
0x4c2: {  	_ =	swait.ge [sflag:s24], $0x80  }
0x4c3: {  	[sflag:s24] =	ssyncset.done $0x0  }
0x4c4: {  	[sflag:s24] =	ssyncadd.s32 $0xFFFFFF80  }
0x4c5: {  	_ =	swait.ge [sflag:s24], $0x80  }
0x4c6: {  	[sflag:s24] =	ssyncset.done $0x0  }
0x4c7: {  	[sflag:s24] =	ssyncadd.s32 $0xFFFFFF80  }
0x4c8: {  	_ =	swait.ge [sflag:s24], $0x80  }
0x4c9: {  	[sflag:s24] =	ssyncset.done $0x0  }
0x4ca: {  	[sflag:s24] =	ssyncadd.s32 $0xFFFFFF80  }
0x4cb: {  	_ =	swait.ge [sflag:s24], $0x80  }
0x4cc: {  	[sflag:s24] =	ssyncset.done $0x0  }
0x4cd: {  	[sflag:s24] =	ssyncadd.s32 $0xFFFFFF80  }
0x4ce: {  	_ =	swait.ge [sflag:s24], $0x80  }
0x4cf: {  	[sflag:s24] =	ssyncset.done $0x0  }
0x4d0: {  	[sflag:s24] =	ssyncadd.s32 $0xFFFFFF80  }
0x4d1: {  	_ =	swait.ge [sflag:s24], $0x80  }
0x4d2: {  	[sflag:s24] =	ssyncset.done $0x0  }
0x4d3: {  	[sflag:s24] =	ssyncadd.s32 $0xFFFFFF80  }
0x4d4: {  	_ =	swait.ge [sflag:s24], $0x80  }
0x4d5: {  	[sflag:s24] =	ssyncset.done $0x0  }
0x4d6: {  	[sflag:s24] =	ssyncadd.s32 $0xFFFFFF80  }
0x4d7: {  	_ =	swait.ge [sflag:s24], $0x80  }
0x4d8: {  	[sflag:s24] =	ssyncset.done $0x0  }
0x4d9: {  	[sflag:s24] =	ssyncadd.s32 $0xFFFFFF80  }
0x4da: {  	_ =	swait.ge [sflag:s24], $0x80  }
0x4db: {  	[sflag:s24] =	ssyncset.done $0x0  }
0x4dc: {  	[sflag:s24] =	ssyncadd.s32 $0xFFFFFF80  }
0x4dd: {  	_ =	swait.ge [sflag:s24], $0x80  }
0x4de: {  	[sflag:s24] =	ssyncset.done $0x0  }
0x4df: {  	[sflag:s24] =	ssyncadd.s32 $0xFFFFFF80  }
0x4e0: {  	_ =	swait.ge [sflag:s24], $0x80  }
0x4e1: {  	[sflag:s24] =	ssyncset.done $0x0  }
0x4e2: {  	[sflag:s24] =	ssyncadd.s32 $0xFFFFFF80  }
0x4e3: {  	_ =	swait.ge [sflag:s24], $0x80  }
0x4e4: {  	[sflag:s24] =	ssyncset.done $0x0  }
0x4e5: {  	[sflag:s24] =	ssyncadd.s32 $0xFFFFFF80  }
0x4e6: {  	_ =	swait.ge [sflag:s24], $0x80  }
0x4e7: {  	[sflag:s24] =	ssyncset.done $0x0  }
0x4e8: {  	[sflag:s24] =	ssyncadd.s32 $0xFFFFFF80  }
0x4e9: {  	_ =	swait.ge [sflag:s24], $0x80  }
0x4ea: {  	s8 =	sld [smem:$0x7F2]  }
0x4eb: {  	s9 =	sld [smem:$0x7F3]  }
0x4ec: {  	[sflag:s24] =	ssyncset.done $0x0  }
0x4ed: {  	s10 =	simm.s32 $0xB;
	s7 =	rddreg [dreg:$0x1c];
	[sflag:s24] =	ssyncadd.s32 $0xFFFFFF80  }
0x4ee: {  	[hbm:s7], [sflag:s8] =	dma.local [spmem:s9], $0x800  }
0x4ef: {  	_ =	swait.ge [sflag:s10], $0x800  }
0x4f0: {  	[sflag:s10] =	ssyncset.done $0x0  }
0x4f1: {  	[sflag:s10] =	ssyncadd.s32 $0xFFFFF800  }
0x4f2: {  	_ =	swait.ge [sflag:s25], $0x80  }
0x4f3: {  	[sflag:s25] =	ssyncset.done $0x0  }
0x4f4: {  	[sflag:s25] =	ssyncadd.s32 $0xFFFFFF80  }
0x4f5: {  	_ =	swait.ge [sflag:s25], $0x80  }
0x4f6: {  	[sflag:s25] =	ssyncset.done $0x0  }
0x4f7: {  	[sflag:s25] =	ssyncadd.s32 $0xFFFFFF80  }
0x4f8: {  	_ =	swait.ge [sflag:s25], $0x80  }
0x4f9: {  	[sflag:s25] =	ssyncset.done $0x0  }
0x4fa: {  	[sflag:s25] =	ssyncadd.s32 $0xFFFFFF80  }
0x4fb: {  	_ =	swait.ge [sflag:s25], $0x80  }
0x4fc: {  	[sflag:s25] =	ssyncset.done $0x0  }
0x4fd: {  	[sflag:s25] =	ssyncadd.s32 $0xFFFFFF80  }
0x4fe: {  	_ =	swait.ge [sflag:s25], $0x80  }
0x4ff: {  	[sflag:s25] =	ssyncset.done $0x0  }
0x500: {  	[sflag:s25] =	ssyncadd.s32 $0xFFFFFF80  }
0x501: {  	_ =	swait.ge [sflag:s25], $0x80  }
0x502: {  	[sflag:s25] =	ssyncset.done $0x0  }
0x503: {  	[sflag:s25] =	ssyncadd.s32 $0xFFFFFF80  }
0x504: {  	_ =	swait.ge [sflag:s25], $0x80  }
0x505: {  	[sflag:s25] =	ssyncset.done $0x0  }
0x506: {  	[sflag:s25] =	ssyncadd.s32 $0xFFFFFF80  }
0x507: {  	_ =	swait.ge [sflag:s25], $0x80  }
0x508: {  	[sflag:s25] =	ssyncset.done $0x0  }
0x509: {  	[sflag:s25] =	ssyncadd.s32 $0xFFFFFF80  }
0x50a: {  	_ =	swait.ge [sflag:s25], $0x80  }
0x50b: {  	[sflag:s25] =	ssyncset.done $0x0  }
0x50c: {  	[sflag:s25] =	ssyncadd.s32 $0xFFFFFF80  }
0x50d: {  	_ =	swait.ge [sflag:s25], $0x80  }
0x50e: {  	[sflag:s25] =	ssyncset.done $0x0  }
0x50f: {  	[sflag:s25] =	ssyncadd.s32 $0xFFFFFF80  }
0x510: {  	_ =	swait.ge [sflag:s25], $0x80  }
0x511: {  	[sflag:s25] =	ssyncset.done $0x0  }
0x512: {  	[sflag:s25] =	ssyncadd.s32 $0xFFFFFF80  }
0x513: {  	_ =	swait.ge [sflag:s25], $0x80  }
0x514: {  	[sflag:s25] =	ssyncset.done $0x0  }
0x515: {  	[sflag:s25] =	ssyncadd.s32 $0xFFFFFF80  }
0x516: {  	_ =	swait.ge [sflag:s25], $0x80  }
0x517: {  	[sflag:s25] =	ssyncset.done $0x0  }
0x518: {  	[sflag:s25] =	ssyncadd.s32 $0xFFFFFF80  }
0x519: {  	_ =	swait.ge [sflag:s25], $0x80  }
0x51a: {  	[sflag:s25] =	ssyncset.done $0x0  }
0x51b: {  	[sflag:s25] =	ssyncadd.s32 $0xFFFFFF80  }
0x51c: {  	_ =	swait.ge [sflag:s25], $0x80  }
0x51d: {  	[sflag:s25] =	ssyncset.done $0x0  }
0x51e: {  	[sflag:s25] =	ssyncadd.s32 $0xFFFFFF80  }
0x51f: {  	_ =	swait.ge [sflag:s25], $0x80  }
0x520: {  	s12 =	sld [smem:$0x7F0]  }
0x521: {  	s14 =	sld [smem:$0x7F1]  }
0x522: {  	[sflag:s25] =	ssyncset.done $0x0  }
0x523: {  	s18 =	simm.s32 $0xC;
	s11 =	rddreg [dreg:$0x1d];
	[sflag:s25] =	ssyncadd.s32 $0xFFFFFF80  }
0x524: {  	[hbm:s11], [sflag:s12] =	dma.local [spmem:s14], $0x800  }
0x525: {  	_ =	swait.ge [sflag:s18], $0x800  }
0x526: {  	[sflag:s18] =	ssyncset.done $0x0  }
0x527: {  	[sflag:s18] =	ssyncadd.s32 $0xFFFFF800  }
0x528: {  	_ =	swait.ge [sflag:s26], $0x80  }
0x529: {  	[sflag:s26] =	ssyncset.done $0x0  }
0x52a: {  	[sflag:s26] =	ssyncadd.s32 $0xFFFFFF80  }
0x52b: {  	_ =	swait.ge [sflag:s26], $0x80  }
0x52c: {  	[sflag:s26] =	ssyncset.done $0x0  }
0x52d: {  	[sflag:s26] =	ssyncadd.s32 $0xFFFFFF80  }
0x52e: {  	_ =	swait.ge [sflag:s26], $0x80  }
0x52f: {  	[sflag:s26] =	ssyncset.done $0x0  }
0x530: {  	[sflag:s26] =	ssyncadd.s32 $0xFFFFFF80  }
0x531: {  	_ =	swait.ge [sflag:s26], $0x80  }
0x532: {  	[sflag:s26] =	ssyncset.done $0x0  }
0x533: {  	[sflag:s26] =	ssyncadd.s32 $0xFFFFFF80  }
0x534: {  	_ =	swait.ge [sflag:s26], $0x80  }
0x535: {  	[sflag:s26] =	ssyncset.done $0x0  }
0x536: {  	[sflag:s26] =	ssyncadd.s32 $0xFFFFFF80  }
0x537: {  	_ =	swait.ge [sflag:s26], $0x80  }
0x538: {  	[sflag:s26] =	ssyncset.done $0x0  }
0x539: {  	[sflag:s26] =	ssyncadd.s32 $0xFFFFFF80  }
0x53a: {  	_ =	swait.ge [sflag:s26], $0x80  }
0x53b: {  	[sflag:s26] =	ssyncset.done $0x0  }
0x53c: {  	[sflag:s26] =	ssyncadd.s32 $0xFFFFFF80  }
0x53d: {  	_ =	swait.ge [sflag:s26], $0x80  }
0x53e: {  	[sflag:s26] =	ssyncset.done $0x0  }
0x53f: {  	[sflag:s26] =	ssyncadd.s32 $0xFFFFFF80  }
0x540: {  	_ =	swait.ge [sflag:s26], $0x80  }
0x541: {  	[sflag:s26] =	ssyncset.done $0x0  }
0x542: {  	[sflag:s26] =	ssyncadd.s32 $0xFFFFFF80  }
0x543: {  	_ =	swait.ge [sflag:s26], $0x80  }
0x544: {  	[sflag:s26] =	ssyncset.done $0x0  }
0x545: {  	[sflag:s26] =	ssyncadd.s32 $0xFFFFFF80  }
0x546: {  	_ =	swait.ge [sflag:s26], $0x80  }
0x547: {  	[sflag:s26] =	ssyncset.done $0x0  }
0x548: {  	[sflag:s26] =	ssyncadd.s32 $0xFFFFFF80  }
0x549: {  	_ =	swait.ge [sflag:s26], $0x80  }
0x54a: {  	[sflag:s26] =	ssyncset.done $0x0  }
0x54b: {  	[sflag:s26] =	ssyncadd.s32 $0xFFFFFF80  }
0x54c: {  	_ =	swait.ge [sflag:s26], $0x80  }
0x54d: {  	[sflag:s26] =	ssyncset.done $0x0  }
0x54e: {  	[sflag:s26] =	ssyncadd.s32 $0xFFFFFF80  }
0x54f: {  	_ =	swait.ge [sflag:s26], $0x80  }
0x550: {  	[sflag:s26] =	ssyncset.done $0x0  }
0x551: {  	[sflag:s26] =	ssyncadd.s32 $0xFFFFFF80  }
0x552: {  	_ =	swait.ge [sflag:s26], $0x80  }
0x553: {  	[sflag:s26] =	ssyncset.done $0x0  }
0x554: {  	[sflag:s26] =	ssyncadd.s32 $0xFFFFFF80  }
0x555: {  	_ =	swait.ge [sflag:s26], $0x80  }
0x556: {  	[sflag:s26] =	ssyncset.done $0x0  }
0x557: {  	s20 =	simm.s32 $0x7;
	s19 =	rddreg [dreg:$0x1e];
	[sflag:s26] =	ssyncadd.s32 $0xFFFFFF80  }
0x558: {  	[hbm:s19], [sflag:s13] =	dma.local [spmem:s17], $0x800  }
0x559: {  	_ =	swait.ge [sflag:s20], $0x800  }
0x55a: {  	[sflag:s20] =	ssyncset.done $0x0  }
0x55b: {  	s21 =	simm.s32 $0x8;
	[sflag:s20] =	ssyncadd.s32 $0xFFFFF800  }
0x55c: {  	_ =	swait.ge [sflag:s21], $0x800  }
0x55d: {  	[sflag:s21] =	ssyncset.done $0x0  }
0x55e: {  	s22 =	simm.s32 $0x9;
	[sflag:s21] =	ssyncadd.s32 $0xFFFFF800  }
0x55f: {  	_ =	swait.ge [sflag:s22], $0x800  }
0x560: {  	[sflag:s22] =	ssyncset.done $0x0  }
0x561: {  	s23 =	simm.s32 $0xA;
	[sflag:s22] =	ssyncadd.s32 $0xFFFFF800  }
0x562: {  	_ =	swait.ge [sflag:s23], $0x800  }
0x563: {  	s28 =	sld [smem:$0x7F6];
	_ =	sdelay $0x2  }
0x564: {  	s30 =	rddreg [dreg:$0x19];
	s3 =	sadd.s32 $0x1, s28  }
0x565: {  	p0 =	sne.s32 s3, s30  }
.Ltmp17:
0x566: {  	_ = 	snop;
	(pc) =	sbr.rel @p0 .LBB2_1-.Ltmp17, $3  }
0x567: {  	_ =	sdelay $0x1  }
0x568: {  	[sflag:s23] =	ssyncset.done $0x0  }
0x569: {  	[sflag:s23] =	ssyncadd.s32 $0xFFFFF800  }
0x56a: {  	_ =	sfence.sel $0x180000  }
0x56b: {  	[bflag:$0x0] =	sbarrier.arrive $0xFFFF  }
0x56c: {  	_ =	strace $0x90000047  }
0x56d: {  	s0 =	stileid.u32;
	[bflag:$0x2] =	sbarrier.arrive $0xFFFF  }
0x56e: {  	p0 =	sne.s32 s0, $0x0;
	s0 =	rddreg [dreg:$0x5]  }
0x56f: {  	s0 =	sadd.s32 @!p0 $0x100000, s0  }
0x570: {  	[sflag:s0] =	ssyncadd.tile.s32 @!p0 $0x1;
	_ =	shalt  }
.Lfunc_end2:
_tile_overlayer_lowered:
.L_overlay_start_2:
0x571: {  	(tag) =	ssettag $0x2  }
0x572: {  	s0 =	rddreg [dreg:$0x0];
	s2 =	stileid.u32  }
0x573: {  	s1 =	rddreg [dreg:$0x1];
	p0 =	sne.s32 s2, $0x0  }
0x574: {  	s3 =	rddreg [dreg:$0x2];
	[bflag:$0x3] =	sbarrier.arrive $0xFFFF;
	s2 =	simm.s32 @!p0 $0x1C0D  }
0x575: {  	[timem:s3], [sflag:s2] =	dma.local @!p0 [hbm:s0], s1  }
0x576: {  	s0 =	simm.s32 @!p0 $0xD  }
0x577: {  	_ =	swait.ge @!p0 [sflag:s0], s1  }
0x578: {  	s1 =	ssub.s32 @!p0 $0x0, s1;
	[sflag:s0] =	ssyncset.done @!p0 $0x0  }
0x579: {  	[sflag:s0] =	ssyncadd.s32 @!p0 s1  }
0x57a: {  	[bflag:$0x3] =	sbarrier.arrive $0xFFFF  }
0x57b: {  	_ =	shalt  }

</sc_bundles>
